<compile_context>
chip_gen: v7x
topology: tpu7x:2x2x1
jax: 0.10.2.dev20260603
libtpu: 0.0.44.dev20260713+nightly
codegen_flags: <defaults>
</compile_context>

<pallas_src>
import numpy as np
import jax
import jax.numpy as jnp
from jax import lax
from jax.experimental import pallas as pl
from jax.experimental.pallas import tpu as pltpu
from jax.experimental.pallas import tpu_sc as plsc

N_MEM_C = 1000000
B_C = 4096
TWOB_C = 8192
ALPHA_C = np.float32(0.5)

_MOM = np.float32(N_MEM_C) / (np.float32(N_MEM_C) + np.float32(B_C))
_ONE_MINUS_MOM = np.float32(1.0) - _MOM


SC_ROWS = 256
TC_ROWS = B_C - SC_ROWS


RED_ROWS = 256
RED_G = TC_ROWS // RED_ROWS
RED_OFF = SC_ROWS // RED_ROWS


def _reduce_body(qii_ref, qij_ref, qji_ref, sums_ref, acc_ref):
    step = pl.program_id(0)

    @pl.when(step == 0)
    def _init():
        acc_ref[0, 0] = jnp.float32(0.0)

    acc_ref[0, 0] += jnp.sum(qij_ref[...]) + jnp.sum(qji_ref[...])

    @pl.when(step == RED_G - 1)
    def _finish():
        s = acc_ref[0, 0]
        sii = jnp.sum(qii_ref[...])
        for j in range(16):
            sums_ref[j] = s
            sums_ref[16 + j] = sii


def _reduce_tc(qii2d, qij, qji):
    return pl.pallas_call(
        _reduce_body,
        grid=(RED_G,),
        in_specs=[
            pl.BlockSpec((32, 128), lambda i: (0, 0)),
            pl.BlockSpec((RED_ROWS, TWOB_C), lambda i: (i + RED_OFF, 0)),
            pl.BlockSpec((RED_ROWS, TWOB_C), lambda i: (i + RED_OFF, 0)),
        ],
        out_specs=pl.BlockSpec(memory_space=pltpu.SMEM),
        out_shape=jax.ShapeDtypeStruct((32,), jnp.float32),
        scratch_shapes=[pltpu.SMEM((1, 1), jnp.float32)],
    )(qii2d, qij, qji)



NC = 2
NS = 16
NW = NC * NS
L = 16
PERW = B_C // NW
CHUNK = 31264
TAIL = N_MEM_C - (NW - 1) * CHUNK
ROWS_PW = SC_ROWS // NS
CROWS = 4
NCHK = ROWS_PW // CROWS

_SC_PARAMS = pltpu.CompilerParams(needs_layout_passes=False)


def _accum_chunk(band_v, accs):
    def vec4(i, a):
        a0, a1, a2, a3 = a
        o = pl.multiple_of(i * (4 * L), L)
        r = i // (TWOB_C // (4 * L))
        oc = o % TWOB_C
        a0 = a0 + band_v[r, pl.ds(oc, L)]
        a1 = a1 + band_v[r, pl.ds(oc + L, L)]
        a2 = a2 + band_v[r, pl.ds(oc + 2 * L, L)]
        a3 = a3 + band_v[r, pl.ds(oc + 3 * L, L)]
        return (a0, a1, a2, a3)

    return lax.fori_loop(0, CROWS * TWOB_C // (4 * L), vec4, accs, unroll=2)


def _reduce_slice(q_hbm, lane, bufs, sems, st_v, part_hbm, wid):
    r0 = lane * ROWS_PW
    pltpu.async_copy(q_hbm.at[pl.ds(r0, CROWS), :], bufs[0], sems[0])
    accs = (jnp.zeros((L,), jnp.float32),) * 4
    for k in range(NCHK):
        if k + 1 < NCHK:
            pltpu.async_copy(
                q_hbm.at[pl.ds(r0 + (k + 1) * CROWS, CROWS), :],
                bufs[(k + 1) % 2], sems[(k + 1) % 2])
        pltpu.make_async_copy(
            q_hbm.at[pl.ds(r0 + k * CROWS, CROWS), :],
            bufs[k % 2], sems[k % 2]).wait()
        accs = _accum_chunk(bufs[k % 2], accs)
    tot = (accs[0] + accs[1]) + (accs[2] + accs[3])
    st_v[...] = tot
    pltpu.sync_copy(st_v, part_hbm.at[pl.ds(wid * L, L)])


def _front_body(idx_hbm, sinv_hbm, qij_hbm, qji_hbm, out_hbm, pg_hbm, part_hbm,
                buf_v, band0_v, band1_v, idx_v, pg_v, st_v, sem, semA, semB):
    cid = lax.axis_index("c")
    sid = lax.axis_index("s")
    wid = sid * NC + cid

    base = pl.multiple_of(wid * PERW, 8)
    pltpu.sync_copy(idx_hbm.at[pl.ds(base, PERW)], idx_v)
    pltpu.async_copy(sinv_hbm.at[idx_v], pg_v, sem).wait()
    for j in range(PERW // L):
        pg_v[pl.ds(j * L, L)] = pg_v[pl.ds(j * L, L)] * jnp.float32(_ONE_MINUS_MOM)
    pltpu.sync_copy(pg_v, pg_hbm.at[pl.ds(base, PERW)])

    @pl.when(wid < NS)
    def _red_ij():
        _reduce_slice(qij_hbm, wid, (band0_v, band1_v), (semA, semB),
                      st_v, part_hbm, wid)

    @pl.when(wid >= NS)
    def _red_ji():
        _reduce_slice(qji_hbm, wid - NS, (band0_v, band1_v), (semA, semB),
                      st_v, part_hbm, wid)

    cbase = pl.multiple_of(wid * CHUNK, 8)

    @pl.when(wid < NW - 1)
    def _copy_main():
        pltpu.sync_copy(sinv_hbm.at[pl.ds(cbase, CHUNK)], buf_v.at[pl.ds(0, CHUNK)])
        pltpu.sync_copy(buf_v.at[pl.ds(0, CHUNK)], out_hbm.at[pl.ds(cbase, CHUNK)])

    @pl.when(wid == NW - 1)
    def _copy_tail():
        pltpu.sync_copy(sinv_hbm.at[pl.ds(cbase, TAIL)], buf_v.at[pl.ds(0, TAIL)])
        pltpu.sync_copy(buf_v.at[pl.ds(0, TAIL)], out_hbm.at[pl.ds(cbase, TAIL)])


def _sc_front(idx32, s_inv, qij, qji, out_ref):
    mesh = plsc.VectorSubcoreMesh(core_axis_name="c", subcore_axis_name="s")
    f = pl.kernel(
        _front_body,
        out_type=(
            jax.ShapeDtypeStruct((B_C,), jnp.float32),
            jax.ShapeDtypeStruct((NW * L,), jnp.float32),
        ),
        mesh=mesh,
        scratch_types=[
            pltpu.VMEM((CHUNK,), jnp.float32),
            pltpu.VMEM((CROWS, TWOB_C), jnp.float32),
            pltpu.VMEM((CROWS, TWOB_C), jnp.float32),
            pltpu.VMEM((PERW,), jnp.int32),
            pltpu.VMEM((PERW,), jnp.float32),
            pltpu.VMEM((L,), jnp.float32),
            pltpu.SemaphoreType.DMA,
            pltpu.SemaphoreType.DMA,
            pltpu.SemaphoreType.DMA,
        ],
        compiler_params=_SC_PARAMS,
    )
    return f(idx32, s_inv, qij, qji, out_ref)


def _finish_body(idx_hbm, pg_hbm, sums_hbm, part_hbm, out_hbm,
                 idx_v, pg_v, sums_v, part_v, sem0, sem1, sem2):
    cid = lax.axis_index("c")
    sid = lax.axis_index("s")
    wid = sid * NC + cid
    base = pl.multiple_of(wid * PERW, 8)
    cp0 = pltpu.async_copy(idx_hbm.at[pl.ds(base, PERW)], idx_v, sem0)
    cp1 = pltpu.async_copy(pg_hbm.at[pl.ds(base, PERW)], pg_v, sem1)
    cp2 = pltpu.async_copy(sums_hbm, sums_v, sem2)
    cp3 = pltpu.async_copy(part_hbm, part_v, sem2)
    cp0.wait()
    cp1.wait()
    cp2.wait()
    cp3.wait()

    p = part_v[pl.ds(0, L)]
    for k in range(1, NW):
        p = p + part_v[pl.ds(k * L, L)]
    s_sc = lax.reduce_sum(p, axes=(0,))
    s_tc = sums_v[pl.ds(0, L)][0]
    sii = sums_v[pl.ds(L, L)][0]
    nf = jnp.float32(N_MEM_C)
    alpha = jnp.float32(ALPHA_C)
    inv4b = jnp.float32(1.0 / (4.0 * B_C))
    invb = jnp.float32(1.0 / B_C)
    s = s_tc + s_sc
    xi = alpha * sii + (jnp.float32(1.0) - alpha) * (s * inv4b)
    c = jnp.float32(_MOM) * nf * (xi * invb)
    cvec = jnp.broadcast_to(c, (L,))

    for j in range(PERW // L):
        pg_v[pl.ds(j * L, L)] = pg_v[pl.ds(j * L, L)] + cvec
    pltpu.async_copy(pg_v, out_hbm.at[idx_v], sem0).wait()


def _sc_finish(idx32, pg, sums, part, out_ref):
    mesh = plsc.VectorSubcoreMesh(core_axis_name="c", subcore_axis_name="s")
    f = pl.kernel(
        _finish_body,
        out_type=(),
        mesh=mesh,
        scratch_types=[
            pltpu.VMEM((PERW,), jnp.int32),
            pltpu.VMEM((PERW,), jnp.float32),
            pltpu.VMEM((2 * L,), jnp.float32),
            pltpu.VMEM((NW * L,), jnp.float32),
            pltpu.SemaphoreType.DMA,
            pltpu.SemaphoreType.DMA,
            pltpu.SemaphoreType.DMA,
        ],
        compiler_params=_SC_PARAMS,
    )
    f(idx32, pg, sums, part, out_ref)


def kernel(qii, qij, qji, feats_idx, s_inv):
    idx32 = feats_idx.astype(jnp.int32)
    out_ref = jax.empty_ref(jax.ShapeDtypeStruct((N_MEM_C,), jnp.float32))
    pg, part = _sc_front(idx32, s_inv, qij, qji, out_ref)
    qii2d = qii.reshape(32, 128)
    sums = _reduce_tc(qii2d, qij, qji)
    _sc_finish(idx32, pg, sums, part, out_ref)
    return out_ref[...]

# --- scband reference (transcript-rebuilt; emitter-appended) ---
"""Pipeline reference for scband-sceclrbase-72541997629723 (READ-ONLY COPY).

The authoritative reference and input builder live on the scoring server;
editing this copy changes nothing except your own understanding.
"""

import jax, jax.numpy as jnp
import numpy as np

N_MEM = 1000000
ALPHA = 0.5
RHO = -1.0
S_INIT = 1.0

def setup_inputs(seed: int = 0) -> dict:
    key = jax.random.key(seed)
    k1, k2, k3, k4 = jax.random.split(key, 4)
    B = 4096
    qii = jax.random.uniform(k1, (B,), dtype=jnp.float32)
    qij = jax.random.uniform(k2, (B, 2 * B), dtype=jnp.float32)
    qji = jax.random.uniform(k3, (B, 2 * B), dtype=jnp.float32)
    feats_idx = jax.random.randint(k4, (B,), 0, N_MEM, dtype=jnp.int64) if jax.config.jax_enable_x64 else jax.random.randint(k4, (B,), 0, N_MEM, dtype=jnp.int32)
    s_inv = jnp.zeros((N_MEM,), dtype=jnp.float32) + jnp.float32(N_MEM ** S_INIT)
    return {"qii": qii, "qij": qij, "qji": qji, "feats_idx": feats_idx, "s_inv": s_inv}

def reference(qii, qij, qji, feats_idx, s_inv):
    sg = jax.lax.stop_gradient
    B = feats_idx.shape[0]
    Nf = jnp.float32(N_MEM)
    alpha = jnp.float32(ALPHA)
    # buffers updated as in torch update_s (no_grad semantics -> stop_gradient)
    qii_mean = jnp.mean(qii)
    qij_mean = (jnp.mean(qij) + jnp.mean(qji)) / 2.0
    xi = jnp.zeros((B,), dtype=jnp.float32)
    omega = jnp.zeros((B,), dtype=jnp.float32)
    xi = xi + jnp.sum(alpha * sg(qii))
    omega = omega + alpha * B
    qij_hat = (jnp.sum(sg(qij), axis=1) + jnp.sum(sg(qji), axis=1)) / (2.0 * 2.0 * B)
    xi = xi + jnp.sum((1.0 - alpha) * qij_hat)
    omega = omega + (1.0 - alpha) * B
    momentum = Nf / (Nf + omega)  # rho < 0 branch
    weighted_sum_count = xi / omega
    gathered = jnp.take(s_inv, feats_idx, axis=0)
    new_vals = (1.0 - momentum) * gathered + momentum * Nf * weighted_sum_count
    s_inv_new = s_inv.at[feats_idx].set(new_vals)
    return s_inv_new

if __name__ == "__main__":
    import jax
    _d = setup_inputs()
    print(jax.jit(kernel)(*tuple(_d.values())))

</pallas_src>

<mosaic_0001>
#map = affine_map<(d0, d1) -> (0)>
module attributes {stable_mosaic.version = 14 : i64} {
  func.func @new_body(%arg0: i32, %arg1: i32, %arg2: memref<4096xi32, #tpu.memory_space<hbm>>, %arg3: memref<4096xf32, #tpu.memory_space<hbm>>, %arg4: memref<32xf32, #tpu.memory_space<hbm>>, %arg5: memref<512xf32, #tpu.memory_space<hbm>>, %arg6: memref<1000000xf32, #tpu.memory_space<hbm>>, %arg7: memref<1000000xf32, #tpu.memory_space<hbm>>, %arg8: memref<128xi32, #tpu.memory_space<vmem>>, %arg9: memref<128xf32, #tpu.memory_space<vmem>>, %arg10: memref<32xf32, #tpu.memory_space<vmem>>, %arg11: memref<512xf32, #tpu.memory_space<vmem>>, %arg12: memref<!tpu.dma_semaphore, #tpu.memory_space<semaphore_mem>>, %arg13: memref<!tpu.dma_semaphore, #tpu.memory_space<semaphore_mem>>, %arg14: memref<!tpu.dma_semaphore, #tpu.memory_space<semaphore_mem>>) attributes {dimension_semantics = [#tpu.dimension_semantics<core_parallel>, #tpu.dimension_semantics<subcore_parallel>], iteration_bounds = array<i64: 2, 16>, scalar_prefetch = 0 : i64, scratch_operands = 7 : i64, tpu.core_type = #tpu.core_type<sc_vector_subcore>, window_params = [{transform_indices = #map}, {transform_indices = #map}, {transform_indices = #map}, {transform_indices = #map}, {transform_indices = #map}, {transform_indices = #map}]} {
    %mul3A = arith.constant 2 : i32
    %mul3A_0 = arith.muli %arg1, %mul3A : i32
    %add3A = arith.addi %mul3A_0, %arg0 : i32
    %mul3A_1 = arith.constant 128 : i32
    %mul3A_2 = arith.muli %add3A, %mul3A_1 : i32
    %multiple_of3A = tpu.assume_multiple %mul3A_2, 8 : i32
    %dma_start3A = tpu.memref_slice %arg2[%multiple_of3A] : memref<4096xi32, #tpu.memory_space<hbm>> -> memref<128xi32, #tpu.memory_space<hbm>>
    %dma_start3A_3 = tpu.memref_slice %arg2[%multiple_of3A] : memref<4096xi32, #tpu.memory_space<hbm>> -> memref<128xi32, #tpu.memory_space<hbm>>
    tpu.enqueue_dma source(%dma_start3A_3 : memref<128xi32, #tpu.memory_space<hbm>>) target(%arg8 : memref<128xi32, #tpu.memory_space<vmem>>) target_semaphore(%arg12 : memref<!tpu.dma_semaphore, #tpu.memory_space<semaphore_mem>>)
    %dma_start3A_4 = tpu.memref_slice %arg3[%multiple_of3A] : memref<4096xf32, #tpu.memory_space<hbm>> -> memref<128xf32, #tpu.memory_space<hbm>>
    %dma_start3A_5 = tpu.memref_slice %arg3[%multiple_of3A] : memref<4096xf32, #tpu.memory_space<hbm>> -> memref<128xf32, #tpu.memory_space<hbm>>
    tpu.enqueue_dma source(%dma_start3A_5 : memref<128xf32, #tpu.memory_space<hbm>>) target(%arg9 : memref<128xf32, #tpu.memory_space<vmem>>) target_semaphore(%arg13 : memref<!tpu.dma_semaphore, #tpu.memory_space<semaphore_mem>>)
    tpu.enqueue_dma source(%arg4 : memref<32xf32, #tpu.memory_space<hbm>>) target(%arg10 : memref<32xf32, #tpu.memory_space<vmem>>) target_semaphore(%arg14 : memref<!tpu.dma_semaphore, #tpu.memory_space<semaphore_mem>>)
    tpu.enqueue_dma source(%arg5 : memref<512xf32, #tpu.memory_space<hbm>>) target(%arg11 : memref<512xf32, #tpu.memory_space<vmem>>) target_semaphore(%arg14 : memref<!tpu.dma_semaphore, #tpu.memory_space<semaphore_mem>>)
    %dma_wait3A = tpu.memref_slice %arg2[%multiple_of3A] : memref<4096xi32, #tpu.memory_space<hbm>> -> memref<128xi32, #tpu.memory_space<hbm>>
    %dma_wait3A_6 = tpu.memref_slice %arg2[%multiple_of3A] : memref<4096xi32, #tpu.memory_space<hbm>> -> memref<128xi32, #tpu.memory_space<hbm>>
    tpu.wait_dma2 semaphore(%arg12 : memref<!tpu.dma_semaphore, #tpu.memory_space<semaphore_mem>>) src(%dma_wait3A_6 : memref<128xi32, #tpu.memory_space<hbm>>) dst(%arg8 : memref<128xi32, #tpu.memory_space<vmem>>)
    %dma_wait3A_7 = tpu.memref_slice %arg3[%multiple_of3A] : memref<4096xf32, #tpu.memory_space<hbm>> -> memref<128xf32, #tpu.memory_space<hbm>>
    %dma_wait3A_8 = tpu.memref_slice %arg3[%multiple_of3A] : memref<4096xf32, #tpu.memory_space<hbm>> -> memref<128xf32, #tpu.memory_space<hbm>>
    tpu.wait_dma2 semaphore(%arg13 : memref<!tpu.dma_semaphore, #tpu.memory_space<semaphore_mem>>) src(%dma_wait3A_8 : memref<128xf32, #tpu.memory_space<hbm>>) dst(%arg9 : memref<128xf32, #tpu.memory_space<vmem>>)
    tpu.wait_dma2 semaphore(%arg14 : memref<!tpu.dma_semaphore, #tpu.memory_space<semaphore_mem>>) src(%arg4 : memref<32xf32, #tpu.memory_space<hbm>>) dst(%arg10 : memref<32xf32, #tpu.memory_space<vmem>>)
    tpu.wait_dma2 semaphore(%arg14 : memref<!tpu.dma_semaphore, #tpu.memory_space<semaphore_mem>>) src(%arg5 : memref<512xf32, #tpu.memory_space<hbm>>) dst(%arg11 : memref<512xf32, #tpu.memory_space<vmem>>)
    %get3A = arith.constant 0 : index
    %get3A_9 = tpu.vector_load %arg11[%get3A] {strides = array<i32>} : memref<512xf32, #tpu.memory_space<vmem>>, vector<16xf32>,
    %get3A_10 = arith.constant 16 : index
    %get3A_11 = tpu.vector_load %arg11[%get3A_10] {strides = array<i32>} : memref<512xf32, #tpu.memory_space<vmem>>, vector<16xf32>,
    %add3A_12 = arith.addf %get3A_9, %get3A_11 : vector<16xf32>
    %get3A_13 = arith.constant 32 : index
    %get3A_14 = tpu.vector_load %arg11[%get3A_13] {strides = array<i32>} : memref<512xf32, #tpu.memory_space<vmem>>, vector<16xf32>,
    %add3A_15 = arith.addf %add3A_12, %get3A_14 : vector<16xf32>
    %get3A_16 = arith.constant 48 : index
    %get3A_17 = tpu.vector_load %arg11[%get3A_16] {strides = array<i32>} : memref<512xf32, #tpu.memory_space<vmem>>, vector<16xf32>,
    %add3A_18 = arith.addf %add3A_15, %get3A_17 : vector<16xf32>
    %get3A_19 = arith.constant 64 : index
    %get3A_20 = tpu.vector_load %arg11[%get3A_19] {strides = array<i32>} : memref<512xf32, #tpu.memory_space<vmem>>, vector<16xf32>,
    %add3A_21 = arith.addf %add3A_18, %get3A_20 : vector<16xf32>
    %get3A_22 = arith.constant 80 : index
    %get3A_23 = tpu.vector_load %arg11[%get3A_22] {strides = array<i32>} : memref<512xf32, #tpu.memory_space<vmem>>, vector<16xf32>,
    %add3A_24 = arith.addf %add3A_21, %get3A_23 : vector<16xf32>
    %get3A_25 = arith.constant 96 : index
    %get3A_26 = tpu.vector_load %arg11[%get3A_25] {strides = array<i32>} : memref<512xf32, #tpu.memory_space<vmem>>, vector<16xf32>,
    %add3A_27 = arith.addf %add3A_24, %get3A_26 : vector<16xf32>
    %get3A_28 = arith.constant 112 : index
    %get3A_29 = tpu.vector_load %arg11[%get3A_28] {strides = array<i32>} : memref<512xf32, #tpu.memory_space<vmem>>, vector<16xf32>,
    %add3A_30 = arith.addf %add3A_27, %get3A_29 : vector<16xf32>
    %get3A_31 = arith.constant 128 : index
    %get3A_32 = tpu.vector_load %arg11[%get3A_31] {strides = array<i32>} : memref<512xf32, #tpu.memory_space<vmem>>, vector<16xf32>,
    %add3A_33 = arith.addf %add3A_30, %get3A_32 : vector<16xf32>
    %get3A_34 = arith.constant 144 : index
    %get3A_35 = tpu.vector_load %arg11[%get3A_34] {strides = array<i32>} : memref<512xf32, #tpu.memory_space<vmem>>, vector<16xf32>,
    %add3A_36 = arith.addf %add3A_33, %get3A_35 : vector<16xf32>
    %get3A_37 = arith.constant 160 : index
    %get3A_38 = tpu.vector_load %arg11[%get3A_37] {strides = array<i32>} : memref<512xf32, #tpu.memory_space<vmem>>, vector<16xf32>,
    %add3A_39 = arith.addf %add3A_36, %get3A_38 : vector<16xf32>
    %get3A_40 = arith.constant 176 : index
    %get3A_41 = tpu.vector_load %arg11[%get3A_40] {strides = array<i32>} : memref<512xf32, #tpu.memory_space<vmem>>, vector<16xf32>,
    %add3A_42 = arith.addf %add3A_39, %get3A_41 : vector<16xf32>
    %get3A_43 = arith.constant 192 : index
    %get3A_44 = tpu.vector_load %arg11[%get3A_43] {strides = array<i32>} : memref<512xf32, #tpu.memory_space<vmem>>, vector<16xf32>,
    %add3A_45 = arith.addf %add3A_42, %get3A_44 : vector<16xf32>
    %get3A_46 = arith.constant 208 : index
    %get3A_47 = tpu.vector_load %arg11[%get3A_46] {strides = array<i32>} : memref<512xf32, #tpu.memory_space<vmem>>, vector<16xf32>,
    %add3A_48 = arith.addf %add3A_45, %get3A_47 : vector<16xf32>
    %get3A_49 = arith.constant 224 : index
    %get3A_50 = tpu.vector_load %arg11[%get3A_49] {strides = array<i32>} : memref<512xf32, #tpu.memory_space<vmem>>, vector<16xf32>,
    %add3A_51 = arith.addf %add3A_48, %get3A_50 : vector<16xf32>
    %get3A_52 = arith.constant 240 : index
    %get3A_53 = tpu.vector_load %arg11[%get3A_52] {strides = array<i32>} : memref<512xf32, #tpu.memory_space<vmem>>, vector<16xf32>,
    %add3A_54 = arith.addf %add3A_51, %get3A_53 : vector<16xf32>
    %get3A_55 = arith.constant 256 : index
    %get3A_56 = tpu.vector_load %arg11[%get3A_55] {strides = array<i32>} : memref<512xf32, #tpu.memory_space<vmem>>, vector<16xf32>,
    %add3A_57 = arith.addf %add3A_54, %get3A_56 : vector<16xf32>
    %get3A_58 = arith.constant 272 : index
    %get3A_59 = tpu.vector_load %arg11[%get3A_58] {strides = array<i32>} : memref<512xf32, #tpu.memory_space<vmem>>, vector<16xf32>,
    %add3A_60 = arith.addf %add3A_57, %get3A_59 : vector<16xf32>
    %get3A_61 = arith.constant 288 : index
    %get3A_62 = tpu.vector_load %arg11[%get3A_61] {strides = array<i32>} : memref<512xf32, #tpu.memory_space<vmem>>, vector<16xf32>,
    %add3A_63 = arith.addf %add3A_60, %get3A_62 : vector<16xf32>
    %get3A_64 = arith.constant 304 : index
    %get3A_65 = tpu.vector_load %arg11[%get3A_64] {strides = array<i32>} : memref<512xf32, #tpu.memory_space<vmem>>, vector<16xf32>,
    %add3A_66 = arith.addf %add3A_63, %get3A_65 : vector<16xf32>
    %get3A_67 = arith.constant 320 : index
    %get3A_68 = tpu.vector_load %arg11[%get3A_67] {strides = array<i32>} : memref<512xf32, #tpu.memory_space<vmem>>, vector<16xf32>,
    %add3A_69 = arith.addf %add3A_66, %get3A_68 : vector<16xf32>
    %get3A_70 = arith.constant 336 : index
    %get3A_71 = tpu.vector_load %arg11[%get3A_70] {strides = array<i32>} : memref<512xf32, #tpu.memory_space<vmem>>, vector<16xf32>,
    %add3A_72 = arith.addf %add3A_69, %get3A_71 : vector<16xf32>
    %get3A_73 = arith.constant 352 : index
    %get3A_74 = tpu.vector_load %arg11[%get3A_73] {strides = array<i32>} : memref<512xf32, #tpu.memory_space<vmem>>, vector<16xf32>,
    %add3A_75 = arith.addf %add3A_72, %get3A_74 : vector<16xf32>
    %get3A_76 = arith.constant 368 : index
    %get3A_77 = tpu.vector_load %arg11[%get3A_76] {strides = array<i32>} : memref<512xf32, #tpu.memory_space<vmem>>, vector<16xf32>,
    %add3A_78 = arith.addf %add3A_75, %get3A_77 : vector<16xf32>
    %get3A_79 = arith.constant 384 : index
    %get3A_80 = tpu.vector_load %arg11[%get3A_79] {strides = array<i32>} : memref<512xf32, #tpu.memory_space<vmem>>, vector<16xf32>,
    %add3A_81 = arith.addf %add3A_78, %get3A_80 : vector<16xf32>
    %get3A_82 = arith.constant 400 : index
    %get3A_83 = tpu.vector_load %arg11[%get3A_82] {strides = array<i32>} : memref<512xf32, #tpu.memory_space<vmem>>, vector<16xf32>,
    %add3A_84 = arith.addf %add3A_81, %get3A_83 : vector<16xf32>
    %get3A_85 = arith.constant 416 : index
    %get3A_86 = tpu.vector_load %arg11[%get3A_85] {strides = array<i32>} : memref<512xf32, #tpu.memory_space<vmem>>, vector<16xf32>,
    %add3A_87 = arith.addf %add3A_84, %get3A_86 : vector<16xf32>
    %get3A_88 = arith.constant 432 : index
    %get3A_89 = tpu.vector_load %arg11[%get3A_88] {strides = array<i32>} : memref<512xf32, #tpu.memory_space<vmem>>, vector<16xf32>,
    %add3A_90 = arith.addf %add3A_87, %get3A_89 : vector<16xf32>
    %get3A_91 = arith.constant 448 : index
    %get3A_92 = tpu.vector_load %arg11[%get3A_91] {strides = array<i32>} : memref<512xf32, #tpu.memory_space<vmem>>, vector<16xf32>,
    %add3A_93 = arith.addf %add3A_90, %get3A_92 : vector<16xf32>
    %get3A_94 = arith.constant 464 : index
    %get3A_95 = tpu.vector_load %arg11[%get3A_94] {strides = array<i32>} : memref<512xf32, #tpu.memory_space<vmem>>, vector<16xf32>,
    %add3A_96 = arith.addf %add3A_93, %get3A_95 : vector<16xf32>
    %get3A_97 = arith.constant 480 : index
    %get3A_98 = tpu.vector_load %arg11[%get3A_97] {strides = array<i32>} : memref<512xf32, #tpu.memory_space<vmem>>, vector<16xf32>,
    %add3A_99 = arith.addf %add3A_96, %get3A_98 : vector<16xf32>
    %get3A_100 = arith.constant 496 : index
    %get3A_101 = tpu.vector_load %arg11[%get3A_100] {strides = array<i32>} : memref<512xf32, #tpu.memory_space<vmem>>, vector<16xf32>,
    %add3A_102 = arith.addf %add3A_99, %get3A_101 : vector<16xf32>
    %reduce_sum3A = arith.constant true
    %reduce_sum3A_103 = vector.broadcast %reduce_sum3A : i1 to vector<16xi1>
    %reduce_sum3A_104 = tpu.scan <sum>, %add3A_102 masked %reduce_sum3A_103 : vector<16xf32>, vector<16xi1> -> vector<16xf32>
    %reduce_sum3A_105 = vector.extract %reduce_sum3A_104[15] : f32 from vector<16xf32>
    %get3A_106 = arith.constant 0 : index
    %get3A_107 = tpu.vector_load %arg10[%get3A_106] {strides = array<i32>} : memref<32xf32, #tpu.memory_space<vmem>>, vector<16xf32>,
    %slice3A = vector.extract_strided_slice %get3A_107 {offsets = [0], sizes = [1], strides = [1]} : vector<16xf32> to vector<1xf32>
    %squeeze3A = vector.extract %slice3A[0] : f32 from vector<1xf32>
    %get3A_108 = arith.constant 16 : index
    %get3A_109 = tpu.vector_load %arg10[%get3A_108] {strides = array<i32>} : memref<32xf32, #tpu.memory_space<vmem>>, vector<16xf32>,
    %slice3A_110 = vector.extract_strided_slice %get3A_109 {offsets = [0], sizes = [1], strides = [1]} : vector<16xf32> to vector<1xf32>
    %squeeze3A_111 = vector.extract %slice3A_110[0] : f32 from vector<1xf32>
    %add3A_112 = arith.addf %squeeze3A, %reduce_sum3A_105 : f32
    %mul3A_113 = arith.constant 5.000000e-01 : f32
    %mul3A_114 = arith.mulf %mul3A_113, %squeeze3A_111 : f32
    %sub3A = arith.constant 1.000000e+00 : f32
    %sub3A_115 = arith.constant 5.000000e-01 : f32
    %sub3A_116 = arith.subf %sub3A, %sub3A_115 : f32
    %mul3A_117 = arith.constant 6.10351563E-5 : f32
    %mul3A_118 = arith.mulf %add3A_112, %mul3A_117 : f32
    %mul3A_119 = arith.mulf %sub3A_116, %mul3A_118 : f32
    %add3A_120 = arith.addf %mul3A_114, %mul3A_119 : f32
    %mul3A_121 = arith.constant 0.995920717 : f32
    %mul3A_122 = arith.constant 1.000000e+06 : f32
    %mul3A_123 = arith.mulf %mul3A_121, %mul3A_122 : f32
    %mul3A_124 = arith.constant 2.44140625E-4 : f32
    %mul3A_125 = arith.mulf %add3A_120, %mul3A_124 : f32
    %mul3A_126 = arith.mulf %mul3A_123, %mul3A_125 : f32
    %broadcast_in_dim3A = vector.broadcast %mul3A_126 : f32 to vector<16xf32>
    %get3A_127 = arith.constant 0 : index
    %get3A_128 = tpu.vector_load %arg9[%get3A_127] {strides = array<i32>} : memref<128xf32, #tpu.memory_space<vmem>>, vector<16xf32>,
    %add3A_129 = arith.addf %get3A_128, %broadcast_in_dim3A : vector<16xf32>
    %swap3A = arith.constant 0 : index
    %swap3A_130 = tpu.vector_load %arg9[%swap3A] {strides = array<i32>} : memref<128xf32, #tpu.memory_space<vmem>>, vector<16xf32>,
    tpu.vector_store %arg9[%swap3A], %add3A_129 {strides = array<i32>} : memref<128xf32, #tpu.memory_space<vmem>>, vector<16xf32>,
    %get3A_131 = arith.constant 16 : index
    %get3A_132 = tpu.vector_load %arg9[%get3A_131] {strides = array<i32>} : memref<128xf32, #tpu.memory_space<vmem>>, vector<16xf32>,
    %add3A_133 = arith.addf %get3A_132, %broadcast_in_dim3A : vector<16xf32>
    %swap3A_134 = arith.constant 16 : index
    %swap3A_135 = tpu.vector_load %arg9[%swap3A_134] {strides = array<i32>} : memref<128xf32, #tpu.memory_space<vmem>>, vector<16xf32>,
    tpu.vector_store %arg9[%swap3A_134], %add3A_133 {strides = array<i32>} : memref<128xf32, #tpu.memory_space<vmem>>, vector<16xf32>,
    %get3A_136 = arith.constant 32 : index
    %get3A_137 = tpu.vector_load %arg9[%get3A_136] {strides = array<i32>} : memref<128xf32, #tpu.memory_space<vmem>>, vector<16xf32>,
    %add3A_138 = arith.addf %get3A_137, %broadcast_in_dim3A : vector<16xf32>
    %swap3A_139 = arith.constant 32 : index
    %swap3A_140 = tpu.vector_load %arg9[%swap3A_139] {strides = array<i32>} : memref<128xf32, #tpu.memory_space<vmem>>, vector<16xf32>,
    tpu.vector_store %arg9[%swap3A_139], %add3A_138 {strides = array<i32>} : memref<128xf32, #tpu.memory_space<vmem>>, vector<16xf32>,
    %get3A_141 = arith.constant 48 : index
    %get3A_142 = tpu.vector_load %arg9[%get3A_141] {strides = array<i32>} : memref<128xf32, #tpu.memory_space<vmem>>, vector<16xf32>,
    %add3A_143 = arith.addf %get3A_142, %broadcast_in_dim3A : vector<16xf32>
    %swap3A_144 = arith.constant 48 : index
    %swap3A_145 = tpu.vector_load %arg9[%swap3A_144] {strides = array<i32>} : memref<128xf32, #tpu.memory_space<vmem>>, vector<16xf32>,
    tpu.vector_store %arg9[%swap3A_144], %add3A_143 {strides = array<i32>} : memref<128xf32, #tpu.memory_space<vmem>>, vector<16xf32>,
    %get3A_146 = arith.constant 64 : index
    %get3A_147 = tpu.vector_load %arg9[%get3A_146] {strides = array<i32>} : memref<128xf32, #tpu.memory_space<vmem>>, vector<16xf32>,
    %add3A_148 = arith.addf %get3A_147, %broadcast_in_dim3A : vector<16xf32>
    %swap3A_149 = arith.constant 64 : index
    %swap3A_150 = tpu.vector_load %arg9[%swap3A_149] {strides = array<i32>} : memref<128xf32, #tpu.memory_space<vmem>>, vector<16xf32>,
    tpu.vector_store %arg9[%swap3A_149], %add3A_148 {strides = array<i32>} : memref<128xf32, #tpu.memory_space<vmem>>, vector<16xf32>,
    %get3A_151 = arith.constant 80 : index
    %get3A_152 = tpu.vector_load %arg9[%get3A_151] {strides = array<i32>} : memref<128xf32, #tpu.memory_space<vmem>>, vector<16xf32>,
    %add3A_153 = arith.addf %get3A_152, %broadcast_in_dim3A : vector<16xf32>
    %swap3A_154 = arith.constant 80 : index
    %swap3A_155 = tpu.vector_load %arg9[%swap3A_154] {strides = array<i32>} : memref<128xf32, #tpu.memory_space<vmem>>, vector<16xf32>,
    tpu.vector_store %arg9[%swap3A_154], %add3A_153 {strides = array<i32>} : memref<128xf32, #tpu.memory_space<vmem>>, vector<16xf32>,
    %get3A_156 = arith.constant 96 : index
    %get3A_157 = tpu.vector_load %arg9[%get3A_156] {strides = array<i32>} : memref<128xf32, #tpu.memory_space<vmem>>, vector<16xf32>,
    %add3A_158 = arith.addf %get3A_157, %broadcast_in_dim3A : vector<16xf32>
    %swap3A_159 = arith.constant 96 : index
    %swap3A_160 = tpu.vector_load %arg9[%swap3A_159] {strides = array<i32>} : memref<128xf32, #tpu.memory_space<vmem>>, vector<16xf32>,
    tpu.vector_store %arg9[%swap3A_159], %add3A_158 {strides = array<i32>} : memref<128xf32, #tpu.memory_space<vmem>>, vector<16xf32>,
    %get3A_161 = arith.constant 112 : index
    %get3A_162 = tpu.vector_load %arg9[%get3A_161] {strides = array<i32>} : memref<128xf32, #tpu.memory_space<vmem>>, vector<16xf32>,
    %add3A_163 = arith.addf %get3A_162, %broadcast_in_dim3A : vector<16xf32>
    %swap3A_164 = arith.constant 112 : index
    %swap3A_165 = tpu.vector_load %arg9[%swap3A_164] {strides = array<i32>} : memref<128xf32, #tpu.memory_space<vmem>>, vector<16xf32>,
    tpu.vector_store %arg9[%swap3A_164], %add3A_163 {strides = array<i32>} : memref<128xf32, #tpu.memory_space<vmem>>, vector<16xf32>,
    %dma_start3A_166 = arith.constant 0 : i32
    %dma_start3A_167 = tpu.memref_slice %arg6[%dma_start3A_166] : memref<1000000xf32, #tpu.memory_space<hbm>> -> memref<1000000xf32, #tpu.memory_space<hbm>>
    tpu.enqueue_indirect_dma source(%arg9 : memref<128xf32, #tpu.memory_space<vmem>>) target(%dma_start3A_167 : memref<1000000xf32, #tpu.memory_space<hbm>>) offsets(%arg8 : memref<128xi32, #tpu.memory_space<vmem>>) semaphore(%arg12 : memref<!tpu.dma_semaphore, #tpu.memory_space<semaphore_mem>>)
    %dma_wait3A_168 = arith.constant 0 : i32
    %dma_wait3A_169 = tpu.memref_slice %arg6[%dma_wait3A_168] : memref<1000000xf32, #tpu.memory_space<hbm>> -> memref<1000000xf32, #tpu.memory_space<hbm>>
    tpu.wait_indirect_dma semaphore(%arg12 : memref<!tpu.dma_semaphore, #tpu.memory_space<semaphore_mem>>) src(%arg9 : memref<128xf32, #tpu.memory_space<vmem>>) dst(%dma_wait3A_169 : memref<1000000xf32, #tpu.memory_space<hbm>>)
    return
  }
}

#map = affine_map<(d0, d1) -> (0)>
#map1 = affine_map<(d0, d1) -> (0, 0)>
module attributes {stable_mosaic.version = 14 : i64} {
  func.func @new_body(%arg0: i32, %arg1: i32, %arg2: memref<4096xi32, #tpu.memory_space<hbm>>, %arg3: memref<1000000xf32, #tpu.memory_space<hbm>>, %arg4: memref<4096x8192xf32, #tpu.memory_space<hbm>>, %arg5: memref<4096x8192xf32, #tpu.memory_space<hbm>>, %arg6: memref<1000000xf32, #tpu.memory_space<hbm>>, %arg7: memref<4096xf32, #tpu.memory_space<hbm>>, %arg8: memref<512xf32, #tpu.memory_space<hbm>>, %arg9: memref<1000000xf32, #tpu.memory_space<hbm>>, %arg10: memref<31264xf32, #tpu.memory_space<vmem>>, %arg11: memref<4x8192xf32, #tpu.memory_space<vmem>>, %arg12: memref<4x8192xf32, #tpu.memory_space<vmem>>, %arg13: memref<128xi32, #tpu.memory_space<vmem>>, %arg14: memref<128xf32, #tpu.memory_space<vmem>>, %arg15: memref<16xf32, #tpu.memory_space<vmem>>, %arg16: memref<!tpu.dma_semaphore, #tpu.memory_space<semaphore_mem>>, %arg17: memref<!tpu.dma_semaphore, #tpu.memory_space<semaphore_mem>>, %arg18: memref<!tpu.dma_semaphore, #tpu.memory_space<semaphore_mem>>) attributes {dimension_semantics = [#tpu.dimension_semantics<core_parallel>, #tpu.dimension_semantics<subcore_parallel>], iteration_bounds = array<i64: 2, 16>, scalar_prefetch = 0 : i64, scratch_operands = 9 : i64, tpu.core_type = #tpu.core_type<sc_vector_subcore>, window_params = [{transform_indices = #map}, {transform_indices = #map}, {transform_indices = #map1}, {transform_indices = #map1}, {transform_indices = #map}, {transform_indices = #map}, {transform_indices = #map}, {transform_indices = #map}]} {
    %mul3A = arith.constant 2 : i32
    %mul3A_0 = arith.muli %arg1, %mul3A : i32
    %add3A = arith.addi %mul3A_0, %arg0 : i32
    %mul3A_1 = arith.constant 128 : i32
    %mul3A_2 = arith.muli %add3A, %mul3A_1 : i32
    %multiple_of3A = tpu.assume_multiple %mul3A_2, 8 : i32
    "tpu.region"() ({
      %run_scoped3A = tpu.sem_alloc : memref<!tpu.dma_semaphore, #tpu.memory_space<semaphore_mem>>
      %dma_start3A_77 = tpu.memref_slice %arg2[%multiple_of3A] : memref<4096xi32, #tpu.memory_space<hbm>> -> memref<128xi32, #tpu.memory_space<hbm>>
      %dma_start3A_78 = tpu.memref_slice %arg2[%multiple_of3A] : memref<4096xi32, #tpu.memory_space<hbm>> -> memref<128xi32, #tpu.memory_space<hbm>>
      tpu.enqueue_dma source(%dma_start3A_78 : memref<128xi32, #tpu.memory_space<hbm>>) target(%arg13 : memref<128xi32, #tpu.memory_space<vmem>>) target_semaphore(%run_scoped3A : memref<!tpu.dma_semaphore, #tpu.memory_space<semaphore_mem>>)
      %dma_wait3A_79 = tpu.memref_slice %arg2[%multiple_of3A] : memref<4096xi32, #tpu.memory_space<hbm>> -> memref<128xi32, #tpu.memory_space<hbm>>
      %dma_wait3A_80 = tpu.memref_slice %arg2[%multiple_of3A] : memref<4096xi32, #tpu.memory_space<hbm>> -> memref<128xi32, #tpu.memory_space<hbm>>
      tpu.wait_dma2 semaphore(%run_scoped3A : memref<!tpu.dma_semaphore, #tpu.memory_space<semaphore_mem>>) src(%dma_wait3A_80 : memref<128xi32, #tpu.memory_space<hbm>>) dst(%arg13 : memref<128xi32, #tpu.memory_space<vmem>>)
      tpu.yield
    }) : () -> ()
    %dma_start3A = arith.constant 0 : i32
    %dma_start3A_3 = tpu.memref_slice %arg3[%dma_start3A] : memref<1000000xf32, #tpu.memory_space<hbm>> -> memref<1000000xf32, #tpu.memory_space<hbm>>
    tpu.enqueue_indirect_dma source(%dma_start3A_3 : memref<1000000xf32, #tpu.memory_space<hbm>>) target(%arg14 : memref<128xf32, #tpu.memory_space<vmem>>) offsets(%arg13 : memref<128xi32, #tpu.memory_space<vmem>>) semaphore(%arg16 : memref<!tpu.dma_semaphore, #tpu.memory_space<semaphore_mem>>)
    %dma_wait3A = arith.constant 0 : i32
    %dma_wait3A_4 = tpu.memref_slice %arg3[%dma_wait3A] : memref<1000000xf32, #tpu.memory_space<hbm>> -> memref<1000000xf32, #tpu.memory_space<hbm>>
    tpu.wait_indirect_dma semaphore(%arg16 : memref<!tpu.dma_semaphore, #tpu.memory_space<semaphore_mem>>) src(%dma_wait3A_4 : memref<1000000xf32, #tpu.memory_space<hbm>>) dst(%arg14 : memref<128xf32, #tpu.memory_space<vmem>>)
    %get3A = arith.constant 0 : index
    %get3A_5 = tpu.vector_load %arg14[%get3A] {strides = array<i32>} : memref<128xf32, #tpu.memory_space<vmem>>, vector<16xf32>,
    %mul3A_6 = arith.constant 0.00407928228 : f32
    %mul3A_7 = vector.broadcast %mul3A_6 : f32 to vector<16xf32>
    %mul3A_8 = arith.mulf %get3A_5, %mul3A_7 : vector<16xf32>
    %swap3A = arith.constant 0 : index
    %swap3A_9 = tpu.vector_load %arg14[%swap3A] {strides = array<i32>} : memref<128xf32, #tpu.memory_space<vmem>>, vector<16xf32>,
    tpu.vector_store %arg14[%swap3A], %mul3A_8 {strides = array<i32>} : memref<128xf32, #tpu.memory_space<vmem>>, vector<16xf32>,
    %get3A_10 = arith.constant 16 : index
    %get3A_11 = tpu.vector_load %arg14[%get3A_10] {strides = array<i32>} : memref<128xf32, #tpu.memory_space<vmem>>, vector<16xf32>,
    %mul3A_12 = arith.constant 0.00407928228 : f32
    %mul3A_13 = vector.broadcast %mul3A_12 : f32 to vector<16xf32>
    %mul3A_14 = arith.mulf %get3A_11, %mul3A_13 : vector<16xf32>
    %swap3A_15 = arith.constant 16 : index
    %swap3A_16 = tpu.vector_load %arg14[%swap3A_15] {strides = array<i32>} : memref<128xf32, #tpu.memory_space<vmem>>, vector<16xf32>,
    tpu.vector_store %arg14[%swap3A_15], %mul3A_14 {strides = array<i32>} : memref<128xf32, #tpu.memory_space<vmem>>, vector<16xf32>,
    %get3A_17 = arith.constant 32 : index
    %get3A_18 = tpu.vector_load %arg14[%get3A_17] {strides = array<i32>} : memref<128xf32, #tpu.memory_space<vmem>>, vector<16xf32>,
    %mul3A_19 = arith.constant 0.00407928228 : f32
    %mul3A_20 = vector.broadcast %mul3A_19 : f32 to vector<16xf32>
    %mul3A_21 = arith.mulf %get3A_18, %mul3A_20 : vector<16xf32>
    %swap3A_22 = arith.constant 32 : index
    %swap3A_23 = tpu.vector_load %arg14[%swap3A_22] {strides = array<i32>} : memref<128xf32, #tpu.memory_space<vmem>>, vector<16xf32>,
    tpu.vector_store %arg14[%swap3A_22], %mul3A_21 {strides = array<i32>} : memref<128xf32, #tpu.memory_space<vmem>>, vector<16xf32>,
    %get3A_24 = arith.constant 48 : index
    %get3A_25 = tpu.vector_load %arg14[%get3A_24] {strides = array<i32>} : memref<128xf32, #tpu.memory_space<vmem>>, vector<16xf32>,
    %mul3A_26 = arith.constant 0.00407928228 : f32
    %mul3A_27 = vector.broadcast %mul3A_26 : f32 to vector<16xf32>
    %mul3A_28 = arith.mulf %get3A_25, %mul3A_27 : vector<16xf32>
    %swap3A_29 = arith.constant 48 : index
    %swap3A_30 = tpu.vector_load %arg14[%swap3A_29] {strides = array<i32>} : memref<128xf32, #tpu.memory_space<vmem>>, vector<16xf32>,
    tpu.vector_store %arg14[%swap3A_29], %mul3A_28 {strides = array<i32>} : memref<128xf32, #tpu.memory_space<vmem>>, vector<16xf32>,
    %get3A_31 = arith.constant 64 : index
    %get3A_32 = tpu.vector_load %arg14[%get3A_31] {strides = array<i32>} : memref<128xf32, #tpu.memory_space<vmem>>, vector<16xf32>,
    %mul3A_33 = arith.constant 0.00407928228 : f32
    %mul3A_34 = vector.broadcast %mul3A_33 : f32 to vector<16xf32>
    %mul3A_35 = arith.mulf %get3A_32, %mul3A_34 : vector<16xf32>
    %swap3A_36 = arith.constant 64 : index
    %swap3A_37 = tpu.vector_load %arg14[%swap3A_36] {strides = array<i32>} : memref<128xf32, #tpu.memory_space<vmem>>, vector<16xf32>,
    tpu.vector_store %arg14[%swap3A_36], %mul3A_35 {strides = array<i32>} : memref<128xf32, #tpu.memory_space<vmem>>, vector<16xf32>,
    %get3A_38 = arith.constant 80 : index
    %get3A_39 = tpu.vector_load %arg14[%get3A_38] {strides = array<i32>} : memref<128xf32, #tpu.memory_space<vmem>>, vector<16xf32>,
    %mul3A_40 = arith.constant 0.00407928228 : f32
    %mul3A_41 = vector.broadcast %mul3A_40 : f32 to vector<16xf32>
    %mul3A_42 = arith.mulf %get3A_39, %mul3A_41 : vector<16xf32>
    %swap3A_43 = arith.constant 80 : index
    %swap3A_44 = tpu.vector_load %arg14[%swap3A_43] {strides = array<i32>} : memref<128xf32, #tpu.memory_space<vmem>>, vector<16xf32>,
    tpu.vector_store %arg14[%swap3A_43], %mul3A_42 {strides = array<i32>} : memref<128xf32, #tpu.memory_space<vmem>>, vector<16xf32>,
    %get3A_45 = arith.constant 96 : index
    %get3A_46 = tpu.vector_load %arg14[%get3A_45] {strides = array<i32>} : memref<128xf32, #tpu.memory_space<vmem>>, vector<16xf32>,
    %mul3A_47 = arith.constant 0.00407928228 : f32
    %mul3A_48 = vector.broadcast %mul3A_47 : f32 to vector<16xf32>
    %mul3A_49 = arith.mulf %get3A_46, %mul3A_48 : vector<16xf32>
    %swap3A_50 = arith.constant 96 : index
    %swap3A_51 = tpu.vector_load %arg14[%swap3A_50] {strides = array<i32>} : memref<128xf32, #tpu.memory_space<vmem>>, vector<16xf32>,
    tpu.vector_store %arg14[%swap3A_50], %mul3A_49 {strides = array<i32>} : memref<128xf32, #tpu.memory_space<vmem>>, vector<16xf32>,
    %get3A_52 = arith.constant 112 : index
    %get3A_53 = tpu.vector_load %arg14[%get3A_52] {strides = array<i32>} : memref<128xf32, #tpu.memory_space<vmem>>, vector<16xf32>,
    %mul3A_54 = arith.constant 0.00407928228 : f32
    %mul3A_55 = vector.broadcast %mul3A_54 : f32 to vector<16xf32>
    %mul3A_56 = arith.mulf %get3A_53, %mul3A_55 : vector<16xf32>
    %swap3A_57 = arith.constant 112 : index
    %swap3A_58 = tpu.vector_load %arg14[%swap3A_57] {strides = array<i32>} : memref<128xf32, #tpu.memory_space<vmem>>, vector<16xf32>,
    tpu.vector_store %arg14[%swap3A_57], %mul3A_56 {strides = array<i32>} : memref<128xf32, #tpu.memory_space<vmem>>, vector<16xf32>,
    "tpu.region"() ({
      %run_scoped3A = tpu.sem_alloc : memref<!tpu.dma_semaphore, #tpu.memory_space<semaphore_mem>>
      %dma_start3A_77 = tpu.memref_slice %arg7[%multiple_of3A] : memref<4096xf32, #tpu.memory_space<hbm>> -> memref<128xf32, #tpu.memory_space<hbm>>
      %dma_start3A_78 = tpu.memref_slice %arg7[%multiple_of3A] : memref<4096xf32, #tpu.memory_space<hbm>> -> memref<128xf32, #tpu.memory_space<hbm>>
      tpu.enqueue_dma source(%arg14 : memref<128xf32, #tpu.memory_space<vmem>>) target(%dma_start3A_78 : memref<128xf32, #tpu.memory_space<hbm>>) target_semaphore(%run_scoped3A : memref<!tpu.dma_semaphore, #tpu.memory_space<semaphore_mem>>)
      %dma_wait3A_79 = tpu.memref_slice %arg7[%multiple_of3A] : memref<4096xf32, #tpu.memory_space<hbm>> -> memref<128xf32, #tpu.memory_space<hbm>>
      %dma_wait3A_80 = tpu.memref_slice %arg7[%multiple_of3A] : memref<4096xf32, #tpu.memory_space<hbm>> -> memref<128xf32, #tpu.memory_space<hbm>>
      tpu.wait_dma2 semaphore(%run_scoped3A : memref<!tpu.dma_semaphore, #tpu.memory_space<semaphore_mem>>) src(%arg14 : memref<128xf32, #tpu.memory_space<vmem>>) dst(%dma_wait3A_80 : memref<128xf32, #tpu.memory_space<hbm>>)
      tpu.yield
    }) : () -> ()
    %lt3A = arith.constant 16 : i32
    %lt3A_59 = arith.cmpi slt, %add3A, %lt3A : i32
    %convert_element_type3A = arith.extui %lt3A_59 : i1 to i32
    %cond3A = arith.constant 0 : i32
    %cond3A_60 = arith.cmpi ne, %convert_element_type3A, %cond3A : i32
    scf.if %cond3A_60 {
      %mul3A_77 = arith.constant 16 : i32
      %mul3A_78 = arith.muli %add3A, %mul3A_77 : i32
      %dma_start3A_79 = arith.constant 0 : i32
      %dma_start3A_80 = tpu.memref_slice %arg4[%mul3A_78, %dma_start3A_79] : memref<4096x8192xf32, #tpu.memory_space<hbm>> -> memref<4x8192xf32, #tpu.memory_space<hbm>>
      %dma_start3A_81 = arith.constant 0 : i32
      %dma_start3A_82 = tpu.memref_slice %arg4[%mul3A_78, %dma_start3A_81] : memref<4096x8192xf32, #tpu.memory_space<hbm>> -> memref<4x8192xf32, #tpu.memory_space<hbm>>
      tpu.enqueue_dma source(%dma_start3A_82 : memref<4x8192xf32, #tpu.memory_space<hbm>>) target(%arg11 : memref<4x8192xf32, #tpu.memory_space<vmem>>) target_semaphore(%arg17 : memref<!tpu.dma_semaphore, #tpu.memory_space<semaphore_mem>>)
      %broadcast_in_dim3A = arith.constant 0.000000e+00 : f32
      %broadcast_in_dim3A_83 = vector.broadcast %broadcast_in_dim3A : f32 to vector<16xf32>
      %add3A_84 = arith.constant 4 : i32
      %add3A_85 = arith.addi %mul3A_78, %add3A_84 : i32
      %dma_start3A_86 = arith.constant 0 : i32
      %dma_start3A_87 = tpu.memref_slice %arg4[%add3A_85, %dma_start3A_86] : memref<4096x8192xf32, #tpu.memory_space<hbm>> -> memref<4x8192xf32, #tpu.memory_space<hbm>>
      %dma_start3A_88 = arith.constant 0 : i32
      %dma_start3A_89 = tpu.memref_slice %arg4[%add3A_85, %dma_start3A_88] : memref<4096x8192xf32, #tpu.memory_space<hbm>> -> memref<4x8192xf32, #tpu.memory_space<hbm>>
      tpu.enqueue_dma source(%dma_start3A_89 : memref<4x8192xf32, #tpu.memory_space<hbm>>) target(%arg12 : memref<4x8192xf32, #tpu.memory_space<vmem>>) target_semaphore(%arg18 : memref<!tpu.dma_semaphore, #tpu.memory_space<semaphore_mem>>)
      %add3A_90 = arith.constant 0 : i32
      %add3A_91 = arith.addi %mul3A_78, %add3A_90 : i32
      %dma_wait3A_92 = arith.constant 0 : i32
      %dma_wait3A_93 = tpu.memref_slice %arg4[%add3A_91, %dma_wait3A_92] : memref<4096x8192xf32, #tpu.memory_space<hbm>> -> memref<4x8192xf32, #tpu.memory_space<hbm>>
      %dma_wait3A_94 = arith.constant 0 : i32
      %dma_wait3A_95 = tpu.memref_slice %arg4[%add3A_91, %dma_wait3A_94] : memref<4096x8192xf32, #tpu.memory_space<hbm>> -> memref<4x8192xf32, #tpu.memory_space<hbm>>
      tpu.wait_dma2 semaphore(%arg17 : memref<!tpu.dma_semaphore, #tpu.memory_space<semaphore_mem>>) src(%dma_wait3A_95 : memref<4x8192xf32, #tpu.memory_space<hbm>>) dst(%arg11 : memref<4x8192xf32, #tpu.memory_space<vmem>>)
      %scan3A = arith.constant 0 : i32
      %scan3A_96 = arith.constant 512 : i32
      %scan3A_97 = arith.addi %scan3A, %scan3A_96 : i32
      %scan3A_98 = arith.constant 2 : i32
      %scan3A_99:4 = scf.for %scan3A_156 = %scan3A to %scan3A_97 step %scan3A_98 iter_args(%scan3A_157 = %broadcast_in_dim3A_83, %scan3A_158 = %broadcast_in_dim3A_83, %scan3A_159 = %broadcast_in_dim3A_83, %scan3A_160 = %broadcast_in_dim3A_83) -> (vector<16xf32>, vector<16xf32>, vector<16xf32>, vector<16xf32>)  : i32 {
        %mul3A_161 = arith.constant 64 : i32
        %mul3A_162 = arith.muli %scan3A_156, %mul3A_161 : i32
        %multiple_of3A_163 = tpu.assume_multiple %mul3A_162, 16 : i32
        %jit3A = arith.constant 128 : i32
        %div3A = arith.divsi %scan3A_156, %jit3A : i32
        %sign3A = arith.constant 0 : i32
        %sign3A_164 = arith.cmpi sgt, %scan3A_156, %sign3A : i32
        %sign3A_165 = arith.extui %sign3A_164 : i1 to i32
        %sign3A_166 = arith.constant 0 : i32
        %sign3A_167 = arith.cmpi slt, %scan3A_156, %sign3A_166 : i32
        %sign3A_168 = arith.extui %sign3A_167 : i1 to i32
        %sign3A_169 = arith.subi %sign3A_165, %sign3A_168 : i32
        %sign3A_170 = arith.constant 0 : i32
        %sign3A_171 = arith.cmpi sgt, %jit3A, %sign3A_170 : i32
        %sign3A_172 = arith.extui %sign3A_171 : i1 to i32
        %sign3A_173 = arith.constant 0 : i32
        %sign3A_174 = arith.cmpi slt, %jit3A, %sign3A_173 : i32
        %sign3A_175 = arith.extui %sign3A_174 : i1 to i32
        %sign3A_176 = arith.subi %sign3A_172, %sign3A_175 : i32
        %ne3A = arith.cmpi ne, %sign3A_169, %sign3A_176 : i32
        %rem3A = arith.remsi %scan3A_156, %jit3A : i32
        %ne3A_177 = arith.constant 0 : i32
        %ne3A_178 = arith.cmpi ne, %rem3A, %ne3A_177 : i32
        %and3A = arith.andi %ne3A, %ne3A_178 : i1
        %sub3A = arith.constant 1 : i32
        %sub3A_179 = arith.subi %div3A, %sub3A : i32
        %select_n3A = arith.select %and3A, %sub3A_179, %div3A : i32
        %jit3A_180 = arith.constant 8192 : i32
        %eq3A_181 = arith.constant 0 : i32
        %eq3A_182 = arith.cmpi eq, %jit3A_180, %eq3A_181 : i32
        %jit3A_183 = arith.constant 1 : i32
        %select_n3A_184 = arith.select %eq3A_182, %jit3A_183, %jit3A_180 : i32
        %rem3A_185 = arith.remsi %multiple_of3A_163, %select_n3A_184 : i32
        %ne3A_186 = arith.constant 0 : i32
        %ne3A_187 = arith.cmpi ne, %rem3A_185, %ne3A_186 : i32
        %lt3A_188 = arith.constant 0 : i32
        %lt3A_189 = arith.cmpi slt, %rem3A_185, %lt3A_188 : i32
        %lt3A_190 = arith.constant 0 : i32
        %lt3A_191 = arith.cmpi slt, %select_n3A_184, %lt3A_190 : i32
        %ne3A_192 = arith.xori %lt3A_189, %lt3A_191 : i1
        %and3A_193 = arith.andi %ne3A_192, %ne3A_187 : i1
        %add3A_194 = arith.addi %rem3A_185, %select_n3A_184 : i32
        %select_n3A_195 = arith.select %and3A_193, %add3A_194, %rem3A_185 : i32
        %get3A_196 = arith.index_cast %select_n3A : i32 to index
        %get3A_197 = arith.index_cast %select_n3A_195 : i32 to index
        %get3A_198 = tpu.vector_load %arg11[%get3A_196, %get3A_197] {strides = array<i32>} : memref<4x8192xf32, #tpu.memory_space<vmem>>, vector<16xf32>,
        %add3A_199 = arith.addf %scan3A_157, %get3A_198 : vector<16xf32>
        %add3A_200 = arith.constant 16 : i32
        %add3A_201 = arith.addi %select_n3A_195, %add3A_200 : i32
        %get3A_202 = arith.index_cast %select_n3A : i32 to index
        %get3A_203 = arith.index_cast %add3A_201 : i32 to index
        %get3A_204 = tpu.vector_load %arg11[%get3A_202, %get3A_203] {strides = array<i32>} : memref<4x8192xf32, #tpu.memory_space<vmem>>, vector<16xf32>,
        %add3A_205 = arith.addf %scan3A_158, %get3A_204 : vector<16xf32>
        %add3A_206 = arith.constant 32 : i32
        %add3A_207 = arith.addi %select_n3A_195, %add3A_206 : i32
        %get3A_208 = arith.index_cast %select_n3A : i32 to index
        %get3A_209 = arith.index_cast %add3A_207 : i32 to index
        %get3A_210 = tpu.vector_load %arg11[%get3A_208, %get3A_209] {strides = array<i32>} : memref<4x8192xf32, #tpu.memory_space<vmem>>, vector<16xf32>,
        %add3A_211 = arith.addf %scan3A_159, %get3A_210 : vector<16xf32>
        %add3A_212 = arith.constant 48 : i32
        %add3A_213 = arith.addi %select_n3A_195, %add3A_212 : i32
        %get3A_214 = arith.index_cast %select_n3A : i32 to index
        %get3A_215 = arith.index_cast %add3A_213 : i32 to index
        %get3A_216 = tpu.vector_load %arg11[%get3A_214, %get3A_215] {strides = array<i32>} : memref<4x8192xf32, #tpu.memory_space<vmem>>, vector<16xf32>,
        %add3A_217 = arith.addf %scan3A_160, %get3A_216 : vector<16xf32>
        %scan3A_218 = arith.constant 1 : i32
        %scan3A_219 = arith.addi %scan3A_156, %scan3A_218 : i32
        %mul3A_220 = arith.constant 64 : i32
        %mul3A_221 = arith.muli %scan3A_219, %mul3A_220 : i32
        %multiple_of3A_222 = tpu.assume_multiple %mul3A_221, 16 : i32
        %jit3A_223 = arith.constant 128 : i32
        %div3A_224 = arith.divsi %scan3A_219, %jit3A_223 : i32
        %sign3A_225 = arith.constant 0 : i32
        %sign3A_226 = arith.cmpi sgt, %scan3A_219, %sign3A_225 : i32
        %sign3A_227 = arith.extui %sign3A_226 : i1 to i32
        %sign3A_228 = arith.constant 0 : i32
        %sign3A_229 = arith.cmpi slt, %scan3A_219, %sign3A_228 : i32
        %sign3A_230 = arith.extui %sign3A_229 : i1 to i32
        %sign3A_231 = arith.subi %sign3A_227, %sign3A_230 : i32
        %sign3A_232 = arith.constant 0 : i32
        %sign3A_233 = arith.cmpi sgt, %jit3A_223, %sign3A_232 : i32
        %sign3A_234 = arith.extui %sign3A_233 : i1 to i32
        %sign3A_235 = arith.constant 0 : i32
        %sign3A_236 = arith.cmpi slt, %jit3A_223, %sign3A_235 : i32
        %sign3A_237 = arith.extui %sign3A_236 : i1 to i32
        %sign3A_238 = arith.subi %sign3A_234, %sign3A_237 : i32
        %ne3A_239 = arith.cmpi ne, %sign3A_231, %sign3A_238 : i32
        %rem3A_240 = arith.remsi %scan3A_219, %jit3A_223 : i32
        %ne3A_241 = arith.constant 0 : i32
        %ne3A_242 = arith.cmpi ne, %rem3A_240, %ne3A_241 : i32
        %and3A_243 = arith.andi %ne3A_239, %ne3A_242 : i1
        %sub3A_244 = arith.constant 1 : i32
        %sub3A_245 = arith.subi %div3A_224, %sub3A_244 : i32
        %select_n3A_246 = arith.select %and3A_243, %sub3A_245, %div3A_224 : i32
        %jit3A_247 = arith.constant 8192 : i32
        %eq3A_248 = arith.constant 0 : i32
        %eq3A_249 = arith.cmpi eq, %jit3A_247, %eq3A_248 : i32
        %jit3A_250 = arith.constant 1 : i32
        %select_n3A_251 = arith.select %eq3A_249, %jit3A_250, %jit3A_247 : i32
        %rem3A_252 = arith.remsi %multiple_of3A_222, %select_n3A_251 : i32
        %ne3A_253 = arith.constant 0 : i32
        %ne3A_254 = arith.cmpi ne, %rem3A_252, %ne3A_253 : i32
        %lt3A_255 = arith.constant 0 : i32
        %lt3A_256 = arith.cmpi slt, %rem3A_252, %lt3A_255 : i32
        %lt3A_257 = arith.constant 0 : i32
        %lt3A_258 = arith.cmpi slt, %select_n3A_251, %lt3A_257 : i32
        %ne3A_259 = arith.xori %lt3A_256, %lt3A_258 : i1
        %and3A_260 = arith.andi %ne3A_259, %ne3A_254 : i1
        %add3A_261 = arith.addi %rem3A_252, %select_n3A_251 : i32
        %select_n3A_262 = arith.select %and3A_260, %add3A_261, %rem3A_252 : i32
        %get3A_263 = arith.index_cast %select_n3A_246 : i32 to index
        %get3A_264 = arith.index_cast %select_n3A_262 : i32 to index
        %get3A_265 = tpu.vector_load %arg11[%get3A_263, %get3A_264] {strides = array<i32>} : memref<4x8192xf32, #tpu.memory_space<vmem>>, vector<16xf32>,
        %add3A_266 = arith.addf %add3A_199, %get3A_265 : vector<16xf32>
        %add3A_267 = arith.constant 16 : i32
        %add3A_268 = arith.addi %select_n3A_262, %add3A_267 : i32
        %get3A_269 = arith.index_cast %select_n3A_246 : i32 to index
        %get3A_270 = arith.index_cast %add3A_268 : i32 to index
        %get3A_271 = tpu.vector_load %arg11[%get3A_269, %get3A_270] {strides = array<i32>} : memref<4x8192xf32, #tpu.memory_space<vmem>>, vector<16xf32>,
        %add3A_272 = arith.addf %add3A_205, %get3A_271 : vector<16xf32>
        %add3A_273 = arith.constant 32 : i32
        %add3A_274 = arith.addi %select_n3A_262, %add3A_273 : i32
        %get3A_275 = arith.index_cast %select_n3A_246 : i32 to index
        %get3A_276 = arith.index_cast %add3A_274 : i32 to index
        %get3A_277 = tpu.vector_load %arg11[%get3A_275, %get3A_276] {strides = array<i32>} : memref<4x8192xf32, #tpu.memory_space<vmem>>, vector<16xf32>,
        %add3A_278 = arith.addf %add3A_211, %get3A_277 : vector<16xf32>
        %add3A_279 = arith.constant 48 : i32
        %add3A_280 = arith.addi %select_n3A_262, %add3A_279 : i32
        %get3A_281 = arith.index_cast %select_n3A_246 : i32 to index
        %get3A_282 = arith.index_cast %add3A_280 : i32 to index
        %get3A_283 = tpu.vector_load %arg11[%get3A_281, %get3A_282] {strides = array<i32>} : memref<4x8192xf32, #tpu.memory_space<vmem>>, vector<16xf32>,
        %add3A_284 = arith.addf %add3A_217, %get3A_283 : vector<16xf32>
        scf.yield %add3A_266, %add3A_272, %add3A_278, %add3A_284 : vector<16xf32>, vector<16xf32>, vector<16xf32>, vector<16xf32>
      }
      %scan3A_100 = arith.constant 512 : i32
      %add3A_101 = arith.constant 8 : i32
      %add3A_102 = arith.addi %mul3A_78, %add3A_101 : i32
      %dma_start3A_103 = arith.constant 0 : i32
      %dma_start3A_104 = tpu.memref_slice %arg4[%add3A_102, %dma_start3A_103] : memref<4096x8192xf32, #tpu.memory_space<hbm>> -> memref<4x8192xf32, #tpu.memory_space<hbm>>
      %dma_start3A_105 = arith.constant 0 : i32
      %dma_start3A_106 = tpu.memref_slice %arg4[%add3A_102, %dma_start3A_105] : memref<4096x8192xf32, #tpu.memory_space<hbm>> -> memref<4x8192xf32, #tpu.memory_space<hbm>>
      tpu.enqueue_dma source(%dma_start3A_106 : memref<4x8192xf32, #tpu.memory_space<hbm>>) target(%arg11 : memref<4x8192xf32, #tpu.memory_space<vmem>>) target_semaphore(%arg17 : memref<!tpu.dma_semaphore, #tpu.memory_space<semaphore_mem>>)
      %add3A_107 = arith.constant 4 : i32
      %add3A_108 = arith.addi %mul3A_78, %add3A_107 : i32
      %dma_wait3A_109 = arith.constant 0 : i32
      %dma_wait3A_110 = tpu.memref_slice %arg4[%add3A_108, %dma_wait3A_109] : memref<4096x8192xf32, #tpu.memory_space<hbm>> -> memref<4x8192xf32, #tpu.memory_space<hbm>>
      %dma_wait3A_111 = arith.constant 0 : i32
      %dma_wait3A_112 = tpu.memref_slice %arg4[%add3A_108, %dma_wait3A_111] : memref<4096x8192xf32, #tpu.memory_space<hbm>> -> memref<4x8192xf32, #tpu.memory_space<hbm>>
      tpu.wait_dma2 semaphore(%arg18 : memref<!tpu.dma_semaphore, #tpu.memory_space<semaphore_mem>>) src(%dma_wait3A_112 : memref<4x8192xf32, #tpu.memory_space<hbm>>) dst(%arg12 : memref<4x8192xf32, #tpu.memory_space<vmem>>)
      %scan3A_113 = arith.constant 0 : i32
      %scan3A_114 = arith.constant 512 : i32
      %scan3A_115 = arith.addi %scan3A_113, %scan3A_114 : i32
      %scan3A_116 = arith.constant 2 : i32
      %scan3A_117:4 = scf.for %scan3A_156 = %scan3A_113 to %scan3A_115 step %scan3A_116 iter_args(%scan3A_157 = %scan3A_99#0, %scan3A_158 = %scan3A_99#1, %scan3A_159 = %scan3A_99#2, %scan3A_160 = %scan3A_99#3) -> (vector<16xf32>, vector<16xf32>, vector<16xf32>, vector<16xf32>)  : i32 {
        %mul3A_161 = arith.constant 64 : i32
        %mul3A_162 = arith.muli %scan3A_156, %mul3A_161 : i32
        %multiple_of3A_163 = tpu.assume_multiple %mul3A_162, 16 : i32
        %jit3A = arith.constant 128 : i32
        %div3A = arith.divsi %scan3A_156, %jit3A : i32
        %sign3A = arith.constant 0 : i32
        %sign3A_164 = arith.cmpi sgt, %scan3A_156, %sign3A : i32
        %sign3A_165 = arith.extui %sign3A_164 : i1 to i32
        %sign3A_166 = arith.constant 0 : i32
        %sign3A_167 = arith.cmpi slt, %scan3A_156, %sign3A_166 : i32
        %sign3A_168 = arith.extui %sign3A_167 : i1 to i32
        %sign3A_169 = arith.subi %sign3A_165, %sign3A_168 : i32
        %sign3A_170 = arith.constant 0 : i32
        %sign3A_171 = arith.cmpi sgt, %jit3A, %sign3A_170 : i32
        %sign3A_172 = arith.extui %sign3A_171 : i1 to i32
        %sign3A_173 = arith.constant 0 : i32
        %sign3A_174 = arith.cmpi slt, %jit3A, %sign3A_173 : i32
        %sign3A_175 = arith.extui %sign3A_174 : i1 to i32
        %sign3A_176 = arith.subi %sign3A_172, %sign3A_175 : i32
        %ne3A = arith.cmpi ne, %sign3A_169, %sign3A_176 : i32
        %rem3A = arith.remsi %scan3A_156, %jit3A : i32
        %ne3A_177 = arith.constant 0 : i32
        %ne3A_178 = arith.cmpi ne, %rem3A, %ne3A_177 : i32
        %and3A = arith.andi %ne3A, %ne3A_178 : i1
        %sub3A = arith.constant 1 : i32
        %sub3A_179 = arith.subi %div3A, %sub3A : i32
        %select_n3A = arith.select %and3A, %sub3A_179, %div3A : i32
        %jit3A_180 = arith.constant 8192 : i32
        %eq3A_181 = arith.constant 0 : i32
        %eq3A_182 = arith.cmpi eq, %jit3A_180, %eq3A_181 : i32
        %jit3A_183 = arith.constant 1 : i32
        %select_n3A_184 = arith.select %eq3A_182, %jit3A_183, %jit3A_180 : i32
        %rem3A_185 = arith.remsi %multiple_of3A_163, %select_n3A_184 : i32
        %ne3A_186 = arith.constant 0 : i32
        %ne3A_187 = arith.cmpi ne, %rem3A_185, %ne3A_186 : i32
        %lt3A_188 = arith.constant 0 : i32
        %lt3A_189 = arith.cmpi slt, %rem3A_185, %lt3A_188 : i32
        %lt3A_190 = arith.constant 0 : i32
        %lt3A_191 = arith.cmpi slt, %select_n3A_184, %lt3A_190 : i32
        %ne3A_192 = arith.xori %lt3A_189, %lt3A_191 : i1
        %and3A_193 = arith.andi %ne3A_192, %ne3A_187 : i1
        %add3A_194 = arith.addi %rem3A_185, %select_n3A_184 : i32
        %select_n3A_195 = arith.select %and3A_193, %add3A_194, %rem3A_185 : i32
        %get3A_196 = arith.index_cast %select_n3A : i32 to index
        %get3A_197 = arith.index_cast %select_n3A_195 : i32 to index
        %get3A_198 = tpu.vector_load %arg12[%get3A_196, %get3A_197] {strides = array<i32>} : memref<4x8192xf32, #tpu.memory_space<vmem>>, vector<16xf32>,
        %add3A_199 = arith.addf %scan3A_157, %get3A_198 : vector<16xf32>
        %add3A_200 = arith.constant 16 : i32
        %add3A_201 = arith.addi %select_n3A_195, %add3A_200 : i32
        %get3A_202 = arith.index_cast %select_n3A : i32 to index
        %get3A_203 = arith.index_cast %add3A_201 : i32 to index
        %get3A_204 = tpu.vector_load %arg12[%get3A_202, %get3A_203] {strides = array<i32>} : memref<4x8192xf32, #tpu.memory_space<vmem>>, vector<16xf32>,
        %add3A_205 = arith.addf %scan3A_158, %get3A_204 : vector<16xf32>
        %add3A_206 = arith.constant 32 : i32
        %add3A_207 = arith.addi %select_n3A_195, %add3A_206 : i32
        %get3A_208 = arith.index_cast %select_n3A : i32 to index
        %get3A_209 = arith.index_cast %add3A_207 : i32 to index
        %get3A_210 = tpu.vector_load %arg12[%get3A_208, %get3A_209] {strides = array<i32>} : memref<4x8192xf32, #tpu.memory_space<vmem>>, vector<16xf32>,
        %add3A_211 = arith.addf %scan3A_159, %get3A_210 : vector<16xf32>
        %add3A_212 = arith.constant 48 : i32
        %add3A_213 = arith.addi %select_n3A_195, %add3A_212 : i32
        %get3A_214 = arith.index_cast %select_n3A : i32 to index
        %get3A_215 = arith.index_cast %add3A_213 : i32 to index
        %get3A_216 = tpu.vector_load %arg12[%get3A_214, %get3A_215] {strides = array<i32>} : memref<4x8192xf32, #tpu.memory_space<vmem>>, vector<16xf32>,
        %add3A_217 = arith.addf %scan3A_160, %get3A_216 : vector<16xf32>
        %scan3A_218 = arith.constant 1 : i32
        %scan3A_219 = arith.addi %scan3A_156, %scan3A_218 : i32
        %mul3A_220 = arith.constant 64 : i32
        %mul3A_221 = arith.muli %scan3A_219, %mul3A_220 : i32
        %multiple_of3A_222 = tpu.assume_multiple %mul3A_221, 16 : i32
        %jit3A_223 = arith.constant 128 : i32
        %div3A_224 = arith.divsi %scan3A_219, %jit3A_223 : i32
        %sign3A_225 = arith.constant 0 : i32
        %sign3A_226 = arith.cmpi sgt, %scan3A_219, %sign3A_225 : i32
        %sign3A_227 = arith.extui %sign3A_226 : i1 to i32
        %sign3A_228 = arith.constant 0 : i32
        %sign3A_229 = arith.cmpi slt, %scan3A_219, %sign3A_228 : i32
        %sign3A_230 = arith.extui %sign3A_229 : i1 to i32
        %sign3A_231 = arith.subi %sign3A_227, %sign3A_230 : i32
        %sign3A_232 = arith.constant 0 : i32
        %sign3A_233 = arith.cmpi sgt, %jit3A_223, %sign3A_232 : i32
        %sign3A_234 = arith.extui %sign3A_233 : i1 to i32
        %sign3A_235 = arith.constant 0 : i32
        %sign3A_236 = arith.cmpi slt, %jit3A_223, %sign3A_235 : i32
        %sign3A_237 = arith.extui %sign3A_236 : i1 to i32
        %sign3A_238 = arith.subi %sign3A_234, %sign3A_237 : i32
        %ne3A_239 = arith.cmpi ne, %sign3A_231, %sign3A_238 : i32
        %rem3A_240 = arith.remsi %scan3A_219, %jit3A_223 : i32
        %ne3A_241 = arith.constant 0 : i32
        %ne3A_242 = arith.cmpi ne, %rem3A_240, %ne3A_241 : i32
        %and3A_243 = arith.andi %ne3A_239, %ne3A_242 : i1
        %sub3A_244 = arith.constant 1 : i32
        %sub3A_245 = arith.subi %div3A_224, %sub3A_244 : i32
        %select_n3A_246 = arith.select %and3A_243, %sub3A_245, %div3A_224 : i32
        %jit3A_247 = arith.constant 8192 : i32
        %eq3A_248 = arith.constant 0 : i32
        %eq3A_249 = arith.cmpi eq, %jit3A_247, %eq3A_248 : i32
        %jit3A_250 = arith.constant 1 : i32
        %select_n3A_251 = arith.select %eq3A_249, %jit3A_250, %jit3A_247 : i32
        %rem3A_252 = arith.remsi %multiple_of3A_222, %select_n3A_251 : i32
        %ne3A_253 = arith.constant 0 : i32
        %ne3A_254 = arith.cmpi ne, %rem3A_252, %ne3A_253 : i32
        %lt3A_255 = arith.constant 0 : i32
        %lt3A_256 = arith.cmpi slt, %rem3A_252, %lt3A_255 : i32
        %lt3A_257 = arith.constant 0 : i32
        %lt3A_258 = arith.cmpi slt, %select_n3A_251, %lt3A_257 : i32
        %ne3A_259 = arith.xori %lt3A_256, %lt3A_258 : i1
        %and3A_260 = arith.andi %ne3A_259, %ne3A_254 : i1
        %add3A_261 = arith.addi %rem3A_252, %select_n3A_251 : i32
        %select_n3A_262 = arith.select %and3A_260, %add3A_261, %rem3A_252 : i32
        %get3A_263 = arith.index_cast %select_n3A_246 : i32 to index
        %get3A_264 = arith.index_cast %select_n3A_262 : i32 to index
        %get3A_265 = tpu.vector_load %arg12[%get3A_263, %get3A_264] {strides = array<i32>} : memref<4x8192xf32, #tpu.memory_space<vmem>>, vector<16xf32>,
        %add3A_266 = arith.addf %add3A_199, %get3A_265 : vector<16xf32>
        %add3A_267 = arith.constant 16 : i32
        %add3A_268 = arith.addi %select_n3A_262, %add3A_267 : i32
        %get3A_269 = arith.index_cast %select_n3A_246 : i32 to index
        %get3A_270 = arith.index_cast %add3A_268 : i32 to index
        %get3A_271 = tpu.vector_load %arg12[%get3A_269, %get3A_270] {strides = array<i32>} : memref<4x8192xf32, #tpu.memory_space<vmem>>, vector<16xf32>,
        %add3A_272 = arith.addf %add3A_205, %get3A_271 : vector<16xf32>
        %add3A_273 = arith.constant 32 : i32
        %add3A_274 = arith.addi %select_n3A_262, %add3A_273 : i32
        %get3A_275 = arith.index_cast %select_n3A_246 : i32 to index
        %get3A_276 = arith.index_cast %add3A_274 : i32 to index
        %get3A_277 = tpu.vector_load %arg12[%get3A_275, %get3A_276] {strides = array<i32>} : memref<4x8192xf32, #tpu.memory_space<vmem>>, vector<16xf32>,
        %add3A_278 = arith.addf %add3A_211, %get3A_277 : vector<16xf32>
        %add3A_279 = arith.constant 48 : i32
        %add3A_280 = arith.addi %select_n3A_262, %add3A_279 : i32
        %get3A_281 = arith.index_cast %select_n3A_246 : i32 to index
        %get3A_282 = arith.index_cast %add3A_280 : i32 to index
        %get3A_283 = tpu.vector_load %arg12[%get3A_281, %get3A_282] {strides = array<i32>} : memref<4x8192xf32, #tpu.memory_space<vmem>>, vector<16xf32>,
        %add3A_284 = arith.addf %add3A_217, %get3A_283 : vector<16xf32>
        scf.yield %add3A_266, %add3A_272, %add3A_278, %add3A_284 : vector<16xf32>, vector<16xf32>, vector<16xf32>, vector<16xf32>
      }
      %scan3A_118 = arith.constant 512 : i32
      %add3A_119 = arith.constant 12 : i32
      %add3A_120 = arith.addi %mul3A_78, %add3A_119 : i32
      %dma_start3A_121 = arith.constant 0 : i32
      %dma_start3A_122 = tpu.memref_slice %arg4[%add3A_120, %dma_start3A_121] : memref<4096x8192xf32, #tpu.memory_space<hbm>> -> memref<4x8192xf32, #tpu.memory_space<hbm>>
      %dma_start3A_123 = arith.constant 0 : i32
      %dma_start3A_124 = tpu.memref_slice %arg4[%add3A_120, %dma_start3A_123] : memref<4096x8192xf32, #tpu.memory_space<hbm>> -> memref<4x8192xf32, #tpu.memory_space<hbm>>
      tpu.enqueue_dma source(%dma_start3A_124 : memref<4x8192xf32, #tpu.memory_space<hbm>>) target(%arg12 : memref<4x8192xf32, #tpu.memory_space<vmem>>) target_semaphore(%arg18 : memref<!tpu.dma_semaphore, #tpu.memory_space<semaphore_mem>>)
      %add3A_125 = arith.constant 8 : i32
      %add3A_126 = arith.addi %mul3A_78, %add3A_125 : i32
      %dma_wait3A_127 = arith.constant 0 : i32
      %dma_wait3A_128 = tpu.memref_slice %arg4[%add3A_126, %dma_wait3A_127] : memref<4096x8192xf32, #tpu.memory_space<hbm>> -> memref<4x8192xf32, #tpu.memory_space<hbm>>
      %dma_wait3A_129 = arith.constant 0 : i32
      %dma_wait3A_130 = tpu.memref_slice %arg4[%add3A_126, %dma_wait3A_129] : memref<4096x8192xf32, #tpu.memory_space<hbm>> -> memref<4x8192xf32, #tpu.memory_space<hbm>>
      tpu.wait_dma2 semaphore(%arg17 : memref<!tpu.dma_semaphore, #tpu.memory_space<semaphore_mem>>) src(%dma_wait3A_130 : memref<4x8192xf32, #tpu.memory_space<hbm>>) dst(%arg11 : memref<4x8192xf32, #tpu.memory_space<vmem>>)
      %scan3A_131 = arith.constant 0 : i32
      %scan3A_132 = arith.constant 512 : i32
      %scan3A_133 = arith.addi %scan3A_131, %scan3A_132 : i32
      %scan3A_134 = arith.constant 2 : i32
      %scan3A_135:4 = scf.for %scan3A_156 = %scan3A_131 to %scan3A_133 step %scan3A_134 iter_args(%scan3A_157 = %scan3A_117#0, %scan3A_158 = %scan3A_117#1, %scan3A_159 = %scan3A_117#2, %scan3A_160 = %scan3A_117#3) -> (vector<16xf32>, vector<16xf32>, vector<16xf32>, vector<16xf32>)  : i32 {
        %mul3A_161 = arith.constant 64 : i32
        %mul3A_162 = arith.muli %scan3A_156, %mul3A_161 : i32
        %multiple_of3A_163 = tpu.assume_multiple %mul3A_162, 16 : i32
        %jit3A = arith.constant 128 : i32
        %div3A = arith.divsi %scan3A_156, %jit3A : i32
        %sign3A = arith.constant 0 : i32
        %sign3A_164 = arith.cmpi sgt, %scan3A_156, %sign3A : i32
        %sign3A_165 = arith.extui %sign3A_164 : i1 to i32
        %sign3A_166 = arith.constant 0 : i32
        %sign3A_167 = arith.cmpi slt, %scan3A_156, %sign3A_166 : i32
        %sign3A_168 = arith.extui %sign3A_167 : i1 to i32
        %sign3A_169 = arith.subi %sign3A_165, %sign3A_168 : i32
        %sign3A_170 = arith.constant 0 : i32
        %sign3A_171 = arith.cmpi sgt, %jit3A, %sign3A_170 : i32
        %sign3A_172 = arith.extui %sign3A_171 : i1 to i32
        %sign3A_173 = arith.constant 0 : i32
        %sign3A_174 = arith.cmpi slt, %jit3A, %sign3A_173 : i32
        %sign3A_175 = arith.extui %sign3A_174 : i1 to i32
        %sign3A_176 = arith.subi %sign3A_172, %sign3A_175 : i32
        %ne3A = arith.cmpi ne, %sign3A_169, %sign3A_176 : i32
        %rem3A = arith.remsi %scan3A_156, %jit3A : i32
        %ne3A_177 = arith.constant 0 : i32
        %ne3A_178 = arith.cmpi ne, %rem3A, %ne3A_177 : i32
        %and3A = arith.andi %ne3A, %ne3A_178 : i1
        %sub3A = arith.constant 1 : i32
        %sub3A_179 = arith.subi %div3A, %sub3A : i32
        %select_n3A = arith.select %and3A, %sub3A_179, %div3A : i32
        %jit3A_180 = arith.constant 8192 : i32
        %eq3A_181 = arith.constant 0 : i32
        %eq3A_182 = arith.cmpi eq, %jit3A_180, %eq3A_181 : i32
        %jit3A_183 = arith.constant 1 : i32
        %select_n3A_184 = arith.select %eq3A_182, %jit3A_183, %jit3A_180 : i32
        %rem3A_185 = arith.remsi %multiple_of3A_163, %select_n3A_184 : i32
        %ne3A_186 = arith.constant 0 : i32
        %ne3A_187 = arith.cmpi ne, %rem3A_185, %ne3A_186 : i32
        %lt3A_188 = arith.constant 0 : i32
        %lt3A_189 = arith.cmpi slt, %rem3A_185, %lt3A_188 : i32
        %lt3A_190 = arith.constant 0 : i32
        %lt3A_191 = arith.cmpi slt, %select_n3A_184, %lt3A_190 : i32
        %ne3A_192 = arith.xori %lt3A_189, %lt3A_191 : i1
        %and3A_193 = arith.andi %ne3A_192, %ne3A_187 : i1
        %add3A_194 = arith.addi %rem3A_185, %select_n3A_184 : i32
        %select_n3A_195 = arith.select %and3A_193, %add3A_194, %rem3A_185 : i32
        %get3A_196 = arith.index_cast %select_n3A : i32 to index
        %get3A_197 = arith.index_cast %select_n3A_195 : i32 to index
        %get3A_198 = tpu.vector_load %arg11[%get3A_196, %get3A_197] {strides = array<i32>} : memref<4x8192xf32, #tpu.memory_space<vmem>>, vector<16xf32>,
        %add3A_199 = arith.addf %scan3A_157, %get3A_198 : vector<16xf32>
        %add3A_200 = arith.constant 16 : i32
        %add3A_201 = arith.addi %select_n3A_195, %add3A_200 : i32
        %get3A_202 = arith.index_cast %select_n3A : i32 to index
        %get3A_203 = arith.index_cast %add3A_201 : i32 to index
        %get3A_204 = tpu.vector_load %arg11[%get3A_202, %get3A_203] {strides = array<i32>} : memref<4x8192xf32, #tpu.memory_space<vmem>>, vector<16xf32>,
        %add3A_205 = arith.addf %scan3A_158, %get3A_204 : vector<16xf32>
        %add3A_206 = arith.constant 32 : i32
        %add3A_207 = arith.addi %select_n3A_195, %add3A_206 : i32
        %get3A_208 = arith.index_cast %select_n3A : i32 to index
        %get3A_209 = arith.index_cast %add3A_207 : i32 to index
        %get3A_210 = tpu.vector_load %arg11[%get3A_208, %get3A_209] {strides = array<i32>} : memref<4x8192xf32, #tpu.memory_space<vmem>>, vector<16xf32>,
        %add3A_211 = arith.addf %scan3A_159, %get3A_210 : vector<16xf32>
        %add3A_212 = arith.constant 48 : i32
        %add3A_213 = arith.addi %select_n3A_195, %add3A_212 : i32
        %get3A_214 = arith.index_cast %select_n3A : i32 to index
        %get3A_215 = arith.index_cast %add3A_213 : i32 to index
        %get3A_216 = tpu.vector_load %arg11[%get3A_214, %get3A_215] {strides = array<i32>} : memref<4x8192xf32, #tpu.memory_space<vmem>>, vector<16xf32>,
        %add3A_217 = arith.addf %scan3A_160, %get3A_216 : vector<16xf32>
        %scan3A_218 = arith.constant 1 : i32
        %scan3A_219 = arith.addi %scan3A_156, %scan3A_218 : i32
        %mul3A_220 = arith.constant 64 : i32
        %mul3A_221 = arith.muli %scan3A_219, %mul3A_220 : i32
        %multiple_of3A_222 = tpu.assume_multiple %mul3A_221, 16 : i32
        %jit3A_223 = arith.constant 128 : i32
        %div3A_224 = arith.divsi %scan3A_219, %jit3A_223 : i32
        %sign3A_225 = arith.constant 0 : i32
        %sign3A_226 = arith.cmpi sgt, %scan3A_219, %sign3A_225 : i32
        %sign3A_227 = arith.extui %sign3A_226 : i1 to i32
        %sign3A_228 = arith.constant 0 : i32
        %sign3A_229 = arith.cmpi slt, %scan3A_219, %sign3A_228 : i32
        %sign3A_230 = arith.extui %sign3A_229 : i1 to i32
        %sign3A_231 = arith.subi %sign3A_227, %sign3A_230 : i32
        %sign3A_232 = arith.constant 0 : i32
        %sign3A_233 = arith.cmpi sgt, %jit3A_223, %sign3A_232 : i32
        %sign3A_234 = arith.extui %sign3A_233 : i1 to i32
        %sign3A_235 = arith.constant 0 : i32
        %sign3A_236 = arith.cmpi slt, %jit3A_223, %sign3A_235 : i32
        %sign3A_237 = arith.extui %sign3A_236 : i1 to i32
        %sign3A_238 = arith.subi %sign3A_234, %sign3A_237 : i32
        %ne3A_239 = arith.cmpi ne, %sign3A_231, %sign3A_238 : i32
        %rem3A_240 = arith.remsi %scan3A_219, %jit3A_223 : i32
        %ne3A_241 = arith.constant 0 : i32
        %ne3A_242 = arith.cmpi ne, %rem3A_240, %ne3A_241 : i32
        %and3A_243 = arith.andi %ne3A_239, %ne3A_242 : i1
        %sub3A_244 = arith.constant 1 : i32
        %sub3A_245 = arith.subi %div3A_224, %sub3A_244 : i32
        %select_n3A_246 = arith.select %and3A_243, %sub3A_245, %div3A_224 : i32
        %jit3A_247 = arith.constant 8192 : i32
        %eq3A_248 = arith.constant 0 : i32
        %eq3A_249 = arith.cmpi eq, %jit3A_247, %eq3A_248 : i32
        %jit3A_250 = arith.constant 1 : i32
        %select_n3A_251 = arith.select %eq3A_249, %jit3A_250, %jit3A_247 : i32
        %rem3A_252 = arith.remsi %multiple_of3A_222, %select_n3A_251 : i32
        %ne3A_253 = arith.constant 0 : i32
        %ne3A_254 = arith.cmpi ne, %rem3A_252, %ne3A_253 : i32
        %lt3A_255 = arith.constant 0 : i32
        %lt3A_256 = arith.cmpi slt, %rem3A_252, %lt3A_255 : i32
        %lt3A_257 = arith.constant 0 : i32
        %lt3A_258 = arith.cmpi slt, %select_n3A_251, %lt3A_257 : i32
        %ne3A_259 = arith.xori %lt3A_256, %lt3A_258 : i1
        %and3A_260 = arith.andi %ne3A_259, %ne3A_254 : i1
        %add3A_261 = arith.addi %rem3A_252, %select_n3A_251 : i32
        %select_n3A_262 = arith.select %and3A_260, %add3A_261, %rem3A_252 : i32
        %get3A_263 = arith.index_cast %select_n3A_246 : i32 to index
        %get3A_264 = arith.index_cast %select_n3A_262 : i32 to index
        %get3A_265 = tpu.vector_load %arg11[%get3A_263, %get3A_264] {strides = array<i32>} : memref<4x8192xf32, #tpu.memory_space<vmem>>, vector<16xf32>,
        %add3A_266 = arith.addf %add3A_199, %get3A_265 : vector<16xf32>
        %add3A_267 = arith.constant 16 : i32
        %add3A_268 = arith.addi %select_n3A_262, %add3A_267 : i32
        %get3A_269 = arith.index_cast %select_n3A_246 : i32 to index
        %get3A_270 = arith.index_cast %add3A_268 : i32 to index
        %get3A_271 = tpu.vector_load %arg11[%get3A_269, %get3A_270] {strides = array<i32>} : memref<4x8192xf32, #tpu.memory_space<vmem>>, vector<16xf32>,
        %add3A_272 = arith.addf %add3A_205, %get3A_271 : vector<16xf32>
        %add3A_273 = arith.constant 32 : i32
        %add3A_274 = arith.addi %select_n3A_262, %add3A_273 : i32
        %get3A_275 = arith.index_cast %select_n3A_246 : i32 to index
        %get3A_276 = arith.index_cast %add3A_274 : i32 to index
        %get3A_277 = tpu.vector_load %arg11[%get3A_275, %get3A_276] {strides = array<i32>} : memref<4x8192xf32, #tpu.memory_space<vmem>>, vector<16xf32>,
        %add3A_278 = arith.addf %add3A_211, %get3A_277 : vector<16xf32>
        %add3A_279 = arith.constant 48 : i32
        %add3A_280 = arith.addi %select_n3A_262, %add3A_279 : i32
        %get3A_281 = arith.index_cast %select_n3A_246 : i32 to index
        %get3A_282 = arith.index_cast %add3A_280 : i32 to index
        %get3A_283 = tpu.vector_load %arg11[%get3A_281, %get3A_282] {strides = array<i32>} : memref<4x8192xf32, #tpu.memory_space<vmem>>, vector<16xf32>,
        %add3A_284 = arith.addf %add3A_217, %get3A_283 : vector<16xf32>
        scf.yield %add3A_266, %add3A_272, %add3A_278, %add3A_284 : vector<16xf32>, vector<16xf32>, vector<16xf32>, vector<16xf32>
      }
      %scan3A_136 = arith.constant 512 : i32
      %add3A_137 = arith.constant 12 : i32
      %add3A_138 = arith.addi %mul3A_78, %add3A_137 : i32
      %dma_wait3A_139 = arith.constant 0 : i32
      %dma_wait3A_140 = tpu.memref_slice %arg4[%add3A_138, %dma_wait3A_139] : memref<4096x8192xf32, #tpu.memory_space<hbm>> -> memref<4x8192xf32, #tpu.memory_space<hbm>>
      %dma_wait3A_141 = arith.constant 0 : i32
      %dma_wait3A_142 = tpu.memref_slice %arg4[%add3A_138, %dma_wait3A_141] : memref<4096x8192xf32, #tpu.memory_space<hbm>> -> memref<4x8192xf32, #tpu.memory_space<hbm>>
      tpu.wait_dma2 semaphore(%arg18 : memref<!tpu.dma_semaphore, #tpu.memory_space<semaphore_mem>>) src(%dma_wait3A_142 : memref<4x8192xf32, #tpu.memory_space<hbm>>) dst(%arg12 : memref<4x8192xf32, #tpu.memory_space<vmem>>)
      %scan3A_143 = arith.constant 0 : i32
      %scan3A_144 = arith.constant 512 : i32
      %scan3A_145 = arith.addi %scan3A_143, %scan3A_144 : i32
      %scan3A_146 = arith.constant 2 : i32
      %scan3A_147:4 = scf.for %scan3A_156 = %scan3A_143 to %scan3A_145 step %scan3A_146 iter_args(%scan3A_157 = %scan3A_135#0, %scan3A_158 = %scan3A_135#1, %scan3A_159 = %scan3A_135#2, %scan3A_160 = %scan3A_135#3) -> (vector<16xf32>, vector<16xf32>, vector<16xf32>, vector<16xf32>)  : i32 {
        %mul3A_161 = arith.constant 64 : i32
        %mul3A_162 = arith.muli %scan3A_156, %mul3A_161 : i32
        %multiple_of3A_163 = tpu.assume_multiple %mul3A_162, 16 : i32
        %jit3A = arith.constant 128 : i32
        %div3A = arith.divsi %scan3A_156, %jit3A : i32
        %sign3A = arith.constant 0 : i32
        %sign3A_164 = arith.cmpi sgt, %scan3A_156, %sign3A : i32
        %sign3A_165 = arith.extui %sign3A_164 : i1 to i32
        %sign3A_166 = arith.constant 0 : i32
        %sign3A_167 = arith.cmpi slt, %scan3A_156, %sign3A_166 : i32
        %sign3A_168 = arith.extui %sign3A_167 : i1 to i32
        %sign3A_169 = arith.subi %sign3A_165, %sign3A_168 : i32
        %sign3A_170 = arith.constant 0 : i32
        %sign3A_171 = arith.cmpi sgt, %jit3A, %sign3A_170 : i32
        %sign3A_172 = arith.extui %sign3A_171 : i1 to i32
        %sign3A_173 = arith.constant 0 : i32
        %sign3A_174 = arith.cmpi slt, %jit3A, %sign3A_173 : i32
        %sign3A_175 = arith.extui %sign3A_174 : i1 to i32
        %sign3A_176 = arith.subi %sign3A_172, %sign3A_175 : i32
        %ne3A = arith.cmpi ne, %sign3A_169, %sign3A_176 : i32
        %rem3A = arith.remsi %scan3A_156, %jit3A : i32
        %ne3A_177 = arith.constant 0 : i32
        %ne3A_178 = arith.cmpi ne, %rem3A, %ne3A_177 : i32
        %and3A = arith.andi %ne3A, %ne3A_178 : i1
        %sub3A = arith.constant 1 : i32
        %sub3A_179 = arith.subi %div3A, %sub3A : i32
        %select_n3A = arith.select %and3A, %sub3A_179, %div3A : i32
        %jit3A_180 = arith.constant 8192 : i32
        %eq3A_181 = arith.constant 0 : i32
        %eq3A_182 = arith.cmpi eq, %jit3A_180, %eq3A_181 : i32
        %jit3A_183 = arith.constant 1 : i32
        %select_n3A_184 = arith.select %eq3A_182, %jit3A_183, %jit3A_180 : i32
        %rem3A_185 = arith.remsi %multiple_of3A_163, %select_n3A_184 : i32
        %ne3A_186 = arith.constant 0 : i32
        %ne3A_187 = arith.cmpi ne, %rem3A_185, %ne3A_186 : i32
        %lt3A_188 = arith.constant 0 : i32
        %lt3A_189 = arith.cmpi slt, %rem3A_185, %lt3A_188 : i32
        %lt3A_190 = arith.constant 0 : i32
        %lt3A_191 = arith.cmpi slt, %select_n3A_184, %lt3A_190 : i32
        %ne3A_192 = arith.xori %lt3A_189, %lt3A_191 : i1
        %and3A_193 = arith.andi %ne3A_192, %ne3A_187 : i1
        %add3A_194 = arith.addi %rem3A_185, %select_n3A_184 : i32
        %select_n3A_195 = arith.select %and3A_193, %add3A_194, %rem3A_185 : i32
        %get3A_196 = arith.index_cast %select_n3A : i32 to index
        %get3A_197 = arith.index_cast %select_n3A_195 : i32 to index
        %get3A_198 = tpu.vector_load %arg12[%get3A_196, %get3A_197] {strides = array<i32>} : memref<4x8192xf32, #tpu.memory_space<vmem>>, vector<16xf32>,
        %add3A_199 = arith.addf %scan3A_157, %get3A_198 : vector<16xf32>
        %add3A_200 = arith.constant 16 : i32
        %add3A_201 = arith.addi %select_n3A_195, %add3A_200 : i32
        %get3A_202 = arith.index_cast %select_n3A : i32 to index
        %get3A_203 = arith.index_cast %add3A_201 : i32 to index
        %get3A_204 = tpu.vector_load %arg12[%get3A_202, %get3A_203] {strides = array<i32>} : memref<4x8192xf32, #tpu.memory_space<vmem>>, vector<16xf32>,
        %add3A_205 = arith.addf %scan3A_158, %get3A_204 : vector<16xf32>
        %add3A_206 = arith.constant 32 : i32
        %add3A_207 = arith.addi %select_n3A_195, %add3A_206 : i32
        %get3A_208 = arith.index_cast %select_n3A : i32 to index
        %get3A_209 = arith.index_cast %add3A_207 : i32 to index
        %get3A_210 = tpu.vector_load %arg12[%get3A_208, %get3A_209] {strides = array<i32>} : memref<4x8192xf32, #tpu.memory_space<vmem>>, vector<16xf32>,
        %add3A_211 = arith.addf %scan3A_159, %get3A_210 : vector<16xf32>
        %add3A_212 = arith.constant 48 : i32
        %add3A_213 = arith.addi %select_n3A_195, %add3A_212 : i32
        %get3A_214 = arith.index_cast %select_n3A : i32 to index
        %get3A_215 = arith.index_cast %add3A_213 : i32 to index
        %get3A_216 = tpu.vector_load %arg12[%get3A_214, %get3A_215] {strides = array<i32>} : memref<4x8192xf32, #tpu.memory_space<vmem>>, vector<16xf32>,
        %add3A_217 = arith.addf %scan3A_160, %get3A_216 : vector<16xf32>
        %scan3A_218 = arith.constant 1 : i32
        %scan3A_219 = arith.addi %scan3A_156, %scan3A_218 : i32
        %mul3A_220 = arith.constant 64 : i32
        %mul3A_221 = arith.muli %scan3A_219, %mul3A_220 : i32
        %multiple_of3A_222 = tpu.assume_multiple %mul3A_221, 16 : i32
        %jit3A_223 = arith.constant 128 : i32
        %div3A_224 = arith.divsi %scan3A_219, %jit3A_223 : i32
        %sign3A_225 = arith.constant 0 : i32
        %sign3A_226 = arith.cmpi sgt, %scan3A_219, %sign3A_225 : i32
        %sign3A_227 = arith.extui %sign3A_226 : i1 to i32
        %sign3A_228 = arith.constant 0 : i32
        %sign3A_229 = arith.cmpi slt, %scan3A_219, %sign3A_228 : i32
        %sign3A_230 = arith.extui %sign3A_229 : i1 to i32
        %sign3A_231 = arith.subi %sign3A_227, %sign3A_230 : i32
        %sign3A_232 = arith.constant 0 : i32
        %sign3A_233 = arith.cmpi sgt, %jit3A_223, %sign3A_232 : i32
        %sign3A_234 = arith.extui %sign3A_233 : i1 to i32
        %sign3A_235 = arith.constant 0 : i32
        %sign3A_236 = arith.cmpi slt, %jit3A_223, %sign3A_235 : i32
        %sign3A_237 = arith.extui %sign3A_236 : i1 to i32
        %sign3A_238 = arith.subi %sign3A_234, %sign3A_237 : i32
        %ne3A_239 = arith.cmpi ne, %sign3A_231, %sign3A_238 : i32
        %rem3A_240 = arith.remsi %scan3A_219, %jit3A_223 : i32
        %ne3A_241 = arith.constant 0 : i32
        %ne3A_242 = arith.cmpi ne, %rem3A_240, %ne3A_241 : i32
        %and3A_243 = arith.andi %ne3A_239, %ne3A_242 : i1
        %sub3A_244 = arith.constant 1 : i32
        %sub3A_245 = arith.subi %div3A_224, %sub3A_244 : i32
        %select_n3A_246 = arith.select %and3A_243, %sub3A_245, %div3A_224 : i32
        %jit3A_247 = arith.constant 8192 : i32
        %eq3A_248 = arith.constant 0 : i32
        %eq3A_249 = arith.cmpi eq, %jit3A_247, %eq3A_248 : i32
        %jit3A_250 = arith.constant 1 : i32
        %select_n3A_251 = arith.select %eq3A_249, %jit3A_250, %jit3A_247 : i32
        %rem3A_252 = arith.remsi %multiple_of3A_222, %select_n3A_251 : i32
        %ne3A_253 = arith.constant 0 : i32
        %ne3A_254 = arith.cmpi ne, %rem3A_252, %ne3A_253 : i32
        %lt3A_255 = arith.constant 0 : i32
        %lt3A_256 = arith.cmpi slt, %rem3A_252, %lt3A_255 : i32
        %lt3A_257 = arith.constant 0 : i32
        %lt3A_258 = arith.cmpi slt, %select_n3A_251, %lt3A_257 : i32
        %ne3A_259 = arith.xori %lt3A_256, %lt3A_258 : i1
        %and3A_260 = arith.andi %ne3A_259, %ne3A_254 : i1
        %add3A_261 = arith.addi %rem3A_252, %select_n3A_251 : i32
        %select_n3A_262 = arith.select %and3A_260, %add3A_261, %rem3A_252 : i32
        %get3A_263 = arith.index_cast %select_n3A_246 : i32 to index
        %get3A_264 = arith.index_cast %select_n3A_262 : i32 to index
        %get3A_265 = tpu.vector_load %arg12[%get3A_263, %get3A_264] {strides = array<i32>} : memref<4x8192xf32, #tpu.memory_space<vmem>>, vector<16xf32>,
        %add3A_266 = arith.addf %add3A_199, %get3A_265 : vector<16xf32>
        %add3A_267 = arith.constant 16 : i32
        %add3A_268 = arith.addi %select_n3A_262, %add3A_267 : i32
        %get3A_269 = arith.index_cast %select_n3A_246 : i32 to index
        %get3A_270 = arith.index_cast %add3A_268 : i32 to index
        %get3A_271 = tpu.vector_load %arg12[%get3A_269, %get3A_270] {strides = array<i32>} : memref<4x8192xf32, #tpu.memory_space<vmem>>, vector<16xf32>,
        %add3A_272 = arith.addf %add3A_205, %get3A_271 : vector<16xf32>
        %add3A_273 = arith.constant 32 : i32
        %add3A_274 = arith.addi %select_n3A_262, %add3A_273 : i32
        %get3A_275 = arith.index_cast %select_n3A_246 : i32 to index
        %get3A_276 = arith.index_cast %add3A_274 : i32 to index
        %get3A_277 = tpu.vector_load %arg12[%get3A_275, %get3A_276] {strides = array<i32>} : memref<4x8192xf32, #tpu.memory_space<vmem>>, vector<16xf32>,
        %add3A_278 = arith.addf %add3A_211, %get3A_277 : vector<16xf32>
        %add3A_279 = arith.constant 48 : i32
        %add3A_280 = arith.addi %select_n3A_262, %add3A_279 : i32
        %get3A_281 = arith.index_cast %select_n3A_246 : i32 to index
        %get3A_282 = arith.index_cast %add3A_280 : i32 to index
        %get3A_283 = tpu.vector_load %arg12[%get3A_281, %get3A_282] {strides = array<i32>} : memref<4x8192xf32, #tpu.memory_space<vmem>>, vector<16xf32>,
        %add3A_284 = arith.addf %add3A_217, %get3A_283 : vector<16xf32>
        scf.yield %add3A_266, %add3A_272, %add3A_278, %add3A_284 : vector<16xf32>, vector<16xf32>, vector<16xf32>, vector<16xf32>
      }
      %scan3A_148 = arith.constant 512 : i32
      %add3A_149 = arith.addf %scan3A_147#0, %scan3A_147#1 : vector<16xf32>
      %add3A_150 = arith.addf %scan3A_147#2, %scan3A_147#3 : vector<16xf32>
      %add3A_151 = arith.addf %add3A_149, %add3A_150 : vector<16xf32>
      %swap3A_152 = arith.constant 0 : index
      %swap3A_153 = tpu.vector_load %arg15[%swap3A_152] {strides = array<i32>} : memref<16xf32, #tpu.memory_space<vmem>>, vector<16xf32>,
      tpu.vector_store %arg15[%swap3A_152], %add3A_151 {strides = array<i32>} : memref<16xf32, #tpu.memory_space<vmem>>, vector<16xf32>,
      %mul3A_154 = arith.constant 16 : i32
      %mul3A_155 = arith.muli %add3A, %mul3A_154 : i32
      "tpu.region"() ({
        %run_scoped3A = tpu.sem_alloc : memref<!tpu.dma_semaphore, #tpu.memory_space<semaphore_mem>>
        %dma_start3A_156 = tpu.memref_slice %arg8[%mul3A_155] : memref<512xf32, #tpu.memory_space<hbm>> -> memref<16xf32, #tpu.memory_space<hbm>>
        %dma_start3A_157 = tpu.memref_slice %arg8[%mul3A_155] : memref<512xf32, #tpu.memory_space<hbm>> -> memref<16xf32, #tpu.memory_space<hbm>>
        tpu.enqueue_dma source(%arg15 : memref<16xf32, #tpu.memory_space<vmem>>) target(%dma_start3A_157 : memref<16xf32, #tpu.memory_space<hbm>>) target_semaphore(%run_scoped3A : memref<!tpu.dma_semaphore, #tpu.memory_space<semaphore_mem>>)
        %dma_wait3A_158 = tpu.memref_slice %arg8[%mul3A_155] : memref<512xf32, #tpu.memory_space<hbm>> -> memref<16xf32, #tpu.memory_space<hbm>>
        %dma_wait3A_159 = tpu.memref_slice %arg8[%mul3A_155] : memref<512xf32, #tpu.memory_space<hbm>> -> memref<16xf32, #tpu.memory_space<hbm>>
        tpu.wait_dma2 semaphore(%run_scoped3A : memref<!tpu.dma_semaphore, #tpu.memory_space<semaphore_mem>>) src(%arg15 : memref<16xf32, #tpu.memory_space<vmem>>) dst(%dma_wait3A_159 : memref<16xf32, #tpu.memory_space<hbm>>)
        tpu.yield
      }) : () -> ()
    } else {
    }
    %ge3A = arith.constant 16 : i32
    %ge3A_61 = arith.cmpi sge, %add3A, %ge3A : i32
    %convert_element_type3A_62 = arith.extui %ge3A_61 : i1 to i32
    %cond3A_63 = arith.constant 0 : i32
    %cond3A_64 = arith.cmpi ne, %convert_element_type3A_62, %cond3A_63 : i32
    scf.if %cond3A_64 {
      %sub3A = arith.constant 16 : i32
      %sub3A_77 = arith.subi %add3A, %sub3A : i32
      %mul3A_78 = arith.constant 16 : i32
      %mul3A_79 = arith.muli %sub3A_77, %mul3A_78 : i32
      %dma_start3A_80 = arith.constant 0 : i32
      %dma_start3A_81 = tpu.memref_slice %arg5[%mul3A_79, %dma_start3A_80] : memref<4096x8192xf32, #tpu.memory_space<hbm>> -> memref<4x8192xf32, #tpu.memory_space<hbm>>
      %dma_start3A_82 = arith.constant 0 : i32
      %dma_start3A_83 = tpu.memref_slice %arg5[%mul3A_79, %dma_start3A_82] : memref<4096x8192xf32, #tpu.memory_space<hbm>> -> memref<4x8192xf32, #tpu.memory_space<hbm>>
      tpu.enqueue_dma source(%dma_start3A_83 : memref<4x8192xf32, #tpu.memory_space<hbm>>) target(%arg11 : memref<4x8192xf32, #tpu.memory_space<vmem>>) target_semaphore(%arg17 : memref<!tpu.dma_semaphore, #tpu.memory_space<semaphore_mem>>)
      %broadcast_in_dim3A = arith.constant 0.000000e+00 : f32
      %broadcast_in_dim3A_84 = vector.broadcast %broadcast_in_dim3A : f32 to vector<16xf32>
      %add3A_85 = arith.constant 4 : i32
      %add3A_86 = arith.addi %mul3A_79, %add3A_85 : i32
      %dma_start3A_87 = arith.constant 0 : i32
      %dma_start3A_88 = tpu.memref_slice %arg5[%add3A_86, %dma_start3A_87] : memref<4096x8192xf32, #tpu.memory_space<hbm>> -> memref<4x8192xf32, #tpu.memory_space<hbm>>
      %dma_start3A_89 = arith.constant 0 : i32
      %dma_start3A_90 = tpu.memref_slice %arg5[%add3A_86, %dma_start3A_89] : memref<4096x8192xf32, #tpu.memory_space<hbm>> -> memref<4x8192xf32, #tpu.memory_space<hbm>>
      tpu.enqueue_dma source(%dma_start3A_90 : memref<4x8192xf32, #tpu.memory_space<hbm>>) target(%arg12 : memref<4x8192xf32, #tpu.memory_space<vmem>>) target_semaphore(%arg18 : memref<!tpu.dma_semaphore, #tpu.memory_space<semaphore_mem>>)
      %add3A_91 = arith.constant 0 : i32
      %add3A_92 = arith.addi %mul3A_79, %add3A_91 : i32
      %dma_wait3A_93 = arith.constant 0 : i32
      %dma_wait3A_94 = tpu.memref_slice %arg5[%add3A_92, %dma_wait3A_93] : memref<4096x8192xf32, #tpu.memory_space<hbm>> -> memref<4x8192xf32, #tpu.memory_space<hbm>>
      %dma_wait3A_95 = arith.constant 0 : i32
      %dma_wait3A_96 = tpu.memref_slice %arg5[%add3A_92, %dma_wait3A_95] : memref<4096x8192xf32, #tpu.memory_space<hbm>> -> memref<4x8192xf32, #tpu.memory_space<hbm>>
      tpu.wait_dma2 semaphore(%arg17 : memref<!tpu.dma_semaphore, #tpu.memory_space<semaphore_mem>>) src(%dma_wait3A_96 : memref<4x8192xf32, #tpu.memory_space<hbm>>) dst(%arg11 : memref<4x8192xf32, #tpu.memory_space<vmem>>)
      %scan3A = arith.constant 0 : i32
      %scan3A_97 = arith.constant 512 : i32
      %scan3A_98 = arith.addi %scan3A, %scan3A_97 : i32
      %scan3A_99 = arith.constant 2 : i32
      %scan3A_100:4 = scf.for %scan3A_157 = %scan3A to %scan3A_98 step %scan3A_99 iter_args(%scan3A_158 = %broadcast_in_dim3A_84, %scan3A_159 = %broadcast_in_dim3A_84, %scan3A_160 = %broadcast_in_dim3A_84, %scan3A_161 = %broadcast_in_dim3A_84) -> (vector<16xf32>, vector<16xf32>, vector<16xf32>, vector<16xf32>)  : i32 {
        %mul3A_162 = arith.constant 64 : i32
        %mul3A_163 = arith.muli %scan3A_157, %mul3A_162 : i32
        %multiple_of3A_164 = tpu.assume_multiple %mul3A_163, 16 : i32
        %jit3A = arith.constant 128 : i32
        %div3A = arith.divsi %scan3A_157, %jit3A : i32
        %sign3A = arith.constant 0 : i32
        %sign3A_165 = arith.cmpi sgt, %scan3A_157, %sign3A : i32
        %sign3A_166 = arith.extui %sign3A_165 : i1 to i32
        %sign3A_167 = arith.constant 0 : i32
        %sign3A_168 = arith.cmpi slt, %scan3A_157, %sign3A_167 : i32
        %sign3A_169 = arith.extui %sign3A_168 : i1 to i32
        %sign3A_170 = arith.subi %sign3A_166, %sign3A_169 : i32
        %sign3A_171 = arith.constant 0 : i32
        %sign3A_172 = arith.cmpi sgt, %jit3A, %sign3A_171 : i32
        %sign3A_173 = arith.extui %sign3A_172 : i1 to i32
        %sign3A_174 = arith.constant 0 : i32
        %sign3A_175 = arith.cmpi slt, %jit3A, %sign3A_174 : i32
        %sign3A_176 = arith.extui %sign3A_175 : i1 to i32
        %sign3A_177 = arith.subi %sign3A_173, %sign3A_176 : i32
        %ne3A = arith.cmpi ne, %sign3A_170, %sign3A_177 : i32
        %rem3A = arith.remsi %scan3A_157, %jit3A : i32
        %ne3A_178 = arith.constant 0 : i32
        %ne3A_179 = arith.cmpi ne, %rem3A, %ne3A_178 : i32
        %and3A = arith.andi %ne3A, %ne3A_179 : i1
        %sub3A_180 = arith.constant 1 : i32
        %sub3A_181 = arith.subi %div3A, %sub3A_180 : i32
        %select_n3A = arith.select %and3A, %sub3A_181, %div3A : i32
        %jit3A_182 = arith.constant 8192 : i32
        %eq3A_183 = arith.constant 0 : i32
        %eq3A_184 = arith.cmpi eq, %jit3A_182, %eq3A_183 : i32
        %jit3A_185 = arith.constant 1 : i32
        %select_n3A_186 = arith.select %eq3A_184, %jit3A_185, %jit3A_182 : i32
        %rem3A_187 = arith.remsi %multiple_of3A_164, %select_n3A_186 : i32
        %ne3A_188 = arith.constant 0 : i32
        %ne3A_189 = arith.cmpi ne, %rem3A_187, %ne3A_188 : i32
        %lt3A_190 = arith.constant 0 : i32
        %lt3A_191 = arith.cmpi slt, %rem3A_187, %lt3A_190 : i32
        %lt3A_192 = arith.constant 0 : i32
        %lt3A_193 = arith.cmpi slt, %select_n3A_186, %lt3A_192 : i32
        %ne3A_194 = arith.xori %lt3A_191, %lt3A_193 : i1
        %and3A_195 = arith.andi %ne3A_194, %ne3A_189 : i1
        %add3A_196 = arith.addi %rem3A_187, %select_n3A_186 : i32
        %select_n3A_197 = arith.select %and3A_195, %add3A_196, %rem3A_187 : i32
        %get3A_198 = arith.index_cast %select_n3A : i32 to index
        %get3A_199 = arith.index_cast %select_n3A_197 : i32 to index
        %get3A_200 = tpu.vector_load %arg11[%get3A_198, %get3A_199] {strides = array<i32>} : memref<4x8192xf32, #tpu.memory_space<vmem>>, vector<16xf32>,
        %add3A_201 = arith.addf %scan3A_158, %get3A_200 : vector<16xf32>
        %add3A_202 = arith.constant 16 : i32
        %add3A_203 = arith.addi %select_n3A_197, %add3A_202 : i32
        %get3A_204 = arith.index_cast %select_n3A : i32 to index
        %get3A_205 = arith.index_cast %add3A_203 : i32 to index
        %get3A_206 = tpu.vector_load %arg11[%get3A_204, %get3A_205] {strides = array<i32>} : memref<4x8192xf32, #tpu.memory_space<vmem>>, vector<16xf32>,
        %add3A_207 = arith.addf %scan3A_159, %get3A_206 : vector<16xf32>
        %add3A_208 = arith.constant 32 : i32
        %add3A_209 = arith.addi %select_n3A_197, %add3A_208 : i32
        %get3A_210 = arith.index_cast %select_n3A : i32 to index
        %get3A_211 = arith.index_cast %add3A_209 : i32 to index
        %get3A_212 = tpu.vector_load %arg11[%get3A_210, %get3A_211] {strides = array<i32>} : memref<4x8192xf32, #tpu.memory_space<vmem>>, vector<16xf32>,
        %add3A_213 = arith.addf %scan3A_160, %get3A_212 : vector<16xf32>
        %add3A_214 = arith.constant 48 : i32
        %add3A_215 = arith.addi %select_n3A_197, %add3A_214 : i32
        %get3A_216 = arith.index_cast %select_n3A : i32 to index
        %get3A_217 = arith.index_cast %add3A_215 : i32 to index
        %get3A_218 = tpu.vector_load %arg11[%get3A_216, %get3A_217] {strides = array<i32>} : memref<4x8192xf32, #tpu.memory_space<vmem>>, vector<16xf32>,
        %add3A_219 = arith.addf %scan3A_161, %get3A_218 : vector<16xf32>
        %scan3A_220 = arith.constant 1 : i32
        %scan3A_221 = arith.addi %scan3A_157, %scan3A_220 : i32
        %mul3A_222 = arith.constant 64 : i32
        %mul3A_223 = arith.muli %scan3A_221, %mul3A_222 : i32
        %multiple_of3A_224 = tpu.assume_multiple %mul3A_223, 16 : i32
        %jit3A_225 = arith.constant 128 : i32
        %div3A_226 = arith.divsi %scan3A_221, %jit3A_225 : i32
        %sign3A_227 = arith.constant 0 : i32
        %sign3A_228 = arith.cmpi sgt, %scan3A_221, %sign3A_227 : i32
        %sign3A_229 = arith.extui %sign3A_228 : i1 to i32
        %sign3A_230 = arith.constant 0 : i32
        %sign3A_231 = arith.cmpi slt, %scan3A_221, %sign3A_230 : i32
        %sign3A_232 = arith.extui %sign3A_231 : i1 to i32
        %sign3A_233 = arith.subi %sign3A_229, %sign3A_232 : i32
        %sign3A_234 = arith.constant 0 : i32
        %sign3A_235 = arith.cmpi sgt, %jit3A_225, %sign3A_234 : i32
        %sign3A_236 = arith.extui %sign3A_235 : i1 to i32
        %sign3A_237 = arith.constant 0 : i32
        %sign3A_238 = arith.cmpi slt, %jit3A_225, %sign3A_237 : i32
        %sign3A_239 = arith.extui %sign3A_238 : i1 to i32
        %sign3A_240 = arith.subi %sign3A_236, %sign3A_239 : i32
        %ne3A_241 = arith.cmpi ne, %sign3A_233, %sign3A_240 : i32
        %rem3A_242 = arith.remsi %scan3A_221, %jit3A_225 : i32
        %ne3A_243 = arith.constant 0 : i32
        %ne3A_244 = arith.cmpi ne, %rem3A_242, %ne3A_243 : i32
        %and3A_245 = arith.andi %ne3A_241, %ne3A_244 : i1
        %sub3A_246 = arith.constant 1 : i32
        %sub3A_247 = arith.subi %div3A_226, %sub3A_246 : i32
        %select_n3A_248 = arith.select %and3A_245, %sub3A_247, %div3A_226 : i32
        %jit3A_249 = arith.constant 8192 : i32
        %eq3A_250 = arith.constant 0 : i32
        %eq3A_251 = arith.cmpi eq, %jit3A_249, %eq3A_250 : i32
        %jit3A_252 = arith.constant 1 : i32
        %select_n3A_253 = arith.select %eq3A_251, %jit3A_252, %jit3A_249 : i32
        %rem3A_254 = arith.remsi %multiple_of3A_224, %select_n3A_253 : i32
        %ne3A_255 = arith.constant 0 : i32
        %ne3A_256 = arith.cmpi ne, %rem3A_254, %ne3A_255 : i32
        %lt3A_257 = arith.constant 0 : i32
        %lt3A_258 = arith.cmpi slt, %rem3A_254, %lt3A_257 : i32
        %lt3A_259 = arith.constant 0 : i32
        %lt3A_260 = arith.cmpi slt, %select_n3A_253, %lt3A_259 : i32
        %ne3A_261 = arith.xori %lt3A_258, %lt3A_260 : i1
        %and3A_262 = arith.andi %ne3A_261, %ne3A_256 : i1
        %add3A_263 = arith.addi %rem3A_254, %select_n3A_253 : i32
        %select_n3A_264 = arith.select %and3A_262, %add3A_263, %rem3A_254 : i32
        %get3A_265 = arith.index_cast %select_n3A_248 : i32 to index
        %get3A_266 = arith.index_cast %select_n3A_264 : i32 to index
        %get3A_267 = tpu.vector_load %arg11[%get3A_265, %get3A_266] {strides = array<i32>} : memref<4x8192xf32, #tpu.memory_space<vmem>>, vector<16xf32>,
        %add3A_268 = arith.addf %add3A_201, %get3A_267 : vector<16xf32>
        %add3A_269 = arith.constant 16 : i32
        %add3A_270 = arith.addi %select_n3A_264, %add3A_269 : i32
        %get3A_271 = arith.index_cast %select_n3A_248 : i32 to index
        %get3A_272 = arith.index_cast %add3A_270 : i32 to index
        %get3A_273 = tpu.vector_load %arg11[%get3A_271, %get3A_272] {strides = array<i32>} : memref<4x8192xf32, #tpu.memory_space<vmem>>, vector<16xf32>,
        %add3A_274 = arith.addf %add3A_207, %get3A_273 : vector<16xf32>
        %add3A_275 = arith.constant 32 : i32
        %add3A_276 = arith.addi %select_n3A_264, %add3A_275 : i32
        %get3A_277 = arith.index_cast %select_n3A_248 : i32 to index
        %get3A_278 = arith.index_cast %add3A_276 : i32 to index
        %get3A_279 = tpu.vector_load %arg11[%get3A_277, %get3A_278] {strides = array<i32>} : memref<4x8192xf32, #tpu.memory_space<vmem>>, vector<16xf32>,
        %add3A_280 = arith.addf %add3A_213, %get3A_279 : vector<16xf32>
        %add3A_281 = arith.constant 48 : i32
        %add3A_282 = arith.addi %select_n3A_264, %add3A_281 : i32
        %get3A_283 = arith.index_cast %select_n3A_248 : i32 to index
        %get3A_284 = arith.index_cast %add3A_282 : i32 to index
        %get3A_285 = tpu.vector_load %arg11[%get3A_283, %get3A_284] {strides = array<i32>} : memref<4x8192xf32, #tpu.memory_space<vmem>>, vector<16xf32>,
        %add3A_286 = arith.addf %add3A_219, %get3A_285 : vector<16xf32>
        scf.yield %add3A_268, %add3A_274, %add3A_280, %add3A_286 : vector<16xf32>, vector<16xf32>, vector<16xf32>, vector<16xf32>
      }
      %scan3A_101 = arith.constant 512 : i32
      %add3A_102 = arith.constant 8 : i32
      %add3A_103 = arith.addi %mul3A_79, %add3A_102 : i32
      %dma_start3A_104 = arith.constant 0 : i32
      %dma_start3A_105 = tpu.memref_slice %arg5[%add3A_103, %dma_start3A_104] : memref<4096x8192xf32, #tpu.memory_space<hbm>> -> memref<4x8192xf32, #tpu.memory_space<hbm>>
      %dma_start3A_106 = arith.constant 0 : i32
      %dma_start3A_107 = tpu.memref_slice %arg5[%add3A_103, %dma_start3A_106] : memref<4096x8192xf32, #tpu.memory_space<hbm>> -> memref<4x8192xf32, #tpu.memory_space<hbm>>
      tpu.enqueue_dma source(%dma_start3A_107 : memref<4x8192xf32, #tpu.memory_space<hbm>>) target(%arg11 : memref<4x8192xf32, #tpu.memory_space<vmem>>) target_semaphore(%arg17 : memref<!tpu.dma_semaphore, #tpu.memory_space<semaphore_mem>>)
      %add3A_108 = arith.constant 4 : i32
      %add3A_109 = arith.addi %mul3A_79, %add3A_108 : i32
      %dma_wait3A_110 = arith.constant 0 : i32
      %dma_wait3A_111 = tpu.memref_slice %arg5[%add3A_109, %dma_wait3A_110] : memref<4096x8192xf32, #tpu.memory_space<hbm>> -> memref<4x8192xf32, #tpu.memory_space<hbm>>
      %dma_wait3A_112 = arith.constant 0 : i32
      %dma_wait3A_113 = tpu.memref_slice %arg5[%add3A_109, %dma_wait3A_112] : memref<4096x8192xf32, #tpu.memory_space<hbm>> -> memref<4x8192xf32, #tpu.memory_space<hbm>>
      tpu.wait_dma2 semaphore(%arg18 : memref<!tpu.dma_semaphore, #tpu.memory_space<semaphore_mem>>) src(%dma_wait3A_113 : memref<4x8192xf32, #tpu.memory_space<hbm>>) dst(%arg12 : memref<4x8192xf32, #tpu.memory_space<vmem>>)
      %scan3A_114 = arith.constant 0 : i32
      %scan3A_115 = arith.constant 512 : i32
      %scan3A_116 = arith.addi %scan3A_114, %scan3A_115 : i32
      %scan3A_117 = arith.constant 2 : i32
      %scan3A_118:4 = scf.for %scan3A_157 = %scan3A_114 to %scan3A_116 step %scan3A_117 iter_args(%scan3A_158 = %scan3A_100#0, %scan3A_159 = %scan3A_100#1, %scan3A_160 = %scan3A_100#2, %scan3A_161 = %scan3A_100#3) -> (vector<16xf32>, vector<16xf32>, vector<16xf32>, vector<16xf32>)  : i32 {
        %mul3A_162 = arith.constant 64 : i32
        %mul3A_163 = arith.muli %scan3A_157, %mul3A_162 : i32
        %multiple_of3A_164 = tpu.assume_multiple %mul3A_163, 16 : i32
        %jit3A = arith.constant 128 : i32
        %div3A = arith.divsi %scan3A_157, %jit3A : i32
        %sign3A = arith.constant 0 : i32
        %sign3A_165 = arith.cmpi sgt, %scan3A_157, %sign3A : i32
        %sign3A_166 = arith.extui %sign3A_165 : i1 to i32
        %sign3A_167 = arith.constant 0 : i32
        %sign3A_168 = arith.cmpi slt, %scan3A_157, %sign3A_167 : i32
        %sign3A_169 = arith.extui %sign3A_168 : i1 to i32
        %sign3A_170 = arith.subi %sign3A_166, %sign3A_169 : i32
        %sign3A_171 = arith.constant 0 : i32
        %sign3A_172 = arith.cmpi sgt, %jit3A, %sign3A_171 : i32
        %sign3A_173 = arith.extui %sign3A_172 : i1 to i32
        %sign3A_174 = arith.constant 0 : i32
        %sign3A_175 = arith.cmpi slt, %jit3A, %sign3A_174 : i32
        %sign3A_176 = arith.extui %sign3A_175 : i1 to i32
        %sign3A_177 = arith.subi %sign3A_173, %sign3A_176 : i32
        %ne3A = arith.cmpi ne, %sign3A_170, %sign3A_177 : i32
        %rem3A = arith.remsi %scan3A_157, %jit3A : i32
        %ne3A_178 = arith.constant 0 : i32
        %ne3A_179 = arith.cmpi ne, %rem3A, %ne3A_178 : i32
        %and3A = arith.andi %ne3A, %ne3A_179 : i1
        %sub3A_180 = arith.constant 1 : i32
        %sub3A_181 = arith.subi %div3A, %sub3A_180 : i32
        %select_n3A = arith.select %and3A, %sub3A_181, %div3A : i32
        %jit3A_182 = arith.constant 8192 : i32
        %eq3A_183 = arith.constant 0 : i32
        %eq3A_184 = arith.cmpi eq, %jit3A_182, %eq3A_183 : i32
        %jit3A_185 = arith.constant 1 : i32
        %select_n3A_186 = arith.select %eq3A_184, %jit3A_185, %jit3A_182 : i32
        %rem3A_187 = arith.remsi %multiple_of3A_164, %select_n3A_186 : i32
        %ne3A_188 = arith.constant 0 : i32
        %ne3A_189 = arith.cmpi ne, %rem3A_187, %ne3A_188 : i32
        %lt3A_190 = arith.constant 0 : i32
        %lt3A_191 = arith.cmpi slt, %rem3A_187, %lt3A_190 : i32
        %lt3A_192 = arith.constant 0 : i32
        %lt3A_193 = arith.cmpi slt, %select_n3A_186, %lt3A_192 : i32
        %ne3A_194 = arith.xori %lt3A_191, %lt3A_193 : i1
        %and3A_195 = arith.andi %ne3A_194, %ne3A_189 : i1
        %add3A_196 = arith.addi %rem3A_187, %select_n3A_186 : i32
        %select_n3A_197 = arith.select %and3A_195, %add3A_196, %rem3A_187 : i32
        %get3A_198 = arith.index_cast %select_n3A : i32 to index
        %get3A_199 = arith.index_cast %select_n3A_197 : i32 to index
        %get3A_200 = tpu.vector_load %arg12[%get3A_198, %get3A_199] {strides = array<i32>} : memref<4x8192xf32, #tpu.memory_space<vmem>>, vector<16xf32>,
        %add3A_201 = arith.addf %scan3A_158, %get3A_200 : vector<16xf32>
        %add3A_202 = arith.constant 16 : i32
        %add3A_203 = arith.addi %select_n3A_197, %add3A_202 : i32
        %get3A_204 = arith.index_cast %select_n3A : i32 to index
        %get3A_205 = arith.index_cast %add3A_203 : i32 to index
        %get3A_206 = tpu.vector_load %arg12[%get3A_204, %get3A_205] {strides = array<i32>} : memref<4x8192xf32, #tpu.memory_space<vmem>>, vector<16xf32>,
        %add3A_207 = arith.addf %scan3A_159, %get3A_206 : vector<16xf32>
        %add3A_208 = arith.constant 32 : i32
        %add3A_209 = arith.addi %select_n3A_197, %add3A_208 : i32
        %get3A_210 = arith.index_cast %select_n3A : i32 to index
        %get3A_211 = arith.index_cast %add3A_209 : i32 to index
        %get3A_212 = tpu.vector_load %arg12[%get3A_210, %get3A_211] {strides = array<i32>} : memref<4x8192xf32, #tpu.memory_space<vmem>>, vector<16xf32>,
        %add3A_213 = arith.addf %scan3A_160, %get3A_212 : vector<16xf32>
        %add3A_214 = arith.constant 48 : i32
        %add3A_215 = arith.addi %select_n3A_197, %add3A_214 : i32
        %get3A_216 = arith.index_cast %select_n3A : i32 to index
        %get3A_217 = arith.index_cast %add3A_215 : i32 to index
        %get3A_218 = tpu.vector_load %arg12[%get3A_216, %get3A_217] {strides = array<i32>} : memref<4x8192xf32, #tpu.memory_space<vmem>>, vector<16xf32>,
        %add3A_219 = arith.addf %scan3A_161, %get3A_218 : vector<16xf32>
        %scan3A_220 = arith.constant 1 : i32
        %scan3A_221 = arith.addi %scan3A_157, %scan3A_220 : i32
        %mul3A_222 = arith.constant 64 : i32
        %mul3A_223 = arith.muli %scan3A_221, %mul3A_222 : i32
        %multiple_of3A_224 = tpu.assume_multiple %mul3A_223, 16 : i32
        %jit3A_225 = arith.constant 128 : i32
        %div3A_226 = arith.divsi %scan3A_221, %jit3A_225 : i32
        %sign3A_227 = arith.constant 0 : i32
        %sign3A_228 = arith.cmpi sgt, %scan3A_221, %sign3A_227 : i32
        %sign3A_229 = arith.extui %sign3A_228 : i1 to i32
        %sign3A_230 = arith.constant 0 : i32
        %sign3A_231 = arith.cmpi slt, %scan3A_221, %sign3A_230 : i32
        %sign3A_232 = arith.extui %sign3A_231 : i1 to i32
        %sign3A_233 = arith.subi %sign3A_229, %sign3A_232 : i32
        %sign3A_234 = arith.constant 0 : i32
        %sign3A_235 = arith.cmpi sgt, %jit3A_225, %sign3A_234 : i32
        %sign3A_236 = arith.extui %sign3A_235 : i1 to i32
        %sign3A_237 = arith.constant 0 : i32
        %sign3A_238 = arith.cmpi slt, %jit3A_225, %sign3A_237 : i32
        %sign3A_239 = arith.extui %sign3A_238 : i1 to i32
        %sign3A_240 = arith.subi %sign3A_236, %sign3A_239 : i32
        %ne3A_241 = arith.cmpi ne, %sign3A_233, %sign3A_240 : i32
        %rem3A_242 = arith.remsi %scan3A_221, %jit3A_225 : i32
        %ne3A_243 = arith.constant 0 : i32
        %ne3A_244 = arith.cmpi ne, %rem3A_242, %ne3A_243 : i32
        %and3A_245 = arith.andi %ne3A_241, %ne3A_244 : i1
        %sub3A_246 = arith.constant 1 : i32
        %sub3A_247 = arith.subi %div3A_226, %sub3A_246 : i32
        %select_n3A_248 = arith.select %and3A_245, %sub3A_247, %div3A_226 : i32
        %jit3A_249 = arith.constant 8192 : i32
        %eq3A_250 = arith.constant 0 : i32
        %eq3A_251 = arith.cmpi eq, %jit3A_249, %eq3A_250 : i32
        %jit3A_252 = arith.constant 1 : i32
        %select_n3A_253 = arith.select %eq3A_251, %jit3A_252, %jit3A_249 : i32
        %rem3A_254 = arith.remsi %multiple_of3A_224, %select_n3A_253 : i32
        %ne3A_255 = arith.constant 0 : i32
        %ne3A_256 = arith.cmpi ne, %rem3A_254, %ne3A_255 : i32
        %lt3A_257 = arith.constant 0 : i32
        %lt3A_258 = arith.cmpi slt, %rem3A_254, %lt3A_257 : i32
        %lt3A_259 = arith.constant 0 : i32
        %lt3A_260 = arith.cmpi slt, %select_n3A_253, %lt3A_259 : i32
        %ne3A_261 = arith.xori %lt3A_258, %lt3A_260 : i1
        %and3A_262 = arith.andi %ne3A_261, %ne3A_256 : i1
        %add3A_263 = arith.addi %rem3A_254, %select_n3A_253 : i32
        %select_n3A_264 = arith.select %and3A_262, %add3A_263, %rem3A_254 : i32
        %get3A_265 = arith.index_cast %select_n3A_248 : i32 to index
        %get3A_266 = arith.index_cast %select_n3A_264 : i32 to index
        %get3A_267 = tpu.vector_load %arg12[%get3A_265, %get3A_266] {strides = array<i32>} : memref<4x8192xf32, #tpu.memory_space<vmem>>, vector<16xf32>,
        %add3A_268 = arith.addf %add3A_201, %get3A_267 : vector<16xf32>
        %add3A_269 = arith.constant 16 : i32
        %add3A_270 = arith.addi %select_n3A_264, %add3A_269 : i32
        %get3A_271 = arith.index_cast %select_n3A_248 : i32 to index
        %get3A_272 = arith.index_cast %add3A_270 : i32 to index
        %get3A_273 = tpu.vector_load %arg12[%get3A_271, %get3A_272] {strides = array<i32>} : memref<4x8192xf32, #tpu.memory_space<vmem>>, vector<16xf32>,
        %add3A_274 = arith.addf %add3A_207, %get3A_273 : vector<16xf32>
        %add3A_275 = arith.constant 32 : i32
        %add3A_276 = arith.addi %select_n3A_264, %add3A_275 : i32
        %get3A_277 = arith.index_cast %select_n3A_248 : i32 to index
        %get3A_278 = arith.index_cast %add3A_276 : i32 to index
        %get3A_279 = tpu.vector_load %arg12[%get3A_277, %get3A_278] {strides = array<i32>} : memref<4x8192xf32, #tpu.memory_space<vmem>>, vector<16xf32>,
        %add3A_280 = arith.addf %add3A_213, %get3A_279 : vector<16xf32>
        %add3A_281 = arith.constant 48 : i32
        %add3A_282 = arith.addi %select_n3A_264, %add3A_281 : i32
        %get3A_283 = arith.index_cast %select_n3A_248 : i32 to index
        %get3A_284 = arith.index_cast %add3A_282 : i32 to index
        %get3A_285 = tpu.vector_load %arg12[%get3A_283, %get3A_284] {strides = array<i32>} : memref<4x8192xf32, #tpu.memory_space<vmem>>, vector<16xf32>,
        %add3A_286 = arith.addf %add3A_219, %get3A_285 : vector<16xf32>
        scf.yield %add3A_268, %add3A_274, %add3A_280, %add3A_286 : vector<16xf32>, vector<16xf32>, vector<16xf32>, vector<16xf32>
      }
      %scan3A_119 = arith.constant 512 : i32
      %add3A_120 = arith.constant 12 : i32
      %add3A_121 = arith.addi %mul3A_79, %add3A_120 : i32
      %dma_start3A_122 = arith.constant 0 : i32
      %dma_start3A_123 = tpu.memref_slice %arg5[%add3A_121, %dma_start3A_122] : memref<4096x8192xf32, #tpu.memory_space<hbm>> -> memref<4x8192xf32, #tpu.memory_space<hbm>>
      %dma_start3A_124 = arith.constant 0 : i32
      %dma_start3A_125 = tpu.memref_slice %arg5[%add3A_121, %dma_start3A_124] : memref<4096x8192xf32, #tpu.memory_space<hbm>> -> memref<4x8192xf32, #tpu.memory_space<hbm>>
      tpu.enqueue_dma source(%dma_start3A_125 : memref<4x8192xf32, #tpu.memory_space<hbm>>) target(%arg12 : memref<4x8192xf32, #tpu.memory_space<vmem>>) target_semaphore(%arg18 : memref<!tpu.dma_semaphore, #tpu.memory_space<semaphore_mem>>)
      %add3A_126 = arith.constant 8 : i32
      %add3A_127 = arith.addi %mul3A_79, %add3A_126 : i32
      %dma_wait3A_128 = arith.constant 0 : i32
      %dma_wait3A_129 = tpu.memref_slice %arg5[%add3A_127, %dma_wait3A_128] : memref<4096x8192xf32, #tpu.memory_space<hbm>> -> memref<4x8192xf32, #tpu.memory_space<hbm>>
      %dma_wait3A_130 = arith.constant 0 : i32
      %dma_wait3A_131 = tpu.memref_slice %arg5[%add3A_127, %dma_wait3A_130] : memref<4096x8192xf32, #tpu.memory_space<hbm>> -> memref<4x8192xf32, #tpu.memory_space<hbm>>
      tpu.wait_dma2 semaphore(%arg17 : memref<!tpu.dma_semaphore, #tpu.memory_space<semaphore_mem>>) src(%dma_wait3A_131 : memref<4x8192xf32, #tpu.memory_space<hbm>>) dst(%arg11 : memref<4x8192xf32, #tpu.memory_space<vmem>>)
      %scan3A_132 = arith.constant 0 : i32
      %scan3A_133 = arith.constant 512 : i32
      %scan3A_134 = arith.addi %scan3A_132, %scan3A_133 : i32
      %scan3A_135 = arith.constant 2 : i32
      %scan3A_136:4 = scf.for %scan3A_157 = %scan3A_132 to %scan3A_134 step %scan3A_135 iter_args(%scan3A_158 = %scan3A_118#0, %scan3A_159 = %scan3A_118#1, %scan3A_160 = %scan3A_118#2, %scan3A_161 = %scan3A_118#3) -> (vector<16xf32>, vector<16xf32>, vector<16xf32>, vector<16xf32>)  : i32 {
        %mul3A_162 = arith.constant 64 : i32
        %mul3A_163 = arith.muli %scan3A_157, %mul3A_162 : i32
        %multiple_of3A_164 = tpu.assume_multiple %mul3A_163, 16 : i32
        %jit3A = arith.constant 128 : i32
        %div3A = arith.divsi %scan3A_157, %jit3A : i32
        %sign3A = arith.constant 0 : i32
        %sign3A_165 = arith.cmpi sgt, %scan3A_157, %sign3A : i32
        %sign3A_166 = arith.extui %sign3A_165 : i1 to i32
        %sign3A_167 = arith.constant 0 : i32
        %sign3A_168 = arith.cmpi slt, %scan3A_157, %sign3A_167 : i32
        %sign3A_169 = arith.extui %sign3A_168 : i1 to i32
        %sign3A_170 = arith.subi %sign3A_166, %sign3A_169 : i32
        %sign3A_171 = arith.constant 0 : i32
        %sign3A_172 = arith.cmpi sgt, %jit3A, %sign3A_171 : i32
        %sign3A_173 = arith.extui %sign3A_172 : i1 to i32
        %sign3A_174 = arith.constant 0 : i32
        %sign3A_175 = arith.cmpi slt, %jit3A, %sign3A_174 : i32
        %sign3A_176 = arith.extui %sign3A_175 : i1 to i32
        %sign3A_177 = arith.subi %sign3A_173, %sign3A_176 : i32
        %ne3A = arith.cmpi ne, %sign3A_170, %sign3A_177 : i32
        %rem3A = arith.remsi %scan3A_157, %jit3A : i32
        %ne3A_178 = arith.constant 0 : i32
        %ne3A_179 = arith.cmpi ne, %rem3A, %ne3A_178 : i32
        %and3A = arith.andi %ne3A, %ne3A_179 : i1
        %sub3A_180 = arith.constant 1 : i32
        %sub3A_181 = arith.subi %div3A, %sub3A_180 : i32
        %select_n3A = arith.select %and3A, %sub3A_181, %div3A : i32
        %jit3A_182 = arith.constant 8192 : i32
        %eq3A_183 = arith.constant 0 : i32
        %eq3A_184 = arith.cmpi eq, %jit3A_182, %eq3A_183 : i32
        %jit3A_185 = arith.constant 1 : i32
        %select_n3A_186 = arith.select %eq3A_184, %jit3A_185, %jit3A_182 : i32
        %rem3A_187 = arith.remsi %multiple_of3A_164, %select_n3A_186 : i32
        %ne3A_188 = arith.constant 0 : i32
        %ne3A_189 = arith.cmpi ne, %rem3A_187, %ne3A_188 : i32
        %lt3A_190 = arith.constant 0 : i32
        %lt3A_191 = arith.cmpi slt, %rem3A_187, %lt3A_190 : i32
        %lt3A_192 = arith.constant 0 : i32
        %lt3A_193 = arith.cmpi slt, %select_n3A_186, %lt3A_192 : i32
        %ne3A_194 = arith.xori %lt3A_191, %lt3A_193 : i1
        %and3A_195 = arith.andi %ne3A_194, %ne3A_189 : i1
        %add3A_196 = arith.addi %rem3A_187, %select_n3A_186 : i32
        %select_n3A_197 = arith.select %and3A_195, %add3A_196, %rem3A_187 : i32
        %get3A_198 = arith.index_cast %select_n3A : i32 to index
        %get3A_199 = arith.index_cast %select_n3A_197 : i32 to index
        %get3A_200 = tpu.vector_load %arg11[%get3A_198, %get3A_199] {strides = array<i32>} : memref<4x8192xf32, #tpu.memory_space<vmem>>, vector<16xf32>,
        %add3A_201 = arith.addf %scan3A_158, %get3A_200 : vector<16xf32>
        %add3A_202 = arith.constant 16 : i32
        %add3A_203 = arith.addi %select_n3A_197, %add3A_202 : i32
        %get3A_204 = arith.index_cast %select_n3A : i32 to index
        %get3A_205 = arith.index_cast %add3A_203 : i32 to index
        %get3A_206 = tpu.vector_load %arg11[%get3A_204, %get3A_205] {strides = array<i32>} : memref<4x8192xf32, #tpu.memory_space<vmem>>, vector<16xf32>,
        %add3A_207 = arith.addf %scan3A_159, %get3A_206 : vector<16xf32>
        %add3A_208 = arith.constant 32 : i32
        %add3A_209 = arith.addi %select_n3A_197, %add3A_208 : i32
        %get3A_210 = arith.index_cast %select_n3A : i32 to index
        %get3A_211 = arith.index_cast %add3A_209 : i32 to index
        %get3A_212 = tpu.vector_load %arg11[%get3A_210, %get3A_211] {strides = array<i32>} : memref<4x8192xf32, #tpu.memory_space<vmem>>, vector<16xf32>,
        %add3A_213 = arith.addf %scan3A_160, %get3A_212 : vector<16xf32>
        %add3A_214 = arith.constant 48 : i32
        %add3A_215 = arith.addi %select_n3A_197, %add3A_214 : i32
        %get3A_216 = arith.index_cast %select_n3A : i32 to index
        %get3A_217 = arith.index_cast %add3A_215 : i32 to index
        %get3A_218 = tpu.vector_load %arg11[%get3A_216, %get3A_217] {strides = array<i32>} : memref<4x8192xf32, #tpu.memory_space<vmem>>, vector<16xf32>,
        %add3A_219 = arith.addf %scan3A_161, %get3A_218 : vector<16xf32>
        %scan3A_220 = arith.constant 1 : i32
        %scan3A_221 = arith.addi %scan3A_157, %scan3A_220 : i32
        %mul3A_222 = arith.constant 64 : i32
        %mul3A_223 = arith.muli %scan3A_221, %mul3A_222 : i32
        %multiple_of3A_224 = tpu.assume_multiple %mul3A_223, 16 : i32
        %jit3A_225 = arith.constant 128 : i32
        %div3A_226 = arith.divsi %scan3A_221, %jit3A_225 : i32
        %sign3A_227 = arith.constant 0 : i32
        %sign3A_228 = arith.cmpi sgt, %scan3A_221, %sign3A_227 : i32
        %sign3A_229 = arith.extui %sign3A_228 : i1 to i32
        %sign3A_230 = arith.constant 0 : i32
        %sign3A_231 = arith.cmpi slt, %scan3A_221, %sign3A_230 : i32
        %sign3A_232 = arith.extui %sign3A_231 : i1 to i32
        %sign3A_233 = arith.subi %sign3A_229, %sign3A_232 : i32
        %sign3A_234 = arith.constant 0 : i32
        %sign3A_235 = arith.cmpi sgt, %jit3A_225, %sign3A_234 : i32
        %sign3A_236 = arith.extui %sign3A_235 : i1 to i32
        %sign3A_237 = arith.constant 0 : i32
        %sign3A_238 = arith.cmpi slt, %jit3A_225, %sign3A_237 : i32
        %sign3A_239 = arith.extui %sign3A_238 : i1 to i32
        %sign3A_240 = arith.subi %sign3A_236, %sign3A_239 : i32
        %ne3A_241 = arith.cmpi ne, %sign3A_233, %sign3A_240 : i32
        %rem3A_242 = arith.remsi %scan3A_221, %jit3A_225 : i32
        %ne3A_243 = arith.constant 0 : i32
        %ne3A_244 = arith.cmpi ne, %rem3A_242, %ne3A_243 : i32
        %and3A_245 = arith.andi %ne3A_241, %ne3A_244 : i1
        %sub3A_246 = arith.constant 1 : i32
        %sub3A_247 = arith.subi %div3A_226, %sub3A_246 : i32
        %select_n3A_248 = arith.select %and3A_245, %sub3A_247, %div3A_226 : i32
        %jit3A_249 = arith.constant 8192 : i32
        %eq3A_250 = arith.constant 0 : i32
        %eq3A_251 = arith.cmpi eq, %jit3A_249, %eq3A_250 : i32
        %jit3A_252 = arith.constant 1 : i32
        %select_n3A_253 = arith.select %eq3A_251, %jit3A_252, %jit3A_249 : i32
        %rem3A_254 = arith.remsi %multiple_of3A_224, %select_n3A_253 : i32
        %ne3A_255 = arith.constant 0 : i32
        %ne3A_256 = arith.cmpi ne, %rem3A_254, %ne3A_255 : i32
        %lt3A_257 = arith.constant 0 : i32
        %lt3A_258 = arith.cmpi slt, %rem3A_254, %lt3A_257 : i32
        %lt3A_259 = arith.constant 0 : i32
        %lt3A_260 = arith.cmpi slt, %select_n3A_253, %lt3A_259 : i32
        %ne3A_261 = arith.xori %lt3A_258, %lt3A_260 : i1
        %and3A_262 = arith.andi %ne3A_261, %ne3A_256 : i1
        %add3A_263 = arith.addi %rem3A_254, %select_n3A_253 : i32
        %select_n3A_264 = arith.select %and3A_262, %add3A_263, %rem3A_254 : i32
        %get3A_265 = arith.index_cast %select_n3A_248 : i32 to index
        %get3A_266 = arith.index_cast %select_n3A_264 : i32 to index
        %get3A_267 = tpu.vector_load %arg11[%get3A_265, %get3A_266] {strides = array<i32>} : memref<4x8192xf32, #tpu.memory_space<vmem>>, vector<16xf32>,
        %add3A_268 = arith.addf %add3A_201, %get3A_267 : vector<16xf32>
        %add3A_269 = arith.constant 16 : i32
        %add3A_270 = arith.addi %select_n3A_264, %add3A_269 : i32
        %get3A_271 = arith.index_cast %select_n3A_248 : i32 to index
        %get3A_272 = arith.index_cast %add3A_270 : i32 to index
        %get3A_273 = tpu.vector_load %arg11[%get3A_271, %get3A_272] {strides = array<i32>} : memref<4x8192xf32, #tpu.memory_space<vmem>>, vector<16xf32>,
        %add3A_274 = arith.addf %add3A_207, %get3A_273 : vector<16xf32>
        %add3A_275 = arith.constant 32 : i32
        %add3A_276 = arith.addi %select_n3A_264, %add3A_275 : i32
        %get3A_277 = arith.index_cast %select_n3A_248 : i32 to index
        %get3A_278 = arith.index_cast %add3A_276 : i32 to index
        %get3A_279 = tpu.vector_load %arg11[%get3A_277, %get3A_278] {strides = array<i32>} : memref<4x8192xf32, #tpu.memory_space<vmem>>, vector<16xf32>,
        %add3A_280 = arith.addf %add3A_213, %get3A_279 : vector<16xf32>
        %add3A_281 = arith.constant 48 : i32
        %add3A_282 = arith.addi %select_n3A_264, %add3A_281 : i32
        %get3A_283 = arith.index_cast %select_n3A_248 : i32 to index
        %get3A_284 = arith.index_cast %add3A_282 : i32 to index
        %get3A_285 = tpu.vector_load %arg11[%get3A_283, %get3A_284] {strides = array<i32>} : memref<4x8192xf32, #tpu.memory_space<vmem>>, vector<16xf32>,
        %add3A_286 = arith.addf %add3A_219, %get3A_285 : vector<16xf32>
        scf.yield %add3A_268, %add3A_274, %add3A_280, %add3A_286 : vector<16xf32>, vector<16xf32>, vector<16xf32>, vector<16xf32>
      }
      %scan3A_137 = arith.constant 512 : i32
      %add3A_138 = arith.constant 12 : i32
      %add3A_139 = arith.addi %mul3A_79, %add3A_138 : i32
      %dma_wait3A_140 = arith.constant 0 : i32
      %dma_wait3A_141 = tpu.memref_slice %arg5[%add3A_139, %dma_wait3A_140] : memref<4096x8192xf32, #tpu.memory_space<hbm>> -> memref<4x8192xf32, #tpu.memory_space<hbm>>
      %dma_wait3A_142 = arith.constant 0 : i32
      %dma_wait3A_143 = tpu.memref_slice %arg5[%add3A_139, %dma_wait3A_142] : memref<4096x8192xf32, #tpu.memory_space<hbm>> -> memref<4x8192xf32, #tpu.memory_space<hbm>>
      tpu.wait_dma2 semaphore(%arg18 : memref<!tpu.dma_semaphore, #tpu.memory_space<semaphore_mem>>) src(%dma_wait3A_143 : memref<4x8192xf32, #tpu.memory_space<hbm>>) dst(%arg12 : memref<4x8192xf32, #tpu.memory_space<vmem>>)
      %scan3A_144 = arith.constant 0 : i32
      %scan3A_145 = arith.constant 512 : i32
      %scan3A_146 = arith.addi %scan3A_144, %scan3A_145 : i32
      %scan3A_147 = arith.constant 2 : i32
      %scan3A_148:4 = scf.for %scan3A_157 = %scan3A_144 to %scan3A_146 step %scan3A_147 iter_args(%scan3A_158 = %scan3A_136#0, %scan3A_159 = %scan3A_136#1, %scan3A_160 = %scan3A_136#2, %scan3A_161 = %scan3A_136#3) -> (vector<16xf32>, vector<16xf32>, vector<16xf32>, vector<16xf32>)  : i32 {
        %mul3A_162 = arith.constant 64 : i32
        %mul3A_163 = arith.muli %scan3A_157, %mul3A_162 : i32
        %multiple_of3A_164 = tpu.assume_multiple %mul3A_163, 16 : i32
        %jit3A = arith.constant 128 : i32
        %div3A = arith.divsi %scan3A_157, %jit3A : i32
        %sign3A = arith.constant 0 : i32
        %sign3A_165 = arith.cmpi sgt, %scan3A_157, %sign3A : i32
        %sign3A_166 = arith.extui %sign3A_165 : i1 to i32
        %sign3A_167 = arith.constant 0 : i32
        %sign3A_168 = arith.cmpi slt, %scan3A_157, %sign3A_167 : i32
        %sign3A_169 = arith.extui %sign3A_168 : i1 to i32
        %sign3A_170 = arith.subi %sign3A_166, %sign3A_169 : i32
        %sign3A_171 = arith.constant 0 : i32
        %sign3A_172 = arith.cmpi sgt, %jit3A, %sign3A_171 : i32
        %sign3A_173 = arith.extui %sign3A_172 : i1 to i32
        %sign3A_174 = arith.constant 0 : i32
        %sign3A_175 = arith.cmpi slt, %jit3A, %sign3A_174 : i32
        %sign3A_176 = arith.extui %sign3A_175 : i1 to i32
        %sign3A_177 = arith.subi %sign3A_173, %sign3A_176 : i32
        %ne3A = arith.cmpi ne, %sign3A_170, %sign3A_177 : i32
        %rem3A = arith.remsi %scan3A_157, %jit3A : i32
        %ne3A_178 = arith.constant 0 : i32
        %ne3A_179 = arith.cmpi ne, %rem3A, %ne3A_178 : i32
        %and3A = arith.andi %ne3A, %ne3A_179 : i1
        %sub3A_180 = arith.constant 1 : i32
        %sub3A_181 = arith.subi %div3A, %sub3A_180 : i32
        %select_n3A = arith.select %and3A, %sub3A_181, %div3A : i32
        %jit3A_182 = arith.constant 8192 : i32
        %eq3A_183 = arith.constant 0 : i32
        %eq3A_184 = arith.cmpi eq, %jit3A_182, %eq3A_183 : i32
        %jit3A_185 = arith.constant 1 : i32
        %select_n3A_186 = arith.select %eq3A_184, %jit3A_185, %jit3A_182 : i32
        %rem3A_187 = arith.remsi %multiple_of3A_164, %select_n3A_186 : i32
        %ne3A_188 = arith.constant 0 : i32
        %ne3A_189 = arith.cmpi ne, %rem3A_187, %ne3A_188 : i32
        %lt3A_190 = arith.constant 0 : i32
        %lt3A_191 = arith.cmpi slt, %rem3A_187, %lt3A_190 : i32
        %lt3A_192 = arith.constant 0 : i32
        %lt3A_193 = arith.cmpi slt, %select_n3A_186, %lt3A_192 : i32
        %ne3A_194 = arith.xori %lt3A_191, %lt3A_193 : i1
        %and3A_195 = arith.andi %ne3A_194, %ne3A_189 : i1
        %add3A_196 = arith.addi %rem3A_187, %select_n3A_186 : i32
        %select_n3A_197 = arith.select %and3A_195, %add3A_196, %rem3A_187 : i32
        %get3A_198 = arith.index_cast %select_n3A : i32 to index
        %get3A_199 = arith.index_cast %select_n3A_197 : i32 to index
        %get3A_200 = tpu.vector_load %arg12[%get3A_198, %get3A_199] {strides = array<i32>} : memref<4x8192xf32, #tpu.memory_space<vmem>>, vector<16xf32>,
        %add3A_201 = arith.addf %scan3A_158, %get3A_200 : vector<16xf32>
        %add3A_202 = arith.constant 16 : i32
        %add3A_203 = arith.addi %select_n3A_197, %add3A_202 : i32
        %get3A_204 = arith.index_cast %select_n3A : i32 to index
        %get3A_205 = arith.index_cast %add3A_203 : i32 to index
        %get3A_206 = tpu.vector_load %arg12[%get3A_204, %get3A_205] {strides = array<i32>} : memref<4x8192xf32, #tpu.memory_space<vmem>>, vector<16xf32>,
        %add3A_207 = arith.addf %scan3A_159, %get3A_206 : vector<16xf32>
        %add3A_208 = arith.constant 32 : i32
        %add3A_209 = arith.addi %select_n3A_197, %add3A_208 : i32
        %get3A_210 = arith.index_cast %select_n3A : i32 to index
        %get3A_211 = arith.index_cast %add3A_209 : i32 to index
        %get3A_212 = tpu.vector_load %arg12[%get3A_210, %get3A_211] {strides = array<i32>} : memref<4x8192xf32, #tpu.memory_space<vmem>>, vector<16xf32>,
        %add3A_213 = arith.addf %scan3A_160, %get3A_212 : vector<16xf32>
        %add3A_214 = arith.constant 48 : i32
        %add3A_215 = arith.addi %select_n3A_197, %add3A_214 : i32
        %get3A_216 = arith.index_cast %select_n3A : i32 to index
        %get3A_217 = arith.index_cast %add3A_215 : i32 to index
        %get3A_218 = tpu.vector_load %arg12[%get3A_216, %get3A_217] {strides = array<i32>} : memref<4x8192xf32, #tpu.memory_space<vmem>>, vector<16xf32>,
        %add3A_219 = arith.addf %scan3A_161, %get3A_218 : vector<16xf32>
        %scan3A_220 = arith.constant 1 : i32
        %scan3A_221 = arith.addi %scan3A_157, %scan3A_220 : i32
        %mul3A_222 = arith.constant 64 : i32
        %mul3A_223 = arith.muli %scan3A_221, %mul3A_222 : i32
        %multiple_of3A_224 = tpu.assume_multiple %mul3A_223, 16 : i32
        %jit3A_225 = arith.constant 128 : i32
        %div3A_226 = arith.divsi %scan3A_221, %jit3A_225 : i32
        %sign3A_227 = arith.constant 0 : i32
        %sign3A_228 = arith.cmpi sgt, %scan3A_221, %sign3A_227 : i32
        %sign3A_229 = arith.extui %sign3A_228 : i1 to i32
        %sign3A_230 = arith.constant 0 : i32
        %sign3A_231 = arith.cmpi slt, %scan3A_221, %sign3A_230 : i32
        %sign3A_232 = arith.extui %sign3A_231 : i1 to i32
        %sign3A_233 = arith.subi %sign3A_229, %sign3A_232 : i32
        %sign3A_234 = arith.constant 0 : i32
        %sign3A_235 = arith.cmpi sgt, %jit3A_225, %sign3A_234 : i32
        %sign3A_236 = arith.extui %sign3A_235 : i1 to i32
        %sign3A_237 = arith.constant 0 : i32
        %sign3A_238 = arith.cmpi slt, %jit3A_225, %sign3A_237 : i32
        %sign3A_239 = arith.extui %sign3A_238 : i1 to i32
        %sign3A_240 = arith.subi %sign3A_236, %sign3A_239 : i32
        %ne3A_241 = arith.cmpi ne, %sign3A_233, %sign3A_240 : i32
        %rem3A_242 = arith.remsi %scan3A_221, %jit3A_225 : i32
        %ne3A_243 = arith.constant 0 : i32
        %ne3A_244 = arith.cmpi ne, %rem3A_242, %ne3A_243 : i32
        %and3A_245 = arith.andi %ne3A_241, %ne3A_244 : i1
        %sub3A_246 = arith.constant 1 : i32
        %sub3A_247 = arith.subi %div3A_226, %sub3A_246 : i32
        %select_n3A_248 = arith.select %and3A_245, %sub3A_247, %div3A_226 : i32
        %jit3A_249 = arith.constant 8192 : i32
        %eq3A_250 = arith.constant 0 : i32
        %eq3A_251 = arith.cmpi eq, %jit3A_249, %eq3A_250 : i32
        %jit3A_252 = arith.constant 1 : i32
        %select_n3A_253 = arith.select %eq3A_251, %jit3A_252, %jit3A_249 : i32
        %rem3A_254 = arith.remsi %multiple_of3A_224, %select_n3A_253 : i32
        %ne3A_255 = arith.constant 0 : i32
        %ne3A_256 = arith.cmpi ne, %rem3A_254, %ne3A_255 : i32
        %lt3A_257 = arith.constant 0 : i32
        %lt3A_258 = arith.cmpi slt, %rem3A_254, %lt3A_257 : i32
        %lt3A_259 = arith.constant 0 : i32
        %lt3A_260 = arith.cmpi slt, %select_n3A_253, %lt3A_259 : i32
        %ne3A_261 = arith.xori %lt3A_258, %lt3A_260 : i1
        %and3A_262 = arith.andi %ne3A_261, %ne3A_256 : i1
        %add3A_263 = arith.addi %rem3A_254, %select_n3A_253 : i32
        %select_n3A_264 = arith.select %and3A_262, %add3A_263, %rem3A_254 : i32
        %get3A_265 = arith.index_cast %select_n3A_248 : i32 to index
        %get3A_266 = arith.index_cast %select_n3A_264 : i32 to index
        %get3A_267 = tpu.vector_load %arg12[%get3A_265, %get3A_266] {strides = array<i32>} : memref<4x8192xf32, #tpu.memory_space<vmem>>, vector<16xf32>,
        %add3A_268 = arith.addf %add3A_201, %get3A_267 : vector<16xf32>
        %add3A_269 = arith.constant 16 : i32
        %add3A_270 = arith.addi %select_n3A_264, %add3A_269 : i32
        %get3A_271 = arith.index_cast %select_n3A_248 : i32 to index
        %get3A_272 = arith.index_cast %add3A_270 : i32 to index
        %get3A_273 = tpu.vector_load %arg12[%get3A_271, %get3A_272] {strides = array<i32>} : memref<4x8192xf32, #tpu.memory_space<vmem>>, vector<16xf32>,
        %add3A_274 = arith.addf %add3A_207, %get3A_273 : vector<16xf32>
        %add3A_275 = arith.constant 32 : i32
        %add3A_276 = arith.addi %select_n3A_264, %add3A_275 : i32
        %get3A_277 = arith.index_cast %select_n3A_248 : i32 to index
        %get3A_278 = arith.index_cast %add3A_276 : i32 to index
        %get3A_279 = tpu.vector_load %arg12[%get3A_277, %get3A_278] {strides = array<i32>} : memref<4x8192xf32, #tpu.memory_space<vmem>>, vector<16xf32>,
        %add3A_280 = arith.addf %add3A_213, %get3A_279 : vector<16xf32>
        %add3A_281 = arith.constant 48 : i32
        %add3A_282 = arith.addi %select_n3A_264, %add3A_281 : i32
        %get3A_283 = arith.index_cast %select_n3A_248 : i32 to index
        %get3A_284 = arith.index_cast %add3A_282 : i32 to index
        %get3A_285 = tpu.vector_load %arg12[%get3A_283, %get3A_284] {strides = array<i32>} : memref<4x8192xf32, #tpu.memory_space<vmem>>, vector<16xf32>,
        %add3A_286 = arith.addf %add3A_219, %get3A_285 : vector<16xf32>
        scf.yield %add3A_268, %add3A_274, %add3A_280, %add3A_286 : vector<16xf32>, vector<16xf32>, vector<16xf32>, vector<16xf32>
      }
      %scan3A_149 = arith.constant 512 : i32
      %add3A_150 = arith.addf %scan3A_148#0, %scan3A_148#1 : vector<16xf32>
      %add3A_151 = arith.addf %scan3A_148#2, %scan3A_148#3 : vector<16xf32>
      %add3A_152 = arith.addf %add3A_150, %add3A_151 : vector<16xf32>
      %swap3A_153 = arith.constant 0 : index
      %swap3A_154 = tpu.vector_load %arg15[%swap3A_153] {strides = array<i32>} : memref<16xf32, #tpu.memory_space<vmem>>, vector<16xf32>,
      tpu.vector_store %arg15[%swap3A_153], %add3A_152 {strides = array<i32>} : memref<16xf32, #tpu.memory_space<vmem>>, vector<16xf32>,
      %mul3A_155 = arith.constant 16 : i32
      %mul3A_156 = arith.muli %add3A, %mul3A_155 : i32
      "tpu.region"() ({
        %run_scoped3A = tpu.sem_alloc : memref<!tpu.dma_semaphore, #tpu.memory_space<semaphore_mem>>
        %dma_start3A_157 = tpu.memref_slice %arg8[%mul3A_156] : memref<512xf32, #tpu.memory_space<hbm>> -> memref<16xf32, #tpu.memory_space<hbm>>
        %dma_start3A_158 = tpu.memref_slice %arg8[%mul3A_156] : memref<512xf32, #tpu.memory_space<hbm>> -> memref<16xf32, #tpu.memory_space<hbm>>
        tpu.enqueue_dma source(%arg15 : memref<16xf32, #tpu.memory_space<vmem>>) target(%dma_start3A_158 : memref<16xf32, #tpu.memory_space<hbm>>) target_semaphore(%run_scoped3A : memref<!tpu.dma_semaphore, #tpu.memory_space<semaphore_mem>>)
        %dma_wait3A_159 = tpu.memref_slice %arg8[%mul3A_156] : memref<512xf32, #tpu.memory_space<hbm>> -> memref<16xf32, #tpu.memory_space<hbm>>
        %dma_wait3A_160 = tpu.memref_slice %arg8[%mul3A_156] : memref<512xf32, #tpu.memory_space<hbm>> -> memref<16xf32, #tpu.memory_space<hbm>>
        tpu.wait_dma2 semaphore(%run_scoped3A : memref<!tpu.dma_semaphore, #tpu.memory_space<semaphore_mem>>) src(%arg15 : memref<16xf32, #tpu.memory_space<vmem>>) dst(%dma_wait3A_160 : memref<16xf32, #tpu.memory_space<hbm>>)
        tpu.yield
      }) : () -> ()
    } else {
    }
    %mul3A_65 = arith.constant 31264 : i32
    %mul3A_66 = arith.muli %add3A, %mul3A_65 : i32
    %multiple_of3A_67 = tpu.assume_multiple %mul3A_66, 8 : i32
    %lt3A_68 = arith.constant 31 : i32
    %lt3A_69 = arith.cmpi slt, %add3A, %lt3A_68 : i32
    %convert_element_type3A_70 = arith.extui %lt3A_69 : i1 to i32
    %cond3A_71 = arith.constant 0 : i32
    %cond3A_72 = arith.cmpi ne, %convert_element_type3A_70, %cond3A_71 : i32
    scf.if %cond3A_72 {
      "tpu.region"() ({
        %run_scoped3A = tpu.sem_alloc : memref<!tpu.dma_semaphore, #tpu.memory_space<semaphore_mem>>
        %dma_start3A_77 = arith.constant 0 : i32
        %dma_start3A_78 = tpu.memref_slice %arg10[%dma_start3A_77] : memref<31264xf32, #tpu.memory_space<vmem>> -> memref<31264xf32, #tpu.memory_space<vmem>>
        %dma_start3A_79 = tpu.memref_slice %arg3[%multiple_of3A_67] : memref<1000000xf32, #tpu.memory_space<hbm>> -> memref<31264xf32, #tpu.memory_space<hbm>>
        %dma_start3A_80 = arith.constant 0 : i32
        %dma_start3A_81 = tpu.memref_slice %arg10[%dma_start3A_80] : memref<31264xf32, #tpu.memory_space<vmem>> -> memref<31264xf32, #tpu.memory_space<vmem>>
        %dma_start3A_82 = tpu.memref_slice %arg3[%multiple_of3A_67] : memref<1000000xf32, #tpu.memory_space<hbm>> -> memref<31264xf32, #tpu.memory_space<hbm>>
        tpu.enqueue_dma source(%dma_start3A_82 : memref<31264xf32, #tpu.memory_space<hbm>>) target(%dma_start3A_81 : memref<31264xf32, #tpu.memory_space<vmem>>) target_semaphore(%run_scoped3A : memref<!tpu.dma_semaphore, #tpu.memory_space<semaphore_mem>>)
        %dma_wait3A_83 = arith.constant 0 : i32
        %dma_wait3A_84 = tpu.memref_slice %arg10[%dma_wait3A_83] : memref<31264xf32, #tpu.memory_space<vmem>> -> memref<31264xf32, #tpu.memory_space<vmem>>
        %dma_wait3A_85 = tpu.memref_slice %arg3[%multiple_of3A_67] : memref<1000000xf32, #tpu.memory_space<hbm>> -> memref<31264xf32, #tpu.memory_space<hbm>>
        %dma_wait3A_86 = arith.constant 0 : i32
        %dma_wait3A_87 = tpu.memref_slice %arg10[%dma_wait3A_86] : memref<31264xf32, #tpu.memory_space<vmem>> -> memref<31264xf32, #tpu.memory_space<vmem>>
        %dma_wait3A_88 = tpu.memref_slice %arg3[%multiple_of3A_67] : memref<1000000xf32, #tpu.memory_space<hbm>> -> memref<31264xf32, #tpu.memory_space<hbm>>
        tpu.wait_dma2 semaphore(%run_scoped3A : memref<!tpu.dma_semaphore, #tpu.memory_space<semaphore_mem>>) src(%dma_wait3A_88 : memref<31264xf32, #tpu.memory_space<hbm>>) dst(%dma_wait3A_87 : memref<31264xf32, #tpu.memory_space<vmem>>)
        tpu.yield
      }) : () -> ()
      "tpu.region"() ({
        %run_scoped3A = tpu.sem_alloc : memref<!tpu.dma_semaphore, #tpu.memory_space<semaphore_mem>>
        %dma_start3A_77 = arith.constant 0 : i32
        %dma_start3A_78 = tpu.memref_slice %arg10[%dma_start3A_77] : memref<31264xf32, #tpu.memory_space<vmem>> -> memref<31264xf32, #tpu.memory_space<vmem>>
        %dma_start3A_79 = tpu.memref_slice %arg6[%multiple_of3A_67] : memref<1000000xf32, #tpu.memory_space<hbm>> -> memref<31264xf32, #tpu.memory_space<hbm>>
        %dma_start3A_80 = tpu.memref_slice %arg6[%multiple_of3A_67] : memref<1000000xf32, #tpu.memory_space<hbm>> -> memref<31264xf32, #tpu.memory_space<hbm>>
        %dma_start3A_81 = arith.constant 0 : i32
        %dma_start3A_82 = tpu.memref_slice %arg10[%dma_start3A_81] : memref<31264xf32, #tpu.memory_space<vmem>> -> memref<31264xf32, #tpu.memory_space<vmem>>
        tpu.enqueue_dma source(%dma_start3A_82 : memref<31264xf32, #tpu.memory_space<vmem>>) target(%dma_start3A_80 : memref<31264xf32, #tpu.memory_space<hbm>>) target_semaphore(%run_scoped3A : memref<!tpu.dma_semaphore, #tpu.memory_space<semaphore_mem>>)
        %dma_wait3A_83 = arith.constant 0 : i32
        %dma_wait3A_84 = tpu.memref_slice %arg10[%dma_wait3A_83] : memref<31264xf32, #tpu.memory_space<vmem>> -> memref<31264xf32, #tpu.memory_space<vmem>>
        %dma_wait3A_85 = tpu.memref_slice %arg6[%multiple_of3A_67] : memref<1000000xf32, #tpu.memory_space<hbm>> -> memref<31264xf32, #tpu.memory_space<hbm>>
        %dma_wait3A_86 = tpu.memref_slice %arg6[%multiple_of3A_67] : memref<1000000xf32, #tpu.memory_space<hbm>> -> memref<31264xf32, #tpu.memory_space<hbm>>
        %dma_wait3A_87 = arith.constant 0 : i32
        %dma_wait3A_88 = tpu.memref_slice %arg10[%dma_wait3A_87] : memref<31264xf32, #tpu.memory_space<vmem>> -> memref<31264xf32, #tpu.memory_space<vmem>>
        tpu.wait_dma2 semaphore(%run_scoped3A : memref<!tpu.dma_semaphore, #tpu.memory_space<semaphore_mem>>) src(%dma_wait3A_88 : memref<31264xf32, #tpu.memory_space<vmem>>) dst(%dma_wait3A_86 : memref<31264xf32, #tpu.memory_space<hbm>>)
        tpu.yield
      }) : () -> ()
    } else {
    }
    %eq3A = arith.constant 31 : i32
    %eq3A_73 = arith.cmpi eq, %add3A, %eq3A : i32
    %convert_element_type3A_74 = arith.extui %eq3A_73 : i1 to i32
    %cond3A_75 = arith.constant 0 : i32
    %cond3A_76 = arith.cmpi ne, %convert_element_type3A_74, %cond3A_75 : i32
    scf.if %cond3A_76 {
      "tpu.region"() ({
        %run_scoped3A = tpu.sem_alloc : memref<!tpu.dma_semaphore, #tpu.memory_space<semaphore_mem>>
        %dma_start3A_77 = arith.constant 0 : i32
        %dma_start3A_78 = tpu.memref_slice %arg10[%dma_start3A_77] : memref<31264xf32, #tpu.memory_space<vmem>> -> memref<30816xf32, #tpu.memory_space<vmem>>
        %dma_start3A_79 = tpu.memref_slice %arg3[%multiple_of3A_67] : memref<1000000xf32, #tpu.memory_space<hbm>> -> memref<30816xf32, #tpu.memory_space<hbm>>
        %dma_start3A_80 = arith.constant 0 : i32
        %dma_start3A_81 = tpu.memref_slice %arg10[%dma_start3A_80] : memref<31264xf32, #tpu.memory_space<vmem>> -> memref<30816xf32, #tpu.memory_space<vmem>>
        %dma_start3A_82 = tpu.memref_slice %arg3[%multiple_of3A_67] : memref<1000000xf32, #tpu.memory_space<hbm>> -> memref<30816xf32, #tpu.memory_space<hbm>>
        tpu.enqueue_dma source(%dma_start3A_82 : memref<30816xf32, #tpu.memory_space<hbm>>) target(%dma_start3A_81 : memref<30816xf32, #tpu.memory_space<vmem>>) target_semaphore(%run_scoped3A : memref<!tpu.dma_semaphore, #tpu.memory_space<semaphore_mem>>)
        %dma_wait3A_83 = arith.constant 0 : i32
        %dma_wait3A_84 = tpu.memref_slice %arg10[%dma_wait3A_83] : memref<31264xf32, #tpu.memory_space<vmem>> -> memref<30816xf32, #tpu.memory_space<vmem>>
        %dma_wait3A_85 = tpu.memref_slice %arg3[%multiple_of3A_67] : memref<1000000xf32, #tpu.memory_space<hbm>> -> memref<30816xf32, #tpu.memory_space<hbm>>
        %dma_wait3A_86 = arith.constant 0 : i32
        %dma_wait3A_87 = tpu.memref_slice %arg10[%dma_wait3A_86] : memref<31264xf32, #tpu.memory_space<vmem>> -> memref<30816xf32, #tpu.memory_space<vmem>>
        %dma_wait3A_88 = tpu.memref_slice %arg3[%multiple_of3A_67] : memref<1000000xf32, #tpu.memory_space<hbm>> -> memref<30816xf32, #tpu.memory_space<hbm>>
        tpu.wait_dma2 semaphore(%run_scoped3A : memref<!tpu.dma_semaphore, #tpu.memory_space<semaphore_mem>>) src(%dma_wait3A_88 : memref<30816xf32, #tpu.memory_space<hbm>>) dst(%dma_wait3A_87 : memref<30816xf32, #tpu.memory_space<vmem>>)
        tpu.yield
      }) : () -> ()
      "tpu.region"() ({
        %run_scoped3A = tpu.sem_alloc : memref<!tpu.dma_semaphore, #tpu.memory_space<semaphore_mem>>
        %dma_start3A_77 = arith.constant 0 : i32
        %dma_start3A_78 = tpu.memref_slice %arg10[%dma_start3A_77] : memref<31264xf32, #tpu.memory_space<vmem>> -> memref<30816xf32, #tpu.memory_space<vmem>>
        %dma_start3A_79 = tpu.memref_slice %arg6[%multiple_of3A_67] : memref<1000000xf32, #tpu.memory_space<hbm>> -> memref<30816xf32, #tpu.memory_space<hbm>>
        %dma_start3A_80 = tpu.memref_slice %arg6[%multiple_of3A_67] : memref<1000000xf32, #tpu.memory_space<hbm>> -> memref<30816xf32, #tpu.memory_space<hbm>>
        %dma_start3A_81 = arith.constant 0 : i32
        %dma_start3A_82 = tpu.memref_slice %arg10[%dma_start3A_81] : memref<31264xf32, #tpu.memory_space<vmem>> -> memref<30816xf32, #tpu.memory_space<vmem>>
        tpu.enqueue_dma source(%dma_start3A_82 : memref<30816xf32, #tpu.memory_space<vmem>>) target(%dma_start3A_80 : memref<30816xf32, #tpu.memory_space<hbm>>) target_semaphore(%run_scoped3A : memref<!tpu.dma_semaphore, #tpu.memory_space<semaphore_mem>>)
        %dma_wait3A_83 = arith.constant 0 : i32
        %dma_wait3A_84 = tpu.memref_slice %arg10[%dma_wait3A_83] : memref<31264xf32, #tpu.memory_space<vmem>> -> memref<30816xf32, #tpu.memory_space<vmem>>
        %dma_wait3A_85 = tpu.memref_slice %arg6[%multiple_of3A_67] : memref<1000000xf32, #tpu.memory_space<hbm>> -> memref<30816xf32, #tpu.memory_space<hbm>>
        %dma_wait3A_86 = tpu.memref_slice %arg6[%multiple_of3A_67] : memref<1000000xf32, #tpu.memory_space<hbm>> -> memref<30816xf32, #tpu.memory_space<hbm>>
        %dma_wait3A_87 = arith.constant 0 : i32
        %dma_wait3A_88 = tpu.memref_slice %arg10[%dma_wait3A_87] : memref<31264xf32, #tpu.memory_space<vmem>> -> memref<30816xf32, #tpu.memory_space<vmem>>
        tpu.wait_dma2 semaphore(%run_scoped3A : memref<!tpu.dma_semaphore, #tpu.memory_space<semaphore_mem>>) src(%dma_wait3A_88 : memref<30816xf32, #tpu.memory_space<vmem>>) dst(%dma_wait3A_86 : memref<30816xf32, #tpu.memory_space<hbm>>)
        tpu.yield
      }) : () -> ()
    } else {
    }
    return
  }
}

module attributes {stable_mosaic.version = 14 : i64} {
  func.func @_reduce_body(%arg0: i32, %arg1: memref<32x128xf32, #tpu.memory_space<vmem>>, %arg2: memref<256x8192xf32, #tpu.memory_space<vmem>>, %arg3: memref<256x8192xf32, #tpu.memory_space<vmem>>, %arg4: memref<32xf32, #tpu.memory_space<smem>>, %arg5: memref<1x1xf32, #tpu.memory_space<smem>>) attributes {dimension_semantics = [#tpu.dimension_semantics<arbitrary>], iteration_bounds = array<i64: 15>, scalar_prefetch = 0 : i64, scratch_operands = 1 : i64, tpu.core_type = #tpu.core_type<tc>, window_params = [{pipeline_mode = #tpu.pipeline_mode<synchronous>, transform_indices = @transform_0, window_bounds = array<i64: 32, 128>}, {transform_indices = @transform_1, window_bounds = array<i64: 256, 8192>}, {transform_indices = @transform_2, window_bounds = array<i64: 256, 8192>}, {transform_indices = @transform_3, window_bounds = array<i64: 32>}]} {
    %eq3A = arith.constant 0 : i32
    %eq3A_0 = arith.cmpi eq, %arg0, %eq3A : i32
    %convert_element_type3A = arith.extui %eq3A_0 : i1 to i32
    %cond3A = arith.constant 0 : i32
    %cond3A_1 = arith.cmpi ne, %convert_element_type3A, %cond3A : i32
    scf.if %cond3A_1 {
      %swap3A_27 = arith.constant 0.000000e+00 : f32
      %swap3A_28 = arith.constant 0 : index
      %swap3A_29 = arith.constant 0 : index
      %swap3A_30 = memref.load %arg5[%swap3A_28, %swap3A_29] : memref<1x1xf32, #tpu.memory_space<smem>>
      memref.store %swap3A_27, %arg5[%swap3A_28, %swap3A_29] : memref<1x1xf32, #tpu.memory_space<smem>>
    } else {
    }
    %get3A = arith.constant 0 : index
    %get3A_2 = arith.constant 0 : index
    %get3A_3 = memref.load %arg5[%get3A, %get3A_2] : memref<1x1xf32, #tpu.memory_space<smem>>
    %get3A_4 = arith.constant 0 : index
    %get3A_5 = arith.constant 0 : index
    %get3A_6 = vector.load %arg2[%get3A_4, %get3A_5] : memref<256x8192xf32, #tpu.memory_space<vmem>>, vector<256x8192xf32>
    %reduce_sum3A = vector.shape_cast %get3A_6 : vector<256x8192xf32> to vector<1x256x8192xf32>
    %reduce_sum3A_7 = arith.constant dense<0.000000e+00> : vector<1xf32>
    %reduce_sum3A_8 = vector.multi_reduction <add>, %reduce_sum3A, %reduce_sum3A_7 [1, 2] : vector<1x256x8192xf32> to vector<1xf32>
    %reduce_sum3A_9 = vector.shape_cast %reduce_sum3A_8 : vector<1xf32> to vector<1x1x1xf32>
    %reduce_sum3A_10 = vector.extract %reduce_sum3A_9[0, 0, 0] : f32 from vector<1x1x1xf32>
    %get3A_11 = arith.constant 0 : index
    %get3A_12 = arith.constant 0 : index
    %get3A_13 = vector.load %arg3[%get3A_11, %get3A_12] : memref<256x8192xf32, #tpu.memory_space<vmem>>, vector<256x8192xf32>
    %reduce_sum3A_14 = vector.shape_cast %get3A_13 : vector<256x8192xf32> to vector<1x256x8192xf32>
    %reduce_sum3A_15 = arith.constant dense<0.000000e+00> : vector<1xf32>
    %reduce_sum3A_16 = vector.multi_reduction <add>, %reduce_sum3A_14, %reduce_sum3A_15 [1, 2] : vector<1x256x8192xf32> to vector<1xf32>
    %reduce_sum3A_17 = vector.shape_cast %reduce_sum3A_16 : vector<1xf32> to vector<1x1x1xf32>
    %reduce_sum3A_18 = vector.extract %reduce_sum3A_17[0, 0, 0] : f32 from vector<1x1x1xf32>
    %add3A = arith.addf %reduce_sum3A_10, %reduce_sum3A_18 : f32
    %add3A_19 = arith.addf %get3A_3, %add3A : f32
    %swap3A = arith.constant 0 : index
    %swap3A_20 = arith.constant 0 : index
    %swap3A_21 = memref.load %arg5[%swap3A, %swap3A_20] : memref<1x1xf32, #tpu.memory_space<smem>>
    memref.store %add3A_19, %arg5[%swap3A, %swap3A_20] : memref<1x1xf32, #tpu.memory_space<smem>>
    %eq3A_22 = arith.constant 14 : i32
    %eq3A_23 = arith.cmpi eq, %arg0, %eq3A_22 : i32
    %convert_element_type3A_24 = arith.extui %eq3A_23 : i1 to i32
    %cond3A_25 = arith.constant 0 : i32
    %cond3A_26 = arith.cmpi ne, %convert_element_type3A_24, %cond3A_25 : i32
    scf.if %cond3A_26 {
      %get3A_27 = arith.constant 0 : index
      %get3A_28 = arith.constant 0 : index
      %get3A_29 = memref.load %arg5[%get3A_27, %get3A_28] : memref<1x1xf32, #tpu.memory_space<smem>>
      %get3A_30 = arith.constant 0 : index
      %get3A_31 = arith.constant 0 : index
      %get3A_32 = vector.load %arg1[%get3A_30, %get3A_31] : memref<32x128xf32, #tpu.memory_space<vmem>>, vector<32x128xf32>
      %reduce_sum3A_33 = vector.shape_cast %get3A_32 : vector<32x128xf32> to vector<1x32x128xf32>
      %reduce_sum3A_34 = arith.constant dense<0.000000e+00> : vector<1xf32>
      %reduce_sum3A_35 = vector.multi_reduction <add>, %reduce_sum3A_33, %reduce_sum3A_34 [1, 2] : vector<1x32x128xf32> to vector<1xf32>
      %reduce_sum3A_36 = vector.shape_cast %reduce_sum3A_35 : vector<1xf32> to vector<1x1x1xf32>
      %reduce_sum3A_37 = vector.extract %reduce_sum3A_36[0, 0, 0] : f32 from vector<1x1x1xf32>
      %swap3A_38 = arith.constant 0 : index
      %swap3A_39 = memref.load %arg4[%swap3A_38] : memref<32xf32, #tpu.memory_space<smem>>
      memref.store %get3A_29, %arg4[%swap3A_38] : memref<32xf32, #tpu.memory_space<smem>>
      %swap3A_40 = arith.constant 16 : index
      %swap3A_41 = memref.load %arg4[%swap3A_40] : memref<32xf32, #tpu.memory_space<smem>>
      memref.store %reduce_sum3A_37, %arg4[%swap3A_40] : memref<32xf32, #tpu.memory_space<smem>>
      %swap3A_42 = arith.constant 1 : index
      %swap3A_43 = memref.load %arg4[%swap3A_42] : memref<32xf32, #tpu.memory_space<smem>>
      memref.store %get3A_29, %arg4[%swap3A_42] : memref<32xf32, #tpu.memory_space<smem>>
      %swap3A_44 = arith.constant 17 : index
      %swap3A_45 = memref.load %arg4[%swap3A_44] : memref<32xf32, #tpu.memory_space<smem>>
      memref.store %reduce_sum3A_37, %arg4[%swap3A_44] : memref<32xf32, #tpu.memory_space<smem>>
      %swap3A_46 = arith.constant 2 : index
      %swap3A_47 = memref.load %arg4[%swap3A_46] : memref<32xf32, #tpu.memory_space<smem>>
      memref.store %get3A_29, %arg4[%swap3A_46] : memref<32xf32, #tpu.memory_space<smem>>
      %swap3A_48 = arith.constant 18 : index
      %swap3A_49 = memref.load %arg4[%swap3A_48] : memref<32xf32, #tpu.memory_space<smem>>
      memref.store %reduce_sum3A_37, %arg4[%swap3A_48] : memref<32xf32, #tpu.memory_space<smem>>
      %swap3A_50 = arith.constant 3 : index
      %swap3A_51 = memref.load %arg4[%swap3A_50] : memref<32xf32, #tpu.memory_space<smem>>
      memref.store %get3A_29, %arg4[%swap3A_50] : memref<32xf32, #tpu.memory_space<smem>>
      %swap3A_52 = arith.constant 19 : index
      %swap3A_53 = memref.load %arg4[%swap3A_52] : memref<32xf32, #tpu.memory_space<smem>>
      memref.store %reduce_sum3A_37, %arg4[%swap3A_52] : memref<32xf32, #tpu.memory_space<smem>>
      %swap3A_54 = arith.constant 4 : index
      %swap3A_55 = memref.load %arg4[%swap3A_54] : memref<32xf32, #tpu.memory_space<smem>>
      memref.store %get3A_29, %arg4[%swap3A_54] : memref<32xf32, #tpu.memory_space<smem>>
      %swap3A_56 = arith.constant 20 : index
      %swap3A_57 = memref.load %arg4[%swap3A_56] : memref<32xf32, #tpu.memory_space<smem>>
      memref.store %reduce_sum3A_37, %arg4[%swap3A_56] : memref<32xf32, #tpu.memory_space<smem>>
      %swap3A_58 = arith.constant 5 : index
      %swap3A_59 = memref.load %arg4[%swap3A_58] : memref<32xf32, #tpu.memory_space<smem>>
      memref.store %get3A_29, %arg4[%swap3A_58] : memref<32xf32, #tpu.memory_space<smem>>
      %swap3A_60 = arith.constant 21 : index
      %swap3A_61 = memref.load %arg4[%swap3A_60] : memref<32xf32, #tpu.memory_space<smem>>
      memref.store %reduce_sum3A_37, %arg4[%swap3A_60] : memref<32xf32, #tpu.memory_space<smem>>
      %swap3A_62 = arith.constant 6 : index
      %swap3A_63 = memref.load %arg4[%swap3A_62] : memref<32xf32, #tpu.memory_space<smem>>
      memref.store %get3A_29, %arg4[%swap3A_62] : memref<32xf32, #tpu.memory_space<smem>>
      %swap3A_64 = arith.constant 22 : index
      %swap3A_65 = memref.load %arg4[%swap3A_64] : memref<32xf32, #tpu.memory_space<smem>>
      memref.store %reduce_sum3A_37, %arg4[%swap3A_64] : memref<32xf32, #tpu.memory_space<smem>>
      %swap3A_66 = arith.constant 7 : index
      %swap3A_67 = memref.load %arg4[%swap3A_66] : memref<32xf32, #tpu.memory_space<smem>>
      memref.store %get3A_29, %arg4[%swap3A_66] : memref<32xf32, #tpu.memory_space<smem>>
      %swap3A_68 = arith.constant 23 : index
      %swap3A_69 = memref.load %arg4[%swap3A_68] : memref<32xf32, #tpu.memory_space<smem>>
      memref.store %reduce_sum3A_37, %arg4[%swap3A_68] : memref<32xf32, #tpu.memory_space<smem>>
      %swap3A_70 = arith.constant 8 : index
      %swap3A_71 = memref.load %arg4[%swap3A_70] : memref<32xf32, #tpu.memory_space<smem>>
      memref.store %get3A_29, %arg4[%swap3A_70] : memref<32xf32, #tpu.memory_space<smem>>
      %swap3A_72 = arith.constant 24 : index
      %swap3A_73 = memref.load %arg4[%swap3A_72] : memref<32xf32, #tpu.memory_space<smem>>
      memref.store %reduce_sum3A_37, %arg4[%swap3A_72] : memref<32xf32, #tpu.memory_space<smem>>
      %swap3A_74 = arith.constant 9 : index
      %swap3A_75 = memref.load %arg4[%swap3A_74] : memref<32xf32, #tpu.memory_space<smem>>
      memref.store %get3A_29, %arg4[%swap3A_74] : memref<32xf32, #tpu.memory_space<smem>>
      %swap3A_76 = arith.constant 25 : index
      %swap3A_77 = memref.load %arg4[%swap3A_76] : memref<32xf32, #tpu.memory_space<smem>>
      memref.store %reduce_sum3A_37, %arg4[%swap3A_76] : memref<32xf32, #tpu.memory_space<smem>>
      %swap3A_78 = arith.constant 10 : index
      %swap3A_79 = memref.load %arg4[%swap3A_78] : memref<32xf32, #tpu.memory_space<smem>>
      memref.store %get3A_29, %arg4[%swap3A_78] : memref<32xf32, #tpu.memory_space<smem>>
      %swap3A_80 = arith.constant 26 : index
      %swap3A_81 = memref.load %arg4[%swap3A_80] : memref<32xf32, #tpu.memory_space<smem>>
      memref.store %reduce_sum3A_37, %arg4[%swap3A_80] : memref<32xf32, #tpu.memory_space<smem>>
      %swap3A_82 = arith.constant 11 : index
      %swap3A_83 = memref.load %arg4[%swap3A_82] : memref<32xf32, #tpu.memory_space<smem>>
      memref.store %get3A_29, %arg4[%swap3A_82] : memref<32xf32, #tpu.memory_space<smem>>
      %swap3A_84 = arith.constant 27 : index
      %swap3A_85 = memref.load %arg4[%swap3A_84] : memref<32xf32, #tpu.memory_space<smem>>
      memref.store %reduce_sum3A_37, %arg4[%swap3A_84] : memref<32xf32, #tpu.memory_space<smem>>
      %swap3A_86 = arith.constant 12 : index
      %swap3A_87 = memref.load %arg4[%swap3A_86] : memref<32xf32, #tpu.memory_space<smem>>
      memref.store %get3A_29, %arg4[%swap3A_86] : memref<32xf32, #tpu.memory_space<smem>>
      %swap3A_88 = arith.constant 28 : index
      %swap3A_89 = memref.load %arg4[%swap3A_88] : memref<32xf32, #tpu.memory_space<smem>>
      memref.store %reduce_sum3A_37, %arg4[%swap3A_88] : memref<32xf32, #tpu.memory_space<smem>>
      %swap3A_90 = arith.constant 13 : index
      %swap3A_91 = memref.load %arg4[%swap3A_90] : memref<32xf32, #tpu.memory_space<smem>>
      memref.store %get3A_29, %arg4[%swap3A_90] : memref<32xf32, #tpu.memory_space<smem>>
      %swap3A_92 = arith.constant 29 : index
      %swap3A_93 = memref.load %arg4[%swap3A_92] : memref<32xf32, #tpu.memory_space<smem>>
      memref.store %reduce_sum3A_37, %arg4[%swap3A_92] : memref<32xf32, #tpu.memory_space<smem>>
      %swap3A_94 = arith.constant 14 : index
      %swap3A_95 = memref.load %arg4[%swap3A_94] : memref<32xf32, #tpu.memory_space<smem>>
      memref.store %get3A_29, %arg4[%swap3A_94] : memref<32xf32, #tpu.memory_space<smem>>
      %swap3A_96 = arith.constant 30 : index
      %swap3A_97 = memref.load %arg4[%swap3A_96] : memref<32xf32, #tpu.memory_space<smem>>
      memref.store %reduce_sum3A_37, %arg4[%swap3A_96] : memref<32xf32, #tpu.memory_space<smem>>
      %swap3A_98 = arith.constant 15 : index
      %swap3A_99 = memref.load %arg4[%swap3A_98] : memref<32xf32, #tpu.memory_space<smem>>
      memref.store %get3A_29, %arg4[%swap3A_98] : memref<32xf32, #tpu.memory_space<smem>>
      %swap3A_100 = arith.constant 31 : index
      %swap3A_101 = memref.load %arg4[%swap3A_100] : memref<32xf32, #tpu.memory_space<smem>>
      memref.store %reduce_sum3A_37, %arg4[%swap3A_100] : memref<32xf32, #tpu.memory_space<smem>>
    } else {
    }
    return
  }
  func.func @transform_0(%arg0: i32) -> (i32, i32) {
    %c0_i32 = arith.constant 0 : i32
    %c0_i32_0 = arith.constant 0 : i32
    %c0_i32_1 = arith.constant 0 : i32
    return %c0_i32, %c0_i32_0 : i32, i32
  }
  func.func @transform_1(%arg0: i32) -> (i32, i32) {
    %add3A = arith.constant 1 : i32
    %add3A_0 = arith.addi %arg0, %add3A : i32
    %c0_i32 = arith.constant 0 : i32
    %c0_i32_1 = arith.constant 0 : i32
    return %add3A_0, %c0_i32 : i32, i32
  }
  func.func @transform_2(%arg0: i32) -> (i32, i32) {
    %add3A = arith.constant 1 : i32
    %add3A_0 = arith.addi %arg0, %add3A : i32
    %c0_i32 = arith.constant 0 : i32
    %c0_i32_1 = arith.constant 0 : i32
    return %add3A_0, %c0_i32 : i32, i32
  }
  func.func @transform_3(%arg0: i32) -> i32 {
    %c0_i32 = arith.constant 0 : i32
    %c0_i32_0 = arith.constant 0 : i32
    return %c0_i32 : i32
  }
}

</mosaic_0001>

<sc_bundles>
// kernel: kernel.5.cloned.1.call-start
scs
__scs_entry_jumppad:
0x0: {  	(pc) =	sbr.rel $0x88, $3  }
0x1: {  	(tag) =	ssettag $0x0;
	lr =	simm.s32 $0x1  }
0x2: {  	[smem:$0x3F9C] =	sst lr;
	_ =	strace $0xD0000000  }
0x3: {  	_ = 	snop  }
0x4: {  	_ = 	snop  }
0x5: {  	_ = 	snop  }
0x6: {  	_ = 	snop  }
0x7: {  	_ = 	snop  }
__scs_overlays_trampoline_lowered:
0x8: {  	[smem:$0x3FAB] =	sst s0  }
0x9: {  	[smem:$0x3FAC] =	sst s1  }
0xa: {  	[smem:$0x3FAD] =	sst s2  }
0xb: {  	[smem:$0x3FAE] =	sst s3  }
0xc: {  	[smem:$0x3FAF] =	sst s4  }
0xd: {  	[smem:$0x3FB0] =	sst s5  }
0xe: {  	[smem:$0x3FB1] =	sst s6  }
0xf: {  	[smem:$0x3FB2] =	sst s7  }
0x10: {  	[smem:$0x3FB3] =	sst s8  }
0x11: {  	[smem:$0x3FB4] =	sst s9;
	s0 =	simm.s32 @!p0 $0x0  }
0x12: {  	s1 =	sld [smem:$0x3F9A];
	s0 =	simm.s32 @p0 $0x1  }
0x13: {  	[smem:$0x3FB5] =	sst s0;
	s0 =	simm.s32 @!p1 $0x0  }
0x14: {  	s2 =	sld [smem:$0x3F99];
	s0 =	simm.s32 @p1 $0x1  }
0x15: {  	[smem:$0x3FB6] =	sst s0;
	s0 =	simm.s32 @!p2 $0x0  }
0x16: {  	s3 =	sld [smem:$0x3FDB];
	s0 =	simm.s32 @p2 $0x1  }
0x17: {  	s4 =	simm.s32 $0x1BF5;
	[smem:$0x3FB8] =	sst s0  }
0x18: {  	s0 =	sld [smem:$0x3F9B];
	_ =	swait.ge [sflag:s4], $0x0  }
0x19: {  	s7 =	sld [smem:$0x3F9C]  }
0x1a: {  	s8 =	sadd.s32 $0xFFFFE003, lr  }
0x1b: {  	s9 =	sadd.s32 $0xFFFFFEF7, lr;
	s5 =	simm.s32 $0xFFFFFFFF;
	p2 =	slt.u32 s8, $0xFFFFF086  }
0x1c: {  	p1 =	slt.u32 s9, $0xF7A;
	s5 =	simm.s32 @!p2 $0x0  }
0x1d: {  	s5 =	simm.s32 @p1 $0x1;
	p0 =	seq.s32 s7, s2  }
0x1e: {  	s7 =	smul.u32 @!p0 $0xF7A, s2;
	p2 =	seq.s32 @!p0 s5, $0x0  }
0x1f: {  	s9 =	smul.u32 $0xF7A, s1;
	s8 =	simm.s32 @!p0 $0x1BF5;
	p2 =	por !p2, p0  }
0x20: {  	[sflag:s8] =	ssyncset.s32 @!p0 $0xFFFFF086;
	s6 =	sadd.s32 @!p0 s3, s7;
	s7 =	simm.s32 @!p0 $0x108  }
0x21: {  	s3 =	sadd.s32 s3, s9;
	s6 =	sadd.s32 @!p0 $0x88, s6;
	s7 =	simm.s32 @p2 $0x1082  }
0x22: {  	[simem:s7], [sflag:s8] =	dma.local @!p0 [hbm:s6], $0xF7A  }
0x23: {  	s9 =	sor.u32 $0xD0000000, s2;
	s6 =	simm.s32 $0x108;
	_ =	swait.ge @!p0 [sflag:s8], $0x0  }
0x24: {  	s3 =	sadd.s32 $0x88, s3;
	s6 =	simm.s32 @!p1 $0x1082;
	[sflag:s4] =	ssyncset.s32 $0xFFFFF086  }
0x25: {  	[simem:s6], [sflag:s4] =	dma.local [hbm:s3], $0xF7A  }
0x26: {  	[smem:$0x3F9C] =	sst s1;
	(tag) =	ssettag s2;
	_ =	strace s9  }
0x27: {  	s1 =	sld [smem:$0x3FAC]  }
0x28: {  	s2 =	sld [smem:$0x3FAD]  }
0x29: {  	s4 =	sld [smem:$0x3FAF]  }
0x2a: {  	p0 =	seq.s32 s5, $0x0;
	s5 =	sld [smem:$0x3FB0]  }
0x2b: {  	s6 =	sld [smem:$0x3FB1]  }
0x2c: {  	s7 =	sld [smem:$0x3FB2]  }
0x2d: {  	s3 =	simm.s32 $0x108;
	s8 =	sld [smem:$0x3FB3]  }
0x2e: {  	s3 =	simm.s32 @!p0 $0x1082;
	s9 =	sld [smem:$0x3FB4]  }
0x2f: {  	lr =	sadd.s32 s0, s3;
	s0 =	sld [smem:$0x3FAB]  }
0x30: {  	s3 =	sld [smem:$0x3FAE]  }
0x31: {  	[smem:$0x3FB7] =	sst s10  }
0x32: {  	s10 =	sld [smem:$0x3FB5];
	_ =	sdelay $0x3  }
0x33: {  	p0 =	seq.s32 s10, $0x1;
	s10 =	sld [smem:$0x3FB7];
	_ =	sdelay $0x3  }
0x34: {  	[smem:$0x3FB7] =	sst s10  }
0x35: {  	s10 =	sld [smem:$0x3FB6];
	_ =	sdelay $0x3  }
0x36: {  	p1 =	seq.s32 s10, $0x1;
	s10 =	sld [smem:$0x3FB7];
	_ =	sdelay $0x3  }
0x37: {  	[smem:$0x3FB7] =	sst s10  }
0x38: {  	s10 =	sld [smem:$0x3FB8]  }
0x39: {  	_ = 	snop;
	(pc) =	sbr.ind lr, $3  }
0x3a: {  	_ = 	snop  }
0x3b: {  	_ = 	snop  }
0x3c: {  	p2 =	seq.s32 s10, $0x1;
	s10 =	sld [smem:$0x3FB7]  }
0x3d: {  	_ =	shalt  }
0x3e: {  	_ =	shalt  }
0x3f: {  	_ =	shalt  }
0x40: {  	_ =	shalt  }
0x41: {  	_ =	shalt  }
0x42: {  	_ =	shalt  }
0x43: {  	_ =	shalt  }
0x44: {  	_ =	shalt  }
0x45: {  	_ =	shalt  }
0x46: {  	_ =	shalt  }
0x47: {  	_ =	shalt  }
0x48: {  	_ =	shalt  }
0x49: {  	_ =	shalt  }
0x4a: {  	_ =	shalt  }
0x4b: {  	_ =	shalt  }
0x4c: {  	_ =	shalt  }
0x4d: {  	_ =	shalt  }
0x4e: {  	_ =	shalt  }
0x4f: {  	_ =	shalt  }
0x50: {  	_ =	shalt  }
0x51: {  	_ =	shalt  }
0x52: {  	_ =	shalt  }
0x53: {  	_ =	shalt  }
0x54: {  	_ =	shalt  }
0x55: {  	_ =	shalt  }
0x56: {  	_ =	shalt  }
0x57: {  	_ =	shalt  }
0x58: {  	_ =	shalt  }
0x59: {  	_ =	shalt  }
0x5a: {  	_ =	shalt  }
0x5b: {  	_ =	shalt  }
0x5c: {  	_ =	shalt  }
0x5d: {  	_ =	shalt  }
0x5e: {  	_ =	shalt  }
0x5f: {  	_ =	shalt  }
0x60: {  	_ =	shalt  }
0x61: {  	_ =	shalt  }
0x62: {  	_ =	shalt  }
0x63: {  	_ =	shalt  }
0x64: {  	_ =	shalt  }
0x65: {  	_ =	shalt  }
0x66: {  	_ =	shalt  }
0x67: {  	_ =	shalt  }
0x68: {  	_ =	shalt  }
0x69: {  	_ =	shalt  }
0x6a: {  	_ =	shalt  }
0x6b: {  	_ =	shalt  }
0x6c: {  	_ =	shalt  }
0x6d: {  	_ =	shalt  }
0x6e: {  	_ =	shalt  }
0x6f: {  	_ =	shalt  }
0x70: {  	_ =	shalt  }
0x71: {  	_ =	shalt  }
0x72: {  	_ =	shalt  }
0x73: {  	_ =	shalt  }
0x74: {  	_ =	shalt  }
0x75: {  	_ =	shalt  }
0x76: {  	_ =	shalt  }
0x77: {  	_ =	shalt  }
0x78: {  	_ =	shalt  }
0x79: {  	_ =	shalt  }
0x7a: {  	_ =	shalt  }
0x7b: {  	_ =	shalt  }
0x7c: {  	_ =	shalt  }
0x7d: {  	_ =	shalt  }
0x7e: {  	_ =	shalt  }
0x7f: {  	_ =	shalt  }
0x80: {  	_ =	shalt  }
0x81: {  	_ =	shalt  }
0x82: {  	_ =	shalt  }
0x83: {  	_ =	shalt  }
0x84: {  	_ =	shalt  }
0x85: {  	_ =	shalt  }
0x86: {  	_ =	shalt  }
0x87: {  	_ =	shalt  }
.Lfunc_end0:
.L_simem_size_0:
called_computation_lowered:
.L_overlay_start_0:
0x88: {  	s2 =	sld [smem:$0x3FD9]  }
0x89: {  	s3 =	sld [smem:$0x3FFE];
	_ =	sdelay $0x1  }
0x8a: {  	s1 =	srdreg.scid  }
0x8b: {  	s0 =	sand.u32 $0x1, s1  }
0x8c: {  	s17 =	sshll.u32 s0, $0xA;
	s2 =	sadd.s32 s3, s2  }
0x8d: {  	s2 =	sadd.s32 s2, s17  }
0x8e: {  	[smem:$0x3FC3] =	sst s2  }
0x8f: {  	_ = 	snop  }
0x90: {  	s2 =	sld [smem:$0x3FC8]  }
0x91: {  	s18 =	sld [smem:$0x3FC7]  }
0x92: {  	s4 =	sld [smem:$0x3FC6]  }
0x93: {  	s5 =	sld [smem:$0x3FC5]  }
0x94: {  	s6 =	sld [smem:$0x3FD0];
	(tm) =	ssettm $0x1  }
0x95: {  	s7 =	sld [smem:$0x3FFB];
	_ =	sdelay $0x3  }
0x96: {  	_ =	strace s7  }
0x97: {  	s7 =	sld [smem:$0x3FFC];
	_ =	sdelay $0x3  }
0x98: {  	_ =	strace s7  }
0x99: {  	s7 =	sld [smem:$0x3FFD];
	_ =	sdelay $0x3  }
0x9a: {  	_ =	strace s7  }
0x9b: {  	_ =	strace $0x8FFFFFFF  }
0x9c: {  	s19 =	sld [smem:$0x3FDB];
	_ =	sdelay $0x1  }
0x9d: {  	s8 =	simm.s32 $_scs_section_size  }
0x9e: {  	s9 =	simm.s32 $_size__tile_overlayer_lowered;
	s10 =	simm.s32 $_tile_overlayer_lowered  }
0x9f: {  	s22 =	simm.s32 $0x1BFF;
	s21 =	sshll.u32 s10, $0x1;
	s7 =	sadd.s32 s8, s19  }
0xa0: {  	s11 =	simm.s32 $0x0;
	s20 =	sshll.u32 s9, $0x1;
	s9 =	sadd.s32 s21, s7  }
0xa1: {  	[timem:s11], [sflag:s22] =	dma.local [hbm:s9], s20  }
0xa2: {  	_ =	swait.ge [sflag:s22], s20  }
0xa3: {  	s8 =	ssub.s32 $0x0, s20;
	[sflag:s22] =	ssyncset.done $0x0  }
0xa4: {  	[sflag:s22] =	ssyncadd.s32 s8;
	_ =	sdelay $0x1  }
0xa5: {  	s23 =	simm.s32 $0x1B8B  }
0xa6: {  	_ =	swait.ge [sflag:s23], $0x1  }
0xa7: {  	[sflag:s23] =	ssyncset.done $0x0  }
0xa8: {  	s25 =	simm.s32 $0x1B8E;
	s24 =	sld [smem:$0x3FFE];
	[sflag:s23] =	ssyncadd.s32 $0xFFFFFFFF  }
0xa9: {  	s26 =	simm.s32 $execute0_lowered;
	[smem:$0x3FD2] =	sst s25  }
0xaa: {  	s9 =	sshll.u32 s26, $0x1;
	_ =	strace $0x80000046;
	[dreg:$0x1] =	wrdreg $0xFFFFFFFF  }
0xab: {  	s28 =	simm.s32 $_size_execute0_lowered;
	s7 =	sadd.s32 s7, s9;
	[dreg:$0x0] =	wrdreg $0x0  }
0xac: {  	s9 =	sshll.u32 s28, $0x1;
	[dreg:$0x2] =	wrdreg s7  }
0xad: {  	[dreg:$0x3] =	wrdreg s9  }
0xae: {  	[dreg:$0x4] =	wrdreg $0xC0  }
0xaf: {  	_ =	task [dreg:s11], $0x5FFFF  }
0xb0: {  	[dreg:$0x1] =	wrdreg $0xFFFFFFFF  }
0xb1: {  	[dreg:$0x0] =	wrdreg $0x60  }
0xb2: {  	[dreg:$0x2] =	wrdreg s4  }
0xb3: {  	[dreg:$0x3] =	wrdreg s5  }
0xb4: {  	[dreg:$0x4] =	wrdreg s2  }
0xb5: {  	[dreg:$0x5] =	wrdreg s18  }
0xb6: {  	[dreg:$0x6] =	wrdreg s6  }
0xb7: {  	[dreg:$0x7] =	wrdreg s24  }
0xb8: {  	[dreg:$0x8] =	wrdreg $0x9  }
0xb9: {  	_ =	task.clear_ibuf [dreg:s11], $0x9FFFF;
	_ =	strace $0x90000046  }
0xba: {  	s29 =	simm.s32 $0x9;
	_ =	strace $0x80000048  }
0xbb: {  	_ =	swait.ge [sflag:s29], $0x1  }
0xbc: {  	[sflag:s29] =	ssyncadd.s32 $0xFFFFFFFF  }
0xbd: {  	_ =	strace $0x90000048  }
0xbe: {  	_ =	sfence  }
0xbf: {  	s30 =	sld [smem:$0x0];
	_ =	sdelay $0x2  }
0xc0: {  	s31 =	sshll.u32 s1, $0xD;
	s1 =	sshrl.u32 s1, $0x2  }
0xc1: {  	s3 =	sand.u32 $0x4000, s31;
	s1 =	sadd.s32 s1, s30  }
0xc2: {  	s0 =	sor.u32 s3, s0;
	s1 =	sshll.u32 s1, $0x11  }
0xc3: {  	s0 =	sor.u32 s1, s0  }
0xc4: {  	s0 =	sadd.s32 $0x8F2B, s0  }
0xc5: {  	[sflag:s0] =	ssyncadd.remote.s32 $0x1  }
0xc6: {  	_ =	sfence.sel $0xFFFF  }
0xc7: {  	[dreg:$0x0] =	wrdreg $0xFFFFFFFF;
	(pc) =	sbr.abs _section_cstart, $3  }
0xc8: {  	[dreg:$0x1] =	wrdreg $0xFFFFFFFF  }
0xc9: {  	_ =	task.clear_ibuf [dreg:s11], $0x2FFFF;
	_ =	strace $0x9FFFFFFF  }
0xca: {  	(tm) =	ssettm $0x7FFFFFFF  }
0xcb: {  	_ =	shalt  }
tec
execute0_lowered:
.L_overlay_start_1:
0x0: {  	(tag) =	ssettag $0x1  }
0x1: {  	s0 =	rddreg [dreg:$0x0]  }
0x2: {  	s12 =	rddreg [dreg:$0x1]  }
0x3: {  	s1 =	rddreg [dreg:$0x2]  }
0x4: {  	s2 =	rddreg [dreg:$0x3]  }
0x5: {  	s6 =	rddreg [dreg:$0x4]  }
0x6: {  	s4 =	rddreg [dreg:$0x5]  }
0x7: {  	s5 =	srdreg.scid;
	s20 =	stileid.u32  }
0x8: {  	s3 =	simm.s32 $0x0;
	s28 =	simm.s32 $0x7A80;
	s29 =	simm.s32 $0xFA80  }
0x9: {  	s30 =	simm.s32 $0x2;
	s31 =	simm.s32 $0x3;
	s5 =	sand.u32 $0x1, s5  }
0xa: {  	s7 =	sshll.u32 s20, $0x1;
	[smem:$0x7FF] =	sst s3;
	p0 =	sgt.u32 s20, $0x7  }
0xb: {  	s20 =	simm.s32 $0x17A80;
	s7 =	sor.u32 s5, s7;
	_ =	strace $0x80000047  }
0xc: {  	s5 =	ssub.s32 $0x2, s5;
	s8 =	sshll.u32 s7, $0x4;
	s10 =	sshll.u32 s7, $0x1  }
0xd: {  	s16 =	sshrl.u32 s5, $0x1;
	s17 =	sshll.u32 s7, $0xE;
	s21 =	sshll.u32 s7, $0x11  }
0xe: {  	s26 =	smul.u32 $0xF44, s7;
	p1 =	seq.s32 s7, $0x1F;
	s9 =	sadd.s32 s8, s4  }
0xf: {  	s11 =	sadd.s32 s10, s4;
	s19 =	ssub.s32 s5, s16;
	s4 =	sadd.s32 s0, s8  }
0x10: {  	s18 =	sadd.s32 $0x1FFC0000, s17;
	s22 =	sadd.s32 $0xFFE00200, s21;
	s23 =	sadd.s32 $0xFFE10000, s21  }
0x11: {  	s8 =	sadd.s32 $0xFFE10200, s21;
	s10 =	sadd.s32 s1, s17;
	s17 =	sadd.s32 $0x1D93C, s12  }
0x12: {  	s21 =	simm.s32 $0x4;
	s5 =	sadd.s32 $0x1000, s9;
	s0 =	sand.u32 $0x1FFFC000, s18  }
0x13: {  	s9 =	sshrl.u32 s23, $0x3;
	s25 =	sshrl.u32 s8, $0x3;
	s11 =	sadd.s32 $0x1200, s11  }
0x14: {  	s1 =	sadd.s32 $0x40, s10;
	s13 =	sadd.s32 $0x2000, s10;
	s14 =	sadd.s32 $0x2040, s10  }
0x15: {  	s15 =	sadd.s32 s12, s26;
	s16 =	sadd.s32 s6, s26;
	s18 =	sadd.s32 $0x1D93C, s6  }
0x16: {  	s19 =	smax.u32 s19, $0x1;
	s23 =	simm.s32 $0x17B00;
	s26 =	simm.s32 $0x400  }
.Ltmp0:
0x17: {  	s0 =	sadd.s32 s2, s0;
	[dreg:$0xb] =	wrdreg s1;
	(pc) =	sbr.rel .LBB2_1-.Ltmp0, $4  }
0x18: {  	s24 =	sadd.s32 s2, s9;
	[dreg:$0x7] =	wrdreg s0;
	s0 =	sshrl.u32 s22, $0x3  }
0x19: {  	[dreg:$0x9] =	wrdreg s24;
	s24 =	simm.s32 $0x1;
	s0 =	sadd.s32 s2, s0  }
0x1a: {  	[dreg:$0x8] =	wrdreg s0;
	s0 =	sadd.s32 s2, s25;
	s25 =	simm.s32 $0x200  }
0x1b: {  	s2 =	simm.s32 $0x0;
	[dreg:$0xa] =	wrdreg s0;
	s0 =	simm.s32 $0x17B80  }
.LBB2_19:
0x1c: {  	v8 =	vld [tilespmem:s8+$0xFAB0]  }
0x1d: {  	v10 =	vld [tilespmem:s22+$0xFAE0]  }
0x1e: {  	v11 =	vld [tilespmem:s22+$0xFAF0];
	_ =	sdelay $0x1  }
0x1f: {  	v0 =	vadd.f32 v0, v2;
	v1 =	vadd.f32 v1, v3  }
0x20: {  	v2 =	vadd.f32 v7, v5;
	v3 =	vadd.f32 v8, v6  }
0x21: {  	v0 =	vadd.f32 v9, v0;
	v1 =	vadd.f32 v4, v1  }
0x22: {  	v2 =	vadd.f32 v10, v2;
	v3 =	vadd.f32 v11, v3;
	_ =	sdelay $0x1  }
0x23: {  	v0 =	vadd.f32 v1, v0;
	v1 =	vadd.f32 v3, v2;
	_ =	sdelay $0x1  }
0x24: {  	v0 =	vadd.f32 v1, v0  }
.LBB2_20:
0x25: {  	_ = 	snop  }
0x26: {  	[tilespmem:$0x17B80] =	vst v0  }
0x27: {  	[hbm4b:s11+s3] =	stream.linear.scatter [tilespmem:s0], [sflag:$0x4], $0x10, $0x38;
	[tilespmem:$0x17C00] =	vst v63  }
0x28: {  	_ =	swait.ge [sflag:s21], $0x10  }
0x29: {  	[sflag:s21] =	ssyncset.done $0x0  }
0x2a: {  	s1 =	simm.s32 @p1 $0x0;
	s6 =	simm.s32 @p1 $0x4;
	[sflag:s21] =	ssyncadd.s32 $0xFFFFFFF0  }
0x2b: {  	[tilespmem:s1], [sflag:$0x4] =	stream.linear.gather @p1 [hbm4b:s17+s1], $0x7860, $0x38;
	[tilespmem:$0x17C00] =	vst v63  }
0x2c: {  	_ =	swait.ge @p1 [sflag:s6], $0x7860  }
0x2d: {  	[sflag:s6] =	ssyncset.done @p1 $0x0  }
0x2e: {  	[sflag:s6] =	ssyncadd.s32 @p1 $0xFFFF87A0  }
0x2f: {  	[hbm4b:s18+s1] =	stream.linear.scatter @p1 [tilespmem:s1], [sflag:$0x4], $0x7860, $0x38;
	[tilespmem:$0x17C00] =	vst v63  }
0x30: {  	_ =	swait.ge @p1 [sflag:s6], $0x7860  }
0x31: {  	[sflag:s6] =	ssyncset.done @p1 $0x0  }
0x32: {  	s1 =	simm.s32 @!p1 $0x0;
	[sflag:s6] =	ssyncadd.s32 @p1 $0xFFFF87A0;
	s6 =	simm.s32 @!p1 $0x4  }
0x33: {  	[tilespmem:s1], [sflag:$0x4] =	stream.linear.gather @!p1 [hbm4b:s15+s1], $0x7A20, $0x38;
	[tilespmem:$0x17C00] =	vst v63  }
0x34: {  	s2 =	sadd.s32 $0x1, s2;
	_ =	swait.ge @!p1 [sflag:s6], $0x7A20  }
0x35: {  	p2 =	sne.s32 s2, s19;
	[sflag:s6] =	ssyncset.done @!p1 $0x0  }
.Ltmp1:
0x36: {  	[sflag:s6] =	ssyncadd.s32 @!p1 $0xFFFF85E0;
	(pc) =	sbr.rel @!p2 .LBB2_21-.Ltmp1, $4  }
0x37: {  	[hbm4b:s16+s1] =	stream.linear.scatter @!p1 [tilespmem:s1], [sflag:$0x4], $0x7A20, $0x38;
	[tilespmem:$0x17C00] =	vst v63  }
0x38: {  	_ =	swait.ge @!p1 [sflag:s6], $0x7A20  }
0x39: {  	[sflag:s6] =	ssyncset.done @!p1 $0x0  }
0x3a: {  	[sflag:s6] =	ssyncadd.s32 @!p1 $0xFFFF85E0  }
.LBB2_1:
0x3b: {  	[tilespmem:s20], [sflag:$0x4] =	stream.linear.gather [hbm4b:s4+s3], $0x80, $0x38;
	[tilespmem:$0x17C00] =	vst v63  }
0x3c: {  	_ =	swait.ge [sflag:s21], $0x80  }
0x3d: {  	[sflag:s21] =	ssyncset.done $0x0  }
0x3e: {  	[sflag:s21] =	ssyncadd.s32 $0xFFFFFF80  }
0x3f: {  	s6 =	simm.s32 $0x80;
	s1 =	rddreg [dreg:$0x1]  }
0x40: {  	[tilespmem:s23], [sflag:$0x1] =	stream.indirect.gather [hbm4b:s1+s6], $0x1, s20, s6, $0xb8;
	[tilespmem:$0x17C00] =	vst v63  }
0x41: {  	_ =	swait.ge [sflag:s24], $0x80  }
0x42: {  	[sflag:s24] =	ssyncset.done $0x0  }
0x43: {  	[sflag:s24] =	ssyncadd.s32 $0xFFFFFF80  }
0x44: {  	v0 =	vld [tilespmem:$0x17B00]  }
0x45: {  	v1 =	vld [tilespmem:$0x17B10]  }
0x46: {  	v2 =	vld [tilespmem:$0x17B20]  }
0x47: {  	v3 =	vld [tilespmem:$0x17B30]  }
0x48: {  	v4 =	vld [tilespmem:$0x17B40]  }
0x49: {  	v5 =	vld [tilespmem:$0x17B50];
	v0 =	vmul.f32 $4.079282280e-03, v0  }
0x4a: {  	v6 =	vld [tilespmem:$0x17B60];
	v1 =	vmul.f32 $4.079282280e-03, v1  }
0x4b: {  	v58 =	vld [tilespmem:$0x17B70];
	v57 =	vmul.f32 $4.079282280e-03, v2;
	[tilespmem:$0x17B00] =	vst v0  }
0x4c: {  	v59 =	vmul.f32 $4.079282280e-03, v3;
	[tilespmem:$0x17B10] =	vst v1  }
0x4d: {  	v60 =	vmul.f32 $4.079282280e-03, v4;
	[tilespmem:$0x17B20] =	vst v57  }
0x4e: {  	v61 =	vmul.f32 $4.079282280e-03, v5;
	[tilespmem:$0x17B30] =	vst v59  }
0x4f: {  	v62 =	vmul.f32 $4.079282280e-03, v6;
	[tilespmem:$0x17B40] =	vst v60  }
0x50: {  	v63 =	vmul.f32 $4.079282280e-03, v58;
	[tilespmem:$0x17B50] =	vst v61  }
0x51: {  	[tilespmem:$0x17B60] =	vst v62  }
.Ltmp2:
0x52: {  	[tilespmem:$0x17B70] =	vst v63;
	(pc) =	sbr.rel @p0 .LBB2_11-.Ltmp2, $4  }
0x53: {  	[hbm4b:s5+s3] =	stream.linear.scatter [tilespmem:s23], [sflag:$0x4], $0x80, $0x38;
	[tilespmem:$0x17C00] =	vst v63  }
0x54: {  	_ =	swait.ge [sflag:s21], $0x80  }
0x55: {  	[sflag:s21] =	ssyncset.done $0x0  }
0x56: {  	[sflag:s21] =	ssyncadd.s32 $0xFFFFFF80  }
0x57: {  	[tilespmem:s28], [sflag:$0x2] =	stream.strided.gather [hbm4b:s10+s25], $0x8000, s26, s25, $0x38;
	[tilespmem:$0x17C00] =	vst v63  }
0x58: {  	s1 =	rddreg [dreg:$0xb]  }
0x59: {  	[tilespmem:s29], [sflag:$0x3] =	stream.strided.gather [hbm4b:s1+s25], $0x8000, s26, s25, $0x38;
	[tilespmem:$0x17C00] =	vst v63  }
0x5a: {  	s6 =	simm.s32 $0x0;
	s1 =	simm.s32 $0x0;
	_ =	swait.ge [sflag:s30], $0x8000  }
0x5b: {  	s7 =	sand.u32 $0x180, s6;
	s8 =	sand.u32 $0x7E00, s1;
	[sflag:s30] =	ssyncset.done $0x0  }
0x5c: {  	s9 =	sand.u32 $0x1F800, s1;
	s22 =	sor.u32 s7, s8;
	[sflag:s30] =	ssyncadd.s32 $0xFFFF8000  }
0x5d: {  	s12 =	sshrl.u32 s9, $0x2;
	v3 =	vld [tilespmem:s22+$0x7AC0]  }
0x5e: {  	s8 =	sor.u32 s7, s12;
	v2 =	vld [tilespmem:s22+$0x7AD0]  }
0x5f: {  	v1 =	vld [tilespmem:s8+$0x7A80]  }
0x60: {  	v6 =	vimm.f32 $0.0e+00;
	v5 =	vld [tilespmem:s8+$0x7A90]  }
0x61: {  	v9 =	vimm.f32 $0.0e+00;
	v7 =	vimm.f32 $0.0e+00;
	v8 =	vimm.f32 $0.0e+00;
	s7 =	simm.s32 $0x0;
	v4 =	vld [tilespmem:s8+$0x7AA0]  }
.LBB2_3:
0x62: {  	s6 =	sadd.s32 $0x2, s6;
	v0 =	vld [tilespmem:s8+$0x7AB0];
	s1 =	sadd.s32 $0x200, s1;
	v10 =	vmov v3  }
0x63: {  	s7 =	sadd.s32 $0x800, s7;
	s8 =	sand.u32 $0x180, s6;
	s9 =	sand.u32 $0x7E00, s1;
	v11 =	vld [tilespmem:s22+$0x7AE0];
	v12 =	vmov v2  }
0x64: {  	s12 =	sand.u32 $0x1F800, s7;
	p2 =	slt.u32 s6, $0x1FE;
	v13 =	vld [tilespmem:s22+$0x7AF0];
	s22 =	sor.u32 s8, s9  }
.Ltmp3:
0x65: {  	s9 =	sshrl.u32 s12, $0x2;
	v3 =	vld [tilespmem:s22+$0x7AC0];
	(pc) =	sbr.rel @p2 .LBB2_3-.Ltmp3, $4  }
0x66: {  	v6 =	vadd.f32 v1, v6;
	s8 =	sor.u32 s8, s9;
	v9 =	vadd.f32 v5, v9;
	v2 =	vld [tilespmem:s22+$0x7AD0]  }
0x67: {  	v7 =	vadd.f32 v4, v7;
	v1 =	vld [tilespmem:s8+$0x7A80];
	v0 =	vadd.f32 v0, v8  }
0x68: {  	v6 =	vadd.f32 v10, v6;
	v9 =	vadd.f32 v12, v9;
	v5 =	vld [tilespmem:s8+$0x7A90]  }
0x69: {  	v7 =	vadd.f32 v11, v7;
	v4 =	vld [tilespmem:s8+$0x7AA0];
	v8 =	vadd.f32 v13, v0  }
0x6a: {  	v10 =	vld [tilespmem:s8+$0x7AB0]  }
0x6b: {  	v11 =	vld [tilespmem:s22+$0x7AE0]  }
0x6c: {  	v12 =	vld [tilespmem:s22+$0x7AF0];
	[tilespmem:s28], [sflag:$0x2] =	stream.strided.gather [hbm4b:s13+s25], $0x8000, s26, s25, $0x38  }
0x6d: {  	s1 =	simm.s32 $0x0;
	s6 =	simm.s32 $0x0;
	_ =	swait.ge [sflag:s31], $0x8000  }
0x6e: {  	s7 =	sand.u32 $0x180, s6;
	s22 =	sand.u32 $0x7E00, s1;
	[sflag:s31] =	ssyncset.done $0x0  }
0x6f: {  	s9 =	sand.u32 $0x1F800, s1;
	s22 =	sor.u32 s7, s22;
	[sflag:s31] =	ssyncadd.s32 $0xFFFF8000  }
0x70: {  	s12 =	sshrl.u32 s9, $0x2;
	v0 =	vld [tilespmem:s22+$0xFAC0]  }
0x71: {  	v6 =	vadd.f32 v1, v6;
	v5 =	vadd.f32 v5, v9;
	s8 =	sor.u32 s7, s12;
	v1 =	vld [tilespmem:s22+$0xFAD0]  }
0x72: {  	v7 =	vadd.f32 v4, v7;
	v4 =	vld [tilespmem:s8+$0xFA80];
	v10 =	vadd.f32 v10, v8  }
0x73: {  	v8 =	vadd.f32 v3, v6;
	v9 =	vadd.f32 v2, v5;
	v3 =	vld [tilespmem:s8+$0xFA90]  }
0x74: {  	s7 =	simm.s32 $0x0;
	v5 =	vadd.f32 v11, v7;
	v7 =	vld [tilespmem:s8+$0xFAA0];
	v6 =	vadd.f32 v12, v10  }
.LBB2_5:
0x75: {  	s6 =	sadd.s32 $0x2, s6;
	v2 =	vld [tilespmem:s8+$0xFAB0];
	s1 =	sadd.s32 $0x200, s1;
	v10 =	vmov v0  }
0x76: {  	s7 =	sadd.s32 $0x800, s7;
	s8 =	sand.u32 $0x180, s6;
	s9 =	sand.u32 $0x7E00, s1;
	v11 =	vld [tilespmem:s22+$0xFAE0];
	v12 =	vmov v1  }
0x77: {  	s12 =	sand.u32 $0x1F800, s7;
	p2 =	slt.u32 s6, $0x1FE;
	v13 =	vld [tilespmem:s22+$0xFAF0];
	s22 =	sor.u32 s8, s9  }
.Ltmp4:
0x78: {  	s9 =	sshrl.u32 s12, $0x2;
	v0 =	vld [tilespmem:s22+$0xFAC0];
	(pc) =	sbr.rel @p2 .LBB2_5-.Ltmp4, $4  }
0x79: {  	v8 =	vadd.f32 v4, v8;
	s8 =	sor.u32 s8, s9;
	v9 =	vadd.f32 v3, v9;
	v1 =	vld [tilespmem:s22+$0xFAD0]  }
0x7a: {  	v5 =	vadd.f32 v7, v5;
	v4 =	vld [tilespmem:s8+$0xFA80];
	v2 =	vadd.f32 v2, v6  }
0x7b: {  	v8 =	vadd.f32 v10, v8;
	v9 =	vadd.f32 v12, v9;
	v3 =	vld [tilespmem:s8+$0xFA90]  }
0x7c: {  	v5 =	vadd.f32 v11, v5;
	v7 =	vld [tilespmem:s8+$0xFAA0];
	v6 =	vadd.f32 v13, v2  }
0x7d: {  	v10 =	vld [tilespmem:s8+$0xFAB0]  }
0x7e: {  	v11 =	vld [tilespmem:s22+$0xFAE0]  }
0x7f: {  	v12 =	vld [tilespmem:s22+$0xFAF0];
	[tilespmem:s29], [sflag:$0x3] =	stream.strided.gather [hbm4b:s14+s25], $0x8000, s26, s25, $0x38  }
0x80: {  	s1 =	simm.s32 $0x0;
	s6 =	simm.s32 $0x0;
	_ =	swait.ge [sflag:s30], $0x8000  }
0x81: {  	s7 =	sand.u32 $0x180, s6;
	s22 =	sand.u32 $0x7E00, s1;
	[sflag:s30] =	ssyncset.done $0x0  }
0x82: {  	s9 =	sand.u32 $0x1F800, s1;
	s22 =	sor.u32 s7, s22;
	[sflag:s30] =	ssyncadd.s32 $0xFFFF8000  }
0x83: {  	s12 =	sshrl.u32 s9, $0x2;
	v2 =	vld [tilespmem:s22+$0x7AC0]  }
0x84: {  	v8 =	vadd.f32 v4, v8;
	v9 =	vadd.f32 v3, v9;
	s8 =	sor.u32 s7, s12;
	v3 =	vld [tilespmem:s22+$0x7AD0]  }
0x85: {  	v13 =	vadd.f32 v7, v5;
	v4 =	vld [tilespmem:s8+$0x7A80];
	v6 =	vadd.f32 v10, v6  }
0x86: {  	v7 =	vadd.f32 v0, v8;
	v5 =	vld [tilespmem:s8+$0x7A90];
	v8 =	vadd.f32 v1, v9  }
0x87: {  	s7 =	simm.s32 $0x0;
	v0 =	vadd.f32 v11, v13;
	v1 =	vadd.f32 v12, v6;
	v6 =	vld [tilespmem:s8+$0x7AA0]  }
.LBB2_7:
0x88: {  	s6 =	sadd.s32 $0x2, s6;
	v9 =	vld [tilespmem:s8+$0x7AB0];
	s1 =	sadd.s32 $0x200, s1;
	v10 =	vmov v2  }
0x89: {  	s7 =	sadd.s32 $0x800, s7;
	s8 =	sand.u32 $0x180, s6;
	s9 =	sand.u32 $0x7E00, s1;
	v11 =	vld [tilespmem:s22+$0x7AE0];
	v12 =	vmov v3  }
0x8a: {  	s12 =	sand.u32 $0x1F800, s7;
	p2 =	slt.u32 s6, $0x1FE;
	v13 =	vld [tilespmem:s22+$0x7AF0];
	s22 =	sor.u32 s8, s9  }
.Ltmp5:
0x8b: {  	s9 =	sshrl.u32 s12, $0x2;
	v2 =	vld [tilespmem:s22+$0x7AC0];
	(pc) =	sbr.rel @p2 .LBB2_7-.Ltmp5, $4  }
0x8c: {  	v7 =	vadd.f32 v4, v7;
	s8 =	sor.u32 s8, s9;
	v8 =	vadd.f32 v5, v8;
	v3 =	vld [tilespmem:s22+$0x7AD0]  }
0x8d: {  	v0 =	vadd.f32 v6, v0;
	v4 =	vld [tilespmem:s8+$0x7A80];
	v1 =	vadd.f32 v9, v1  }
0x8e: {  	v7 =	vadd.f32 v10, v7;
	v8 =	vadd.f32 v12, v8;
	v5 =	vld [tilespmem:s8+$0x7A90]  }
0x8f: {  	v0 =	vadd.f32 v11, v0;
	v6 =	vld [tilespmem:s8+$0x7AA0];
	v1 =	vadd.f32 v13, v1  }
0x90: {  	v10 =	vld [tilespmem:s8+$0x7AB0]  }
0x91: {  	v11 =	vld [tilespmem:s22+$0x7AE0]  }
0x92: {  	v12 =	vld [tilespmem:s22+$0x7AF0];
	_ =	swait.ge [sflag:s31], $0x8000;
	s1 =	simm.s32 $0x0;
	s6 =	simm.s32 $0x0  }
0x93: {  	[sflag:s31] =	ssyncset.done $0x0;
	s7 =	sand.u32 $0x180, s6;
	s22 =	sand.u32 $0x7E00, s1  }
0x94: {  	s9 =	sand.u32 $0x1F800, s1;
	[sflag:s31] =	ssyncadd.s32 $0xFFFF8000;
	s22 =	sor.u32 s7, s22  }
0x95: {  	s12 =	sshrl.u32 s9, $0x2;
	v9 =	vld [tilespmem:s22+$0xFAC0]  }
0x96: {  	v7 =	vadd.f32 v4, v7;
	v5 =	vadd.f32 v5, v8;
	s8 =	sor.u32 s7, s12;
	v4 =	vld [tilespmem:s22+$0xFAD0]  }
0x97: {  	v6 =	vadd.f32 v6, v0;
	v0 =	vld [tilespmem:s8+$0xFA80];
	v8 =	vadd.f32 v10, v1  }
0x98: {  	v2 =	vadd.f32 v2, v7;
	v7 =	vld [tilespmem:s8+$0xFAA0];
	v3 =	vadd.f32 v3, v5  }
0x99: {  	s7 =	simm.s32 $0x0;
	v1 =	vld [tilespmem:s8+$0xFA90];
	v5 =	vadd.f32 v11, v6;
	v6 =	vadd.f32 v12, v8  }
.LBB2_9:
0x9a: {  	s6 =	sadd.s32 $0x2, s6;
	v8 =	vld [tilespmem:s8+$0xFAB0];
	s1 =	sadd.s32 $0x200, s1;
	v10 =	vmov v9  }
0x9b: {  	s7 =	sadd.s32 $0x800, s7;
	s8 =	sand.u32 $0x180, s6;
	s9 =	sand.u32 $0x7E00, s1;
	v11 =	vld [tilespmem:s22+$0xFAE0];
	v12 =	vmov v4  }
0x9c: {  	s12 =	sand.u32 $0x1F800, s7;
	p2 =	slt.u32 s6, $0x1FE;
	v13 =	vld [tilespmem:s22+$0xFAF0];
	s22 =	sor.u32 s8, s9  }
.Ltmp6:
0x9d: {  	s9 =	sshrl.u32 s12, $0x2;
	v9 =	vld [tilespmem:s22+$0xFAC0];
	(pc) =	sbr.rel @p2 .LBB2_9-.Ltmp6, $4  }
0x9e: {  	v2 =	vadd.f32 v0, v2;
	s8 =	sor.u32 s8, s9;
	v3 =	vadd.f32 v1, v3;
	v4 =	vld [tilespmem:s22+$0xFAD0]  }
0x9f: {  	v5 =	vadd.f32 v7, v5;
	v0 =	vld [tilespmem:s8+$0xFA80];
	v6 =	vadd.f32 v8, v6  }
0xa0: {  	v2 =	vadd.f32 v10, v2;
	v3 =	vadd.f32 v12, v3;
	v1 =	vld [tilespmem:s8+$0xFA90]  }
0xa1: {  	v5 =	vadd.f32 v11, v5;
	v7 =	vld [tilespmem:s8+$0xFAA0];
	v6 =	vadd.f32 v13, v6  }
0xa2: {  	v8 =	vld [tilespmem:s8+$0xFAB0]  }
0xa3: {  	v10 =	vld [tilespmem:s22+$0xFAE0]  }
0xa4: {  	v11 =	vld [tilespmem:s22+$0xFAF0];
	_ =	sdelay $0x1  }
0xa5: {  	v0 =	vadd.f32 v0, v2;
	v1 =	vadd.f32 v1, v3  }
0xa6: {  	v2 =	vadd.f32 v7, v5;
	v3 =	vadd.f32 v8, v6  }
0xa7: {  	v0 =	vadd.f32 v9, v0;
	v1 =	vadd.f32 v4, v1  }
.Ltmp7:
0xa8: {  	v2 =	vadd.f32 v10, v2;
	v3 =	vadd.f32 v11, v3;
	(pc) =	sbr.rel .LBB2_20-.Ltmp7, $3  }
0xa9: {  	_ = 	snop  }
0xaa: {  	v0 =	vadd.f32 v1, v0;
	v1 =	vadd.f32 v3, v2;
	_ =	sdelay $0x1  }
0xab: {  	v0 =	vadd.f32 v1, v0  }
.LBB2_11:
0xac: {  	s1 =	rddreg [dreg:$0x7]  }
0xad: {  	[tilespmem:s28], [sflag:$0x2] =	stream.strided.gather [hbm4b:s1+s25], $0x8000, s26, s25, $0x38;
	[tilespmem:$0x17C00] =	vst v63  }
0xae: {  	s9 =	rddreg [dreg:$0x8]  }
0xaf: {  	[tilespmem:s29], [sflag:$0x3] =	stream.strided.gather [hbm4b:s9+s25], $0x8000, s26, s25, $0x38;
	[tilespmem:$0x17C00] =	vst v63  }
0xb0: {  	s6 =	simm.s32 $0x0;
	s1 =	simm.s32 $0x0;
	_ =	swait.ge [sflag:s30], $0x8000  }
0xb1: {  	s7 =	sand.u32 $0x180, s6;
	s8 =	sand.u32 $0x7E00, s1;
	[sflag:s30] =	ssyncset.done $0x0  }
0xb2: {  	s9 =	sand.u32 $0x1F800, s1;
	s22 =	sor.u32 s7, s8;
	[sflag:s30] =	ssyncadd.s32 $0xFFFF8000  }
0xb3: {  	s12 =	sshrl.u32 s9, $0x2;
	v3 =	vld [tilespmem:s22+$0x7AC0]  }
0xb4: {  	s8 =	sor.u32 s7, s12;
	v2 =	vld [tilespmem:s22+$0x7AD0]  }
0xb5: {  	v1 =	vld [tilespmem:s8+$0x7A80]  }
0xb6: {  	v6 =	vimm.f32 $0.0e+00;
	v5 =	vld [tilespmem:s8+$0x7A90]  }
0xb7: {  	v9 =	vimm.f32 $0.0e+00;
	v7 =	vimm.f32 $0.0e+00;
	v8 =	vimm.f32 $0.0e+00;
	s7 =	simm.s32 $0x0;
	v4 =	vld [tilespmem:s8+$0x7AA0]  }
.LBB2_12:
0xb8: {  	s6 =	sadd.s32 $0x2, s6;
	v0 =	vld [tilespmem:s8+$0x7AB0];
	s1 =	sadd.s32 $0x200, s1;
	v10 =	vmov v3  }
0xb9: {  	s7 =	sadd.s32 $0x800, s7;
	s8 =	sand.u32 $0x180, s6;
	s9 =	sand.u32 $0x7E00, s1;
	v11 =	vld [tilespmem:s22+$0x7AE0];
	v12 =	vmov v2  }
0xba: {  	s12 =	sand.u32 $0x1F800, s7;
	p2 =	slt.u32 s6, $0x1FE;
	v13 =	vld [tilespmem:s22+$0x7AF0];
	s22 =	sor.u32 s8, s9  }
.Ltmp8:
0xbb: {  	s9 =	sshrl.u32 s12, $0x2;
	v3 =	vld [tilespmem:s22+$0x7AC0];
	(pc) =	sbr.rel @p2 .LBB2_12-.Ltmp8, $4  }
0xbc: {  	v6 =	vadd.f32 v1, v6;
	s8 =	sor.u32 s8, s9;
	v9 =	vadd.f32 v5, v9;
	v2 =	vld [tilespmem:s22+$0x7AD0]  }
0xbd: {  	v7 =	vadd.f32 v4, v7;
	v1 =	vld [tilespmem:s8+$0x7A80];
	v0 =	vadd.f32 v0, v8  }
0xbe: {  	v6 =	vadd.f32 v10, v6;
	v9 =	vadd.f32 v12, v9;
	v5 =	vld [tilespmem:s8+$0x7A90]  }
0xbf: {  	v7 =	vadd.f32 v11, v7;
	v4 =	vld [tilespmem:s8+$0x7AA0];
	v8 =	vadd.f32 v13, v0  }
0xc0: {  	v10 =	vld [tilespmem:s8+$0x7AB0]  }
0xc1: {  	v11 =	vld [tilespmem:s22+$0x7AE0];
	s1 =	rddreg [dreg:$0x9]  }
0xc2: {  	v12 =	vld [tilespmem:s22+$0x7AF0];
	[tilespmem:s28], [sflag:$0x2] =	stream.strided.gather [hbm4b:s1+s25], $0x8000, s26, s25, $0x38  }
0xc3: {  	s6 =	simm.s32 $0x0;
	s1 =	simm.s32 $0x0;
	_ =	swait.ge [sflag:s31], $0x8000  }
0xc4: {  	s7 =	sand.u32 $0x180, s6;
	s22 =	sand.u32 $0x7E00, s1;
	[sflag:s31] =	ssyncset.done $0x0  }
0xc5: {  	s9 =	sand.u32 $0x1F800, s1;
	s22 =	sor.u32 s7, s22;
	[sflag:s31] =	ssyncadd.s32 $0xFFFF8000  }
0xc6: {  	s12 =	sshrl.u32 s9, $0x2;
	v0 =	vld [tilespmem:s22+$0xFAC0]  }
0xc7: {  	v6 =	vadd.f32 v1, v6;
	v5 =	vadd.f32 v5, v9;
	s8 =	sor.u32 s7, s12;
	v1 =	vld [tilespmem:s22+$0xFAD0]  }
0xc8: {  	v7 =	vadd.f32 v4, v7;
	v10 =	vadd.f32 v10, v8;
	v4 =	vld [tilespmem:s8+$0xFA80]  }
0xc9: {  	v8 =	vadd.f32 v3, v6;
	v9 =	vadd.f32 v2, v5;
	v3 =	vld [tilespmem:s8+$0xFA90]  }
0xca: {  	s7 =	simm.s32 $0x0;
	v5 =	vadd.f32 v11, v7;
	v7 =	vld [tilespmem:s8+$0xFAA0];
	v6 =	vadd.f32 v12, v10  }
.LBB2_14:
0xcb: {  	s6 =	sadd.s32 $0x2, s6;
	v2 =	vld [tilespmem:s8+$0xFAB0];
	s1 =	sadd.s32 $0x200, s1;
	v10 =	vmov v0  }
0xcc: {  	s7 =	sadd.s32 $0x800, s7;
	s8 =	sand.u32 $0x180, s6;
	s9 =	sand.u32 $0x7E00, s1;
	v11 =	vld [tilespmem:s22+$0xFAE0];
	v12 =	vmov v1  }
0xcd: {  	s12 =	sand.u32 $0x1F800, s7;
	p2 =	slt.u32 s6, $0x1FE;
	v13 =	vld [tilespmem:s22+$0xFAF0];
	s22 =	sor.u32 s8, s9  }
.Ltmp9:
0xce: {  	s9 =	sshrl.u32 s12, $0x2;
	v0 =	vld [tilespmem:s22+$0xFAC0];
	(pc) =	sbr.rel @p2 .LBB2_14-.Ltmp9, $4  }
0xcf: {  	v8 =	vadd.f32 v4, v8;
	s8 =	sor.u32 s8, s9;
	v9 =	vadd.f32 v3, v9;
	v1 =	vld [tilespmem:s22+$0xFAD0]  }
0xd0: {  	v5 =	vadd.f32 v7, v5;
	v4 =	vld [tilespmem:s8+$0xFA80];
	v2 =	vadd.f32 v2, v6  }
0xd1: {  	v8 =	vadd.f32 v10, v8;
	v9 =	vadd.f32 v12, v9;
	v3 =	vld [tilespmem:s8+$0xFA90]  }
0xd2: {  	v5 =	vadd.f32 v11, v5;
	v7 =	vld [tilespmem:s8+$0xFAA0];
	v6 =	vadd.f32 v13, v2  }
0xd3: {  	v10 =	vld [tilespmem:s8+$0xFAB0]  }
0xd4: {  	v11 =	vld [tilespmem:s22+$0xFAE0];
	s1 =	rddreg [dreg:$0xa]  }
0xd5: {  	v12 =	vld [tilespmem:s22+$0xFAF0];
	[tilespmem:s29], [sflag:$0x3] =	stream.strided.gather [hbm4b:s1+s25], $0x8000, s26, s25, $0x38  }
0xd6: {  	s6 =	simm.s32 $0x0;
	s1 =	simm.s32 $0x0;
	_ =	swait.ge [sflag:s30], $0x8000  }
0xd7: {  	s7 =	sand.u32 $0x180, s6;
	s22 =	sand.u32 $0x7E00, s1;
	[sflag:s30] =	ssyncset.done $0x0  }
0xd8: {  	s9 =	sand.u32 $0x1F800, s1;
	s22 =	sor.u32 s7, s22;
	[sflag:s30] =	ssyncadd.s32 $0xFFFF8000  }
0xd9: {  	s12 =	sshrl.u32 s9, $0x2;
	v2 =	vld [tilespmem:s22+$0x7AC0]  }
0xda: {  	v8 =	vadd.f32 v4, v8;
	v9 =	vadd.f32 v3, v9;
	s8 =	sor.u32 s7, s12;
	v3 =	vld [tilespmem:s22+$0x7AD0]  }
0xdb: {  	v13 =	vadd.f32 v7, v5;
	v6 =	vadd.f32 v10, v6;
	v4 =	vld [tilespmem:s8+$0x7A80]  }
0xdc: {  	v7 =	vadd.f32 v0, v8;
	v8 =	vadd.f32 v1, v9;
	v5 =	vld [tilespmem:s8+$0x7A90]  }
0xdd: {  	s7 =	simm.s32 $0x0;
	v0 =	vadd.f32 v11, v13;
	v1 =	vadd.f32 v12, v6;
	v6 =	vld [tilespmem:s8+$0x7AA0]  }
.LBB2_16:
0xde: {  	s6 =	sadd.s32 $0x2, s6;
	v9 =	vld [tilespmem:s8+$0x7AB0];
	s1 =	sadd.s32 $0x200, s1;
	v10 =	vmov v2  }
0xdf: {  	s7 =	sadd.s32 $0x800, s7;
	s8 =	sand.u32 $0x180, s6;
	s9 =	sand.u32 $0x7E00, s1;
	v11 =	vld [tilespmem:s22+$0x7AE0];
	v12 =	vmov v3  }
0xe0: {  	s12 =	sand.u32 $0x1F800, s7;
	p2 =	slt.u32 s6, $0x1FE;
	v13 =	vld [tilespmem:s22+$0x7AF0];
	s22 =	sor.u32 s8, s9  }
.Ltmp10:
0xe1: {  	s9 =	sshrl.u32 s12, $0x2;
	v2 =	vld [tilespmem:s22+$0x7AC0];
	(pc) =	sbr.rel @p2 .LBB2_16-.Ltmp10, $4  }
0xe2: {  	v7 =	vadd.f32 v4, v7;
	s8 =	sor.u32 s8, s9;
	v8 =	vadd.f32 v5, v8;
	v3 =	vld [tilespmem:s22+$0x7AD0]  }
0xe3: {  	v0 =	vadd.f32 v6, v0;
	v4 =	vld [tilespmem:s8+$0x7A80];
	v1 =	vadd.f32 v9, v1  }
0xe4: {  	v7 =	vadd.f32 v10, v7;
	v8 =	vadd.f32 v12, v8;
	v5 =	vld [tilespmem:s8+$0x7A90]  }
0xe5: {  	v0 =	vadd.f32 v11, v0;
	v6 =	vld [tilespmem:s8+$0x7AA0];
	v1 =	vadd.f32 v13, v1  }
0xe6: {  	v10 =	vld [tilespmem:s8+$0x7AB0]  }
0xe7: {  	v11 =	vld [tilespmem:s22+$0x7AE0]  }
0xe8: {  	v12 =	vld [tilespmem:s22+$0x7AF0];
	_ =	swait.ge [sflag:s31], $0x8000;
	s1 =	simm.s32 $0x0;
	s6 =	simm.s32 $0x0  }
0xe9: {  	[sflag:s31] =	ssyncset.done $0x0;
	s7 =	sand.u32 $0x180, s6;
	s22 =	sand.u32 $0x7E00, s1  }
0xea: {  	s9 =	sand.u32 $0x1F800, s1;
	[sflag:s31] =	ssyncadd.s32 $0xFFFF8000;
	s22 =	sor.u32 s7, s22  }
0xeb: {  	s12 =	sshrl.u32 s9, $0x2;
	v9 =	vld [tilespmem:s22+$0xFAC0]  }
0xec: {  	v7 =	vadd.f32 v4, v7;
	v5 =	vadd.f32 v5, v8;
	s8 =	sor.u32 s7, s12;
	v4 =	vld [tilespmem:s22+$0xFAD0]  }
0xed: {  	v6 =	vadd.f32 v6, v0;
	v0 =	vld [tilespmem:s8+$0xFA80];
	v8 =	vadd.f32 v10, v1  }
0xee: {  	v2 =	vadd.f32 v2, v7;
	v7 =	vld [tilespmem:s8+$0xFAA0];
	v3 =	vadd.f32 v3, v5  }
0xef: {  	s7 =	simm.s32 $0x0;
	v1 =	vld [tilespmem:s8+$0xFA90];
	v5 =	vadd.f32 v11, v6;
	v6 =	vadd.f32 v12, v8  }
.LBB2_18:
0xf0: {  	s6 =	sadd.s32 $0x2, s6;
	v8 =	vld [tilespmem:s8+$0xFAB0];
	s1 =	sadd.s32 $0x200, s1;
	v10 =	vmov v9  }
0xf1: {  	s7 =	sadd.s32 $0x800, s7;
	v12 =	vmov v4;
	s8 =	sand.u32 $0x180, s6;
	s9 =	sand.u32 $0x7E00, s1;
	v11 =	vld [tilespmem:s22+$0xFAE0]  }
0xf2: {  	s12 =	sand.u32 $0x1F800, s7;
	p2 =	slt.u32 s6, $0x1FE;
	v13 =	vld [tilespmem:s22+$0xFAF0];
	s22 =	sor.u32 s8, s9  }
.Ltmp11:
0xf3: {  	s9 =	sshrl.u32 s12, $0x2;
	v9 =	vld [tilespmem:s22+$0xFAC0];
	(pc) =	sbr.rel @p2 .LBB2_18-.Ltmp11, $4  }
0xf4: {  	v2 =	vadd.f32 v0, v2;
	v3 =	vadd.f32 v1, v3;
	s8 =	sor.u32 s8, s9;
	v4 =	vld [tilespmem:s22+$0xFAD0]  }
0xf5: {  	v5 =	vadd.f32 v7, v5;
	v0 =	vld [tilespmem:s8+$0xFA80];
	v6 =	vadd.f32 v8, v6  }
0xf6: {  	v2 =	vadd.f32 v10, v2;
	v3 =	vadd.f32 v12, v3;
	v1 =	vld [tilespmem:s8+$0xFA90]  }
0xf7: {  	v5 =	vadd.f32 v11, v5;
	v7 =	vld [tilespmem:s8+$0xFAA0];
	v6 =	vadd.f32 v13, v6  }
.Ltmp12:
0xf8: {  	_ = 	snop;
	(pc) =	sbr.rel .LBB2_19-.Ltmp12, $1  }
0xf9: {  	_ =	sdelay $0x3  }
.LBB2_21:
0xfa: {  	_ =	sfence.sel $0x180000  }
0xfb: {  	[bflag:$0x0] =	sbarrier.arrive $0xFFFF  }
0xfc: {  	_ =	strace $0x90000047  }
0xfd: {  	s0 =	stileid.u32;
	[bflag:$0x2] =	sbarrier.arrive $0xFFFF  }
0xfe: {  	p0 =	sne.s32 s0, $0x0;
	s0 =	rddreg [dreg:$0x6]  }
0xff: {  	s0 =	sadd.s32 @!p0 $0x100000, s0  }
0x100: {  	[sflag:s0] =	ssyncadd.tile.s32 @!p0 $0x1;
	_ =	shalt  }
.Lfunc_end2:
_tile_overlayer_lowered:
.L_overlay_start_2:
0x101: {  	(tag) =	ssettag $0x2  }
0x102: {  	s0 =	rddreg [dreg:$0x0];
	s2 =	stileid.u32  }
0x103: {  	s1 =	rddreg [dreg:$0x1];
	p0 =	sne.s32 s2, $0x0  }
0x104: {  	s3 =	rddreg [dreg:$0x2];
	[bflag:$0x3] =	sbarrier.arrive $0xFFFF;
	s2 =	simm.s32 @!p0 $0x1C04  }
0x105: {  	[timem:s3], [sflag:s2] =	dma.local @!p0 [hbm:s0], s1  }
0x106: {  	s0 =	simm.s32 @!p0 $0x4  }
0x107: {  	_ =	swait.ge @!p0 [sflag:s0], s1  }
0x108: {  	s1 =	ssub.s32 @!p0 $0x0, s1;
	[sflag:s0] =	ssyncset.done @!p0 $0x0  }
0x109: {  	[sflag:s0] =	ssyncadd.s32 @!p0 s1  }
0x10a: {  	[bflag:$0x3] =	sbarrier.arrive $0xFFFF  }
0x10b: {  	_ =	shalt  }

// kernel: kernel.8.cloned.1.call-start
scs
__scs_entry_jumppad:
0x0: {  	(pc) =	sbr.rel $0x88, $3  }
0x1: {  	(tag) =	ssettag $0x0;
	lr =	simm.s32 $0x1  }
0x2: {  	[smem:$0x3F9C] =	sst lr;
	_ =	strace $0xD0000000  }
0x3: {  	_ = 	snop  }
0x4: {  	_ = 	snop  }
0x5: {  	_ = 	snop  }
0x6: {  	_ = 	snop  }
0x7: {  	_ = 	snop  }
__scs_overlays_trampoline_lowered:
0x8: {  	[smem:$0x3FAB] =	sst s0  }
0x9: {  	[smem:$0x3FAC] =	sst s1  }
0xa: {  	[smem:$0x3FAD] =	sst s2  }
0xb: {  	[smem:$0x3FAE] =	sst s3  }
0xc: {  	[smem:$0x3FAF] =	sst s4  }
0xd: {  	[smem:$0x3FB0] =	sst s5  }
0xe: {  	[smem:$0x3FB1] =	sst s6  }
0xf: {  	[smem:$0x3FB2] =	sst s7  }
0x10: {  	[smem:$0x3FB3] =	sst s8  }
0x11: {  	[smem:$0x3FB4] =	sst s9;
	s0 =	simm.s32 @!p0 $0x0  }
0x12: {  	s1 =	sld [smem:$0x3F9A];
	s0 =	simm.s32 @p0 $0x1  }
0x13: {  	[smem:$0x3FB5] =	sst s0;
	s0 =	simm.s32 @!p1 $0x0  }
0x14: {  	s2 =	sld [smem:$0x3F99];
	s0 =	simm.s32 @p1 $0x1  }
0x15: {  	[smem:$0x3FB6] =	sst s0;
	s0 =	simm.s32 @!p2 $0x0  }
0x16: {  	s3 =	sld [smem:$0x3FDB];
	s0 =	simm.s32 @p2 $0x1  }
0x17: {  	s4 =	simm.s32 $0x1BF5;
	[smem:$0x3FB8] =	sst s0  }
0x18: {  	s0 =	sld [smem:$0x3F9B];
	_ =	swait.ge [sflag:s4], $0x0  }
0x19: {  	s7 =	sld [smem:$0x3F9C]  }
0x1a: {  	s8 =	sadd.s32 $0xFFFFE003, lr  }
0x1b: {  	s9 =	sadd.s32 $0xFFFFFEF7, lr;
	s5 =	simm.s32 $0xFFFFFFFF;
	p2 =	slt.u32 s8, $0xFFFFF086  }
0x1c: {  	p1 =	slt.u32 s9, $0xF7A;
	s5 =	simm.s32 @!p2 $0x0  }
0x1d: {  	s5 =	simm.s32 @p1 $0x1;
	p0 =	seq.s32 s7, s2  }
0x1e: {  	s7 =	smul.u32 @!p0 $0xF7A, s2;
	p2 =	seq.s32 @!p0 s5, $0x0  }
0x1f: {  	s9 =	smul.u32 $0xF7A, s1;
	s8 =	simm.s32 @!p0 $0x1BF5;
	p2 =	por !p2, p0  }
0x20: {  	[sflag:s8] =	ssyncset.s32 @!p0 $0xFFFFF086;
	s6 =	sadd.s32 @!p0 s3, s7;
	s7 =	simm.s32 @!p0 $0x108  }
0x21: {  	s3 =	sadd.s32 s3, s9;
	s6 =	sadd.s32 @!p0 $0x88, s6;
	s7 =	simm.s32 @p2 $0x1082  }
0x22: {  	[simem:s7], [sflag:s8] =	dma.local @!p0 [hbm:s6], $0xF7A  }
0x23: {  	s9 =	sor.u32 $0xD0000000, s2;
	s6 =	simm.s32 $0x108;
	_ =	swait.ge @!p0 [sflag:s8], $0x0  }
0x24: {  	s3 =	sadd.s32 $0x88, s3;
	s6 =	simm.s32 @!p1 $0x1082;
	[sflag:s4] =	ssyncset.s32 $0xFFFFF086  }
0x25: {  	[simem:s6], [sflag:s4] =	dma.local [hbm:s3], $0xF7A  }
0x26: {  	[smem:$0x3F9C] =	sst s1;
	(tag) =	ssettag s2;
	_ =	strace s9  }
0x27: {  	s1 =	sld [smem:$0x3FAC]  }
0x28: {  	s2 =	sld [smem:$0x3FAD]  }
0x29: {  	s4 =	sld [smem:$0x3FAF]  }
0x2a: {  	p0 =	seq.s32 s5, $0x0;
	s5 =	sld [smem:$0x3FB0]  }
0x2b: {  	s6 =	sld [smem:$0x3FB1]  }
0x2c: {  	s7 =	sld [smem:$0x3FB2]  }
0x2d: {  	s3 =	simm.s32 $0x108;
	s8 =	sld [smem:$0x3FB3]  }
0x2e: {  	s3 =	simm.s32 @!p0 $0x1082;
	s9 =	sld [smem:$0x3FB4]  }
0x2f: {  	lr =	sadd.s32 s0, s3;
	s0 =	sld [smem:$0x3FAB]  }
0x30: {  	s3 =	sld [smem:$0x3FAE]  }
0x31: {  	[smem:$0x3FB7] =	sst s10  }
0x32: {  	s10 =	sld [smem:$0x3FB5];
	_ =	sdelay $0x3  }
0x33: {  	p0 =	seq.s32 s10, $0x1;
	s10 =	sld [smem:$0x3FB7];
	_ =	sdelay $0x3  }
0x34: {  	[smem:$0x3FB7] =	sst s10  }
0x35: {  	s10 =	sld [smem:$0x3FB6];
	_ =	sdelay $0x3  }
0x36: {  	p1 =	seq.s32 s10, $0x1;
	s10 =	sld [smem:$0x3FB7];
	_ =	sdelay $0x3  }
0x37: {  	[smem:$0x3FB7] =	sst s10  }
0x38: {  	s10 =	sld [smem:$0x3FB8]  }
0x39: {  	_ = 	snop;
	(pc) =	sbr.ind lr, $3  }
0x3a: {  	_ = 	snop  }
0x3b: {  	_ = 	snop  }
0x3c: {  	p2 =	seq.s32 s10, $0x1;
	s10 =	sld [smem:$0x3FB7]  }
0x3d: {  	_ =	shalt  }
0x3e: {  	_ =	shalt  }
0x3f: {  	_ =	shalt  }
0x40: {  	_ =	shalt  }
0x41: {  	_ =	shalt  }
0x42: {  	_ =	shalt  }
0x43: {  	_ =	shalt  }
0x44: {  	_ =	shalt  }
0x45: {  	_ =	shalt  }
0x46: {  	_ =	shalt  }
0x47: {  	_ =	shalt  }
0x48: {  	_ =	shalt  }
0x49: {  	_ =	shalt  }
0x4a: {  	_ =	shalt  }
0x4b: {  	_ =	shalt  }
0x4c: {  	_ =	shalt  }
0x4d: {  	_ =	shalt  }
0x4e: {  	_ =	shalt  }
0x4f: {  	_ =	shalt  }
0x50: {  	_ =	shalt  }
0x51: {  	_ =	shalt  }
0x52: {  	_ =	shalt  }
0x53: {  	_ =	shalt  }
0x54: {  	_ =	shalt  }
0x55: {  	_ =	shalt  }
0x56: {  	_ =	shalt  }
0x57: {  	_ =	shalt  }
0x58: {  	_ =	shalt  }
0x59: {  	_ =	shalt  }
0x5a: {  	_ =	shalt  }
0x5b: {  	_ =	shalt  }
0x5c: {  	_ =	shalt  }
0x5d: {  	_ =	shalt  }
0x5e: {  	_ =	shalt  }
0x5f: {  	_ =	shalt  }
0x60: {  	_ =	shalt  }
0x61: {  	_ =	shalt  }
0x62: {  	_ =	shalt  }
0x63: {  	_ =	shalt  }
0x64: {  	_ =	shalt  }
0x65: {  	_ =	shalt  }
0x66: {  	_ =	shalt  }
0x67: {  	_ =	shalt  }
0x68: {  	_ =	shalt  }
0x69: {  	_ =	shalt  }
0x6a: {  	_ =	shalt  }
0x6b: {  	_ =	shalt  }
0x6c: {  	_ =	shalt  }
0x6d: {  	_ =	shalt  }
0x6e: {  	_ =	shalt  }
0x6f: {  	_ =	shalt  }
0x70: {  	_ =	shalt  }
0x71: {  	_ =	shalt  }
0x72: {  	_ =	shalt  }
0x73: {  	_ =	shalt  }
0x74: {  	_ =	shalt  }
0x75: {  	_ =	shalt  }
0x76: {  	_ =	shalt  }
0x77: {  	_ =	shalt  }
0x78: {  	_ =	shalt  }
0x79: {  	_ =	shalt  }
0x7a: {  	_ =	shalt  }
0x7b: {  	_ =	shalt  }
0x7c: {  	_ =	shalt  }
0x7d: {  	_ =	shalt  }
0x7e: {  	_ =	shalt  }
0x7f: {  	_ =	shalt  }
0x80: {  	_ =	shalt  }
0x81: {  	_ =	shalt  }
0x82: {  	_ =	shalt  }
0x83: {  	_ =	shalt  }
0x84: {  	_ =	shalt  }
0x85: {  	_ =	shalt  }
0x86: {  	_ =	shalt  }
0x87: {  	_ =	shalt  }
.Lfunc_end0:
.L_simem_size_0:
called_computation.1_lowered:
.L_overlay_start_0:
0x88: {  	s2 =	sld [smem:$0x3FD9]  }
0x89: {  	s3 =	sld [smem:$0x3FFE];
	_ =	sdelay $0x1  }
0x8a: {  	s1 =	srdreg.scid  }
0x8b: {  	s0 =	sand.u32 $0x1, s1  }
0x8c: {  	s17 =	sshll.u32 s0, $0xA;
	s2 =	sadd.s32 s3, s2  }
0x8d: {  	s2 =	sadd.s32 s2, s17  }
0x8e: {  	[smem:$0x3FC3] =	sst s2  }
0x8f: {  	_ = 	snop  }
0x90: {  	s2 =	sld [smem:$0x3FC6]  }
0x91: {  	s18 =	sld [smem:$0x3FD0];
	(tm) =	ssettm $0x1  }
0x92: {  	s4 =	sld [smem:$0x3FFB];
	_ =	sdelay $0x3  }
0x93: {  	_ =	strace s4  }
0x94: {  	s4 =	sld [smem:$0x3FFC];
	_ =	sdelay $0x3  }
0x95: {  	_ =	strace s4  }
0x96: {  	s4 =	sld [smem:$0x3FFD];
	_ =	sdelay $0x3  }
0x97: {  	_ =	strace s4  }
0x98: {  	_ =	strace $0x8FFFFFFF  }
0x99: {  	s19 =	sld [smem:$0x3FDB];
	_ =	sdelay $0x1  }
0x9a: {  	s5 =	simm.s32 $_scs_section_size  }
0x9b: {  	s6 =	simm.s32 $_size__tile_overlayer_lowered;
	s7 =	simm.s32 $_tile_overlayer_lowered  }
0x9c: {  	s22 =	simm.s32 $0x1BFF;
	s21 =	sshll.u32 s7, $0x1;
	s4 =	sadd.s32 s5, s19  }
0x9d: {  	s8 =	simm.s32 $0x0;
	s20 =	sshll.u32 s6, $0x1;
	s6 =	sadd.s32 s21, s4  }
0x9e: {  	[timem:s8], [sflag:s22] =	dma.local [hbm:s6], s20  }
0x9f: {  	_ =	swait.ge [sflag:s22], s20  }
0xa0: {  	s5 =	ssub.s32 $0x0, s20;
	[sflag:s22] =	ssyncset.done $0x0  }
0xa1: {  	[sflag:s22] =	ssyncadd.s32 s5;
	_ =	sdelay $0x1  }
0xa2: {  	s23 =	simm.s32 $0x1B8B  }
0xa3: {  	_ =	swait.ge [sflag:s23], $0x1  }
0xa4: {  	[sflag:s23] =	ssyncset.done $0x0  }
0xa5: {  	s25 =	simm.s32 $0x1B8E;
	s24 =	sld [smem:$0x3FFE];
	[sflag:s23] =	ssyncadd.s32 $0xFFFFFFFF  }
0xa6: {  	s26 =	simm.s32 $execute0_lowered;
	[smem:$0x3FD2] =	sst s25  }
0xa7: {  	s6 =	sshll.u32 s26, $0x1;
	_ =	strace $0x80000049;
	[dreg:$0x1] =	wrdreg $0xFFFFFFFF  }
0xa8: {  	s28 =	simm.s32 $_size_execute0_lowered;
	s4 =	sadd.s32 s4, s6;
	[dreg:$0x0] =	wrdreg $0x0  }
0xa9: {  	s6 =	sshll.u32 s28, $0x1;
	[dreg:$0x2] =	wrdreg s4  }
0xaa: {  	[dreg:$0x3] =	wrdreg s6  }
0xab: {  	[dreg:$0x4] =	wrdreg $0xC0  }
0xac: {  	_ =	task [dreg:s8], $0x5FFFF  }
0xad: {  	[dreg:$0x1] =	wrdreg $0xFFFFFFFF  }
0xae: {  	[dreg:$0x0] =	wrdreg $0x60  }
0xaf: {  	[dreg:$0x2] =	wrdreg s2  }
0xb0: {  	[dreg:$0x3] =	wrdreg s24  }
0xb1: {  	[dreg:$0x4] =	wrdreg s18  }
0xb2: {  	[dreg:$0x5] =	wrdreg $0x9  }
0xb3: {  	_ =	task.clear_ibuf [dreg:s8], $0x6FFFF;
	_ =	strace $0x90000049  }
0xb4: {  	s29 =	simm.s32 $0x9;
	_ =	strace $0x8000004B  }
0xb5: {  	_ =	swait.ge [sflag:s29], $0x1  }
0xb6: {  	[sflag:s29] =	ssyncadd.s32 $0xFFFFFFFF  }
0xb7: {  	_ =	strace $0x9000004B  }
0xb8: {  	_ =	sfence  }
0xb9: {  	s30 =	sld [smem:$0x0];
	_ =	sdelay $0x2  }
0xba: {  	s31 =	sshll.u32 s1, $0xD;
	s1 =	sshrl.u32 s1, $0x2  }
0xbb: {  	s3 =	sand.u32 $0x4000, s31;
	s1 =	sadd.s32 s1, s30  }
0xbc: {  	s0 =	sor.u32 s3, s0;
	s1 =	sshll.u32 s1, $0x11  }
0xbd: {  	s0 =	sor.u32 s1, s0  }
0xbe: {  	s0 =	sadd.s32 $0x8F2B, s0  }
0xbf: {  	[sflag:s0] =	ssyncadd.remote.s32 $0x1  }
0xc0: {  	_ =	sfence.sel $0xFFFF  }
0xc1: {  	[dreg:$0x0] =	wrdreg $0xFFFFFFFF;
	(pc) =	sbr.abs _section_cstart, $3  }
0xc2: {  	[dreg:$0x1] =	wrdreg $0xFFFFFFFF  }
0xc3: {  	_ =	task.clear_ibuf [dreg:s8], $0x2FFFF;
	_ =	strace $0x9FFFFFFF  }
0xc4: {  	(tm) =	ssettm $0x7FFFFFFF  }
0xc5: {  	_ =	shalt  }
tec
execute0_lowered:
.L_overlay_start_1:
0x0: {  	(tag) =	ssettag $0x1  }
0x1: {  	s4 =	rddreg [dreg:$0x0]  }
0x2: {  	s5 =	rddreg [dreg:$0x1]  }
0x3: {  	s2 =	rddreg [dreg:$0x2];
	s3 =	srdreg.scid  }
0x4: {  	s0 =	rddreg [dreg:$0x3];
	s1 =	stileid.u32;
	s14 =	sand.u32 $0x1, s3  }
0x5: {  	s3 =	simm.s32 $0x0;
	s6 =	sshll.u32 s1, $0x5;
	s7 =	sshll.u32 s14, $0x4  }
0x6: {  	[smem:$0x7FF] =	sst s3;
	s6 =	sor.u32 s7, s6  }
0x7: {  	_ =	strace $0x8000004A;
	s7 =	sadd.s32 s6, s5;
	s6 =	sadd.s32 s4, s6  }
0x8: {  	[tilespmem:s3], [sflag:$0x1] =	stream.linear.gather [hbm4b:s6+s3], $0x80, $0x38;
	[tilespmem:$0x380] =	vst v63  }
0x9: {  	s4 =	simm.s32 $0x80;
	s7 =	sadd.s32 $0x1000, s7  }
0xa: {  	[tilespmem:s4], [sflag:$0x2] =	stream.linear.gather [hbm4b:s7+s3], $0x80, $0x38;
	[tilespmem:$0x380] =	vst v63  }
0xb: {  	s9 =	simm.s32 $0x100;
	s8 =	sadd.s32 $0x1400, s5  }
0xc: {  	[tilespmem:s9], [sflag:$0x3] =	stream.linear.gather [hbm4b:s8+s3], $0x80, $0x38;
	[tilespmem:$0x380] =	vst v63  }
0xd: {  	s11 =	simm.s32 $0x180;
	s10 =	sadd.s32 $0x1200, s5;
	s5 =	simm.s32 $0x1  }
0xe: {  	[tilespmem:s11], [sflag:$0x3] =	stream.linear.gather [hbm4b:s10+s3], $0x200, $0x38;
	[tilespmem:$0x380] =	vst v63  }
0xf: {  	_ =	swait.ge [sflag:s5], $0x80  }
0x10: {  	[sflag:s5] =	ssyncset.done $0x0  }
0x11: {  	s12 =	simm.s32 $0x2;
	[sflag:s5] =	ssyncadd.s32 $0xFFFFFF80  }
0x12: {  	_ =	swait.ge [sflag:s12], $0x80  }
0x13: {  	[sflag:s12] =	ssyncset.done $0x0  }
0x14: {  	s13 =	simm.s32 $0x3;
	[sflag:s12] =	ssyncadd.s32 $0xFFFFFF80  }
0x15: {  	_ =	swait.ge [sflag:s13], $0x80  }
0x16: {  	[sflag:s13] =	ssyncset.done $0x0  }
0x17: {  	[sflag:s13] =	ssyncadd.s32 $0xFFFFFF80  }
0x18: {  	_ =	swait.ge [sflag:s13], $0x200  }
0x19: {  	[sflag:s13] =	ssyncset.done $0x0  }
0x1a: {  	[sflag:s13] =	ssyncadd.s32 $0xFFFFFE00  }
0x1b: {  	v0 =	vld [tilespmem:$0x180]  }
0x1c: {  	v1 =	vld [tilespmem:$0x190];
	_ =	sdelay $0x1  }
0x1d: {  	v2 =	vld [tilespmem:$0x1A0];
	_ =	sdelay $0x1  }
0x1e: {  	v3 =	vld [tilespmem:$0x1B0]  }
0x1f: {  	v0 =	vadd.f32 v1, v0  }
0x20: {  	v1 =	vld [tilespmem:$0x1C0]  }
0x21: {  	v0 =	vadd.f32 v2, v0  }
0x22: {  	v2 =	vld [tilespmem:$0x1D0]  }
0x23: {  	v0 =	vadd.f32 v3, v0  }
0x24: {  	v3 =	vld [tilespmem:$0x1E0]  }
0x25: {  	v0 =	vadd.f32 v1, v0  }
0x26: {  	v1 =	vld [tilespmem:$0x1F0]  }
0x27: {  	v0 =	vadd.f32 v2, v0  }
0x28: {  	v2 =	vld [tilespmem:$0x200]  }
0x29: {  	v0 =	vadd.f32 v3, v0  }
0x2a: {  	v3 =	vld [tilespmem:$0x210]  }
0x2b: {  	v0 =	vadd.f32 v1, v0  }
0x2c: {  	v1 =	vld [tilespmem:$0x220]  }
0x2d: {  	v0 =	vadd.f32 v2, v0  }
0x2e: {  	v2 =	vld [tilespmem:$0x230]  }
0x2f: {  	v0 =	vadd.f32 v3, v0  }
0x30: {  	v3 =	vld [tilespmem:$0x240]  }
0x31: {  	v0 =	vadd.f32 v1, v0  }
0x32: {  	v1 =	vld [tilespmem:$0x250]  }
0x33: {  	v0 =	vadd.f32 v2, v0  }
0x34: {  	v2 =	vld [tilespmem:$0x260]  }
0x35: {  	v0 =	vadd.f32 v3, v0  }
0x36: {  	v3 =	vld [tilespmem:$0x270]  }
0x37: {  	v0 =	vadd.f32 v1, v0  }
0x38: {  	v1 =	vld [tilespmem:$0x280]  }
0x39: {  	v0 =	vadd.f32 v2, v0  }
0x3a: {  	v2 =	vld [tilespmem:$0x290]  }
0x3b: {  	v0 =	vadd.f32 v3, v0  }
0x3c: {  	v3 =	vld [tilespmem:$0x2A0]  }
0x3d: {  	v0 =	vadd.f32 v1, v0  }
0x3e: {  	v1 =	vld [tilespmem:$0x2B0]  }
0x3f: {  	v0 =	vadd.f32 v2, v0  }
0x40: {  	v2 =	vld [tilespmem:$0x2C0]  }
0x41: {  	v0 =	vadd.f32 v3, v0  }
0x42: {  	v3 =	vld [tilespmem:$0x2D0]  }
0x43: {  	v0 =	vadd.f32 v1, v0  }
0x44: {  	v1 =	vld [tilespmem:$0x2E0]  }
0x45: {  	v0 =	vadd.f32 v2, v0  }
0x46: {  	v2 =	vld [tilespmem:$0x2F0]  }
0x47: {  	v0 =	vadd.f32 v3, v0  }
0x48: {  	v3 =	vld [tilespmem:$0x300]  }
0x49: {  	v0 =	vadd.f32 v1, v0  }
0x4a: {  	v1 =	vld [tilespmem:$0x310]  }
0x4b: {  	v0 =	vadd.f32 v2, v0  }
0x4c: {  	v2 =	vld [tilespmem:$0x320]  }
0x4d: {  	v0 =	vadd.f32 v3, v0  }
0x4e: {  	v3 =	vld [tilespmem:$0x330]  }
0x4f: {  	v0 =	vadd.f32 v1, v0  }
0x50: {  	v1 =	vld [tilespmem:$0x340]  }
0x51: {  	v0 =	vadd.f32 v2, v0  }
0x52: {  	v2 =	vld [tilespmem:$0x350]  }
0x53: {  	v0 =	vadd.f32 v3, v0  }
0x54: {  	v3 =	vld [tilespmem:$0x360]  }
0x55: {  	v0 =	vadd.f32 v1, v0  }
0x56: {  	v1 =	vld [tilespmem:$0x370]  }
0x57: {  	v0 =	vadd.f32 v2, v0;
	_ =	sdelay $0x1  }
0x58: {  	v0 =	vadd.f32 v3, v0;
	_ =	sdelay $0x1  }
0x59: {  	v0 =	vadd.f32 v1, v0;
	_ =	sdelay $0x1  }
0x5a: {  	(xrf2) =	vadd.scan.msk.f32 $0xffff, v0;
	_ =	sdelay $0x3  }
0x5b: {  	v0 =	vld [tilespmem:$0x110]  }
0x5c: {  	v1 =	vld [tilespmem:$0x100];
	_ =	sdelay $0x3  }
0x5d: {  	(v2sf) =	vpush v0, $0x0  }
0x5e: {  	(v2sf) =	vpush v1, $0x0;
	v0, _, _ =	vpop (xrf2)  }
0x5f: {  	(v2sf) =	vpush v0, $0xF;
	_ =	sdelay $0xc  }
0x60: {  	s15 =	spop (v2sf)  }
0x61: {  	s16 =	spop (v2sf)  }
0x62: {  	s17 =	spop (v2sf)  }
0x63: {  	s16 =	sadd.f32 s17, s16;
	_ =	sdelay $0x1  }
0x64: {  	s16 =	smul.f32 $6.103515630e-05, s16  }
0x65: {  	v4 =	vld [tilespmem:$0xF0];
	s15 =	smul.f32 $5.000000000e-01, s15  }
0x66: {  	v5 =	vld [tilespmem:$0xA0];
	s16 =	smul.f32 $5.000000000e-01, s16  }
0x67: {  	v6 =	vld [tilespmem:$0xC0]  }
0x68: {  	s14 =	ssub.s32 $0x2, s14;
	v3 =	vld [tilespmem:$0x80];
	s15 =	sadd.f32 s16, s15  }
0x69: {  	s31 =	sshrl.u32 s14, $0x1;
	v0 =	vld [tilespmem:$0x90]  }
0x6a: {  	s14 =	ssub.s32 s14, s31;
	v1 =	vld [tilespmem:$0xB0];
	s15 =	smul.f32 $2.441406250e-04, s15  }
0x6b: {  	s14 =	smax.u32 s14, $0x1;
	v2 =	vld [tilespmem:$0xD0]  }
0x6c: {  	p0 =	sne.s32 s14, $0x1;
	v7 =	vld [tilespmem:$0xE0];
	s15 =	smul.f32 $9.959206870e+05, s15  }
.Ltmp0:
0x6d: {  	_ = 	snop;
	(pc) =	sbr.rel @!p0 .LBB2_2-.Ltmp0, $4  }
0x6e: {  	v8 =	vadd.f32 s15, v3;
	v0 =	vadd.f32 s15, v0  }
0x6f: {  	v5 =	vadd.f32 s15, v5;
	v3 =	vadd.f32 s15, v1  }
0x70: {  	v1 =	vadd.f32 s15, v6;
	v2 =	vadd.f32 s15, v2;
	[tilespmem:$0x80] =	vst v8  }
0x71: {  	s14 =	sadd.s32 $0xFFFFFFFF, s14;
	v4 =	vadd.f32 s15, v4;
	[tilespmem:$0xA0] =	vst v5;
	v5 =	vadd.f32 s15, v7  }
.LBB2_1:
0x72: {  	p0 =	sne.s32 s14, $0x1;
	s14 =	sadd.s32 $0xFFFFFFFF, s14;
	[tilespmem:$0xB0] =	vst v3  }
0x73: {  	[tilespmem:$0xE0] =	vst v5  }
0x74: {  	[tilespmem:$0xF0] =	vst v4  }
0x75: {  	[tilespmem:$0xD0] =	vst v2  }
0x76: {  	[tilespmem:$0xC0] =	vst v1  }
0x77: {  	[tilespmem:$0x90] =	vst v0  }
0x78: {  	[hbm4b:s2+s4] =	stream.indirect.scatter [tilespmem:s4], [sflag:$0x1], $0x1, s3, s4, $0xb8;
	[tilespmem:$0x380] =	vst v63  }
0x79: {  	_ =	swait.ge [sflag:s5], $0x80  }
0x7a: {  	[sflag:s5] =	ssyncset.done $0x0  }
0x7b: {  	[sflag:s5] =	ssyncadd.s32 $0xFFFFFF80  }
0x7c: {  	[tilespmem:s3], [sflag:$0x1] =	stream.linear.gather [hbm4b:s6+s3], $0x80, $0x38;
	[tilespmem:$0x380] =	vst v63  }
0x7d: {  	_ = 	snop  }
0x7e: {  	[tilespmem:s4], [sflag:$0x2] =	stream.linear.gather [hbm4b:s7+s3], $0x80, $0x38;
	[tilespmem:$0x380] =	vst v63  }
0x7f: {  	_ = 	snop  }
0x80: {  	[tilespmem:s9], [sflag:$0x3] =	stream.linear.gather [hbm4b:s8+s3], $0x80, $0x38;
	[tilespmem:$0x380] =	vst v63  }
0x81: {  	_ = 	snop  }
0x82: {  	[tilespmem:s11], [sflag:$0x3] =	stream.linear.gather [hbm4b:s10+s3], $0x200, $0x38;
	[tilespmem:$0x380] =	vst v63  }
0x83: {  	_ =	swait.ge [sflag:s5], $0x80  }
0x84: {  	[sflag:s5] =	ssyncset.done $0x0  }
0x85: {  	[sflag:s5] =	ssyncadd.s32 $0xFFFFFF80  }
0x86: {  	_ =	swait.ge [sflag:s12], $0x80  }
0x87: {  	[sflag:s12] =	ssyncset.done $0x0  }
0x88: {  	[sflag:s12] =	ssyncadd.s32 $0xFFFFFF80  }
0x89: {  	_ =	swait.ge [sflag:s13], $0x80  }
0x8a: {  	[sflag:s13] =	ssyncset.done $0x0  }
0x8b: {  	[sflag:s13] =	ssyncadd.s32 $0xFFFFFF80  }
0x8c: {  	_ =	swait.ge [sflag:s13], $0x200  }
0x8d: {  	[sflag:s13] =	ssyncset.done $0x0  }
0x8e: {  	[sflag:s13] =	ssyncadd.s32 $0xFFFFFE00  }
0x8f: {  	v0 =	vld [tilespmem:$0x180]  }
0x90: {  	v1 =	vld [tilespmem:$0x190]  }
0x91: {  	v2 =	vld [tilespmem:$0x1A0]  }
0x92: {  	v3 =	vld [tilespmem:$0x110]  }
0x93: {  	v4 =	vld [tilespmem:$0x1B0];
	_ =	sdelay $0x1  }
0x94: {  	v0 =	vadd.f32 v1, v0;
	v1 =	vld [tilespmem:$0x1C0];
	_ =	sdelay $0x1  }
0x95: {  	v0 =	vadd.f32 v2, v0;
	v2 =	vld [tilespmem:$0x1D0];
	(v2sf) =	vpush v3, $0x0;
	_ =	sdelay $0x1  }
0x96: {  	v0 =	vadd.f32 v4, v0;
	v3 =	vld [tilespmem:$0x1E0];
	_ =	sdelay $0x1  }
0x97: {  	v0 =	vadd.f32 v1, v0;
	v1 =	vld [tilespmem:$0x1F0];
	_ =	sdelay $0x1  }
0x98: {  	v0 =	vadd.f32 v2, v0;
	v2 =	vld [tilespmem:$0x200];
	_ =	sdelay $0x1  }
0x99: {  	v0 =	vadd.f32 v3, v0;
	v3 =	vld [tilespmem:$0x210];
	_ =	sdelay $0x1  }
0x9a: {  	v0 =	vadd.f32 v1, v0;
	v1 =	vld [tilespmem:$0x220];
	_ =	sdelay $0x1  }
0x9b: {  	v0 =	vadd.f32 v2, v0;
	v2 =	vld [tilespmem:$0x230];
	_ =	sdelay $0x1  }
0x9c: {  	v0 =	vadd.f32 v3, v0;
	v3 =	vld [tilespmem:$0x240]  }
0x9d: {  	s15 =	spop (v2sf)  }
0x9e: {  	v0 =	vadd.f32 v1, v0;
	v1 =	vld [tilespmem:$0x250];
	_ =	sdelay $0x1  }
0x9f: {  	v0 =	vadd.f32 v2, v0;
	v2 =	vld [tilespmem:$0x260];
	_ =	sdelay $0x1  }
0xa0: {  	v0 =	vadd.f32 v3, v0;
	v3 =	vld [tilespmem:$0x270];
	_ =	sdelay $0x1  }
0xa1: {  	v0 =	vadd.f32 v1, v0;
	v1 =	vld [tilespmem:$0x280];
	_ =	sdelay $0x1  }
0xa2: {  	v0 =	vadd.f32 v2, v0;
	v2 =	vld [tilespmem:$0x290];
	_ =	sdelay $0x1  }
0xa3: {  	v0 =	vadd.f32 v3, v0;
	v3 =	vld [tilespmem:$0x2A0];
	_ =	sdelay $0x1  }
0xa4: {  	v0 =	vadd.f32 v1, v0;
	v1 =	vld [tilespmem:$0x2B0];
	_ =	sdelay $0x1  }
0xa5: {  	v0 =	vadd.f32 v2, v0;
	v2 =	vld [tilespmem:$0x2C0];
	_ =	sdelay $0x1  }
0xa6: {  	v0 =	vadd.f32 v3, v0;
	v3 =	vld [tilespmem:$0x2D0];
	_ =	sdelay $0x1  }
0xa7: {  	v0 =	vadd.f32 v1, v0;
	v1 =	vld [tilespmem:$0x2E0];
	_ =	sdelay $0x1  }
0xa8: {  	v0 =	vadd.f32 v2, v0;
	v2 =	vld [tilespmem:$0x2F0];
	_ =	sdelay $0x1  }
0xa9: {  	v0 =	vadd.f32 v3, v0;
	v3 =	vld [tilespmem:$0x300];
	_ =	sdelay $0x1  }
0xaa: {  	v0 =	vadd.f32 v1, v0;
	v1 =	vld [tilespmem:$0x310];
	_ =	sdelay $0x1  }
0xab: {  	v0 =	vadd.f32 v2, v0;
	v2 =	vld [tilespmem:$0x320];
	_ =	sdelay $0x1  }
0xac: {  	v0 =	vadd.f32 v3, v0;
	v3 =	vld [tilespmem:$0x330];
	_ =	sdelay $0x1  }
0xad: {  	v0 =	vadd.f32 v1, v0;
	v1 =	vld [tilespmem:$0x340];
	_ =	sdelay $0x1  }
0xae: {  	v0 =	vadd.f32 v2, v0;
	v2 =	vld [tilespmem:$0x350];
	_ =	sdelay $0x1  }
0xaf: {  	v0 =	vadd.f32 v3, v0;
	v3 =	vld [tilespmem:$0x360];
	_ =	sdelay $0x1  }
0xb0: {  	v0 =	vadd.f32 v1, v0;
	v1 =	vld [tilespmem:$0x370];
	_ =	sdelay $0x1  }
0xb1: {  	v0 =	vadd.f32 v2, v0;
	_ =	sdelay $0x1  }
0xb2: {  	v0 =	vadd.f32 v3, v0;
	_ =	sdelay $0x1  }
0xb3: {  	v0 =	vadd.f32 v1, v0;
	_ =	sdelay $0x1  }
0xb4: {  	(xrf2) =	vadd.scan.msk.f32 $0xffff, v0;
	_ =	sdelay $0x3  }
0xb5: {  	v0 =	vld [tilespmem:$0x100];
	_ =	sdelay $0x4  }
0xb6: {  	(v2sf) =	vpush v0, $0x0  }
0xb7: {  	v0, _, _ =	vpop (xrf2)  }
0xb8: {  	(v2sf) =	vpush v0, $0xF;
	_ =	sdelay $0xc  }
0xb9: {  	s16 =	spop (v2sf);
	_ =	sdelay $0x1  }
0xba: {  	s17 =	spop (v2sf)  }
0xbb: {  	s16 =	sadd.f32 s17, s16;
	_ =	sdelay $0x1  }
0xbc: {  	s16 =	smul.f32 $6.103515630e-05, s16  }
0xbd: {  	s15 =	smul.f32 $5.000000000e-01, s15;
	v4 =	vld [tilespmem:$0xF0]  }
0xbe: {  	s16 =	smul.f32 $5.000000000e-01, s16;
	v2 =	vld [tilespmem:$0xD0]  }
0xbf: {  	v1 =	vld [tilespmem:$0xB0]  }
0xc0: {  	s15 =	sadd.f32 s16, s15;
	v0 =	vld [tilespmem:$0x90]  }
0xc1: {  	v3 =	vld [tilespmem:$0x80]  }
0xc2: {  	s15 =	smul.f32 $2.441406250e-04, s15;
	v5 =	vld [tilespmem:$0xA0]  }
0xc3: {  	v6 =	vld [tilespmem:$0xC0]  }
0xc4: {  	s15 =	smul.f32 $9.959206870e+05, s15;
	v7 =	vld [tilespmem:$0xE0]  }
.Ltmp1:
0xc5: {  	(pc) =	sbr.rel @p0 .LBB2_1-.Ltmp1, $4  }
0xc6: {  	v8 =	vadd.f32 s15, v3;
	v0 =	vadd.f32 s15, v0  }
0xc7: {  	v3 =	vadd.f32 s15, v1;
	v5 =	vadd.f32 s15, v5  }
0xc8: {  	v2 =	vadd.f32 s15, v2;
	[tilespmem:$0x80] =	vst v8;
	v1 =	vadd.f32 s15, v6  }
0xc9: {  	v4 =	vadd.f32 s15, v4;
	[tilespmem:$0xA0] =	vst v5;
	v5 =	vadd.f32 s15, v7  }
.LBB2_2:
0xca: {  	[tilespmem:$0xB0] =	vst v3  }
0xcb: {  	[tilespmem:$0xD0] =	vst v2  }
0xcc: {  	[tilespmem:$0xC0] =	vst v1  }
0xcd: {  	[tilespmem:$0x90] =	vst v0  }
0xce: {  	[tilespmem:$0xE0] =	vst v5  }
0xcf: {  	[tilespmem:$0xF0] =	vst v4  }
0xd0: {  	[hbm4b:s2+s4] =	stream.indirect.scatter [tilespmem:s4], [sflag:$0x1], $0x1, s3, s4, $0xb8;
	[tilespmem:$0x380] =	vst v63  }
0xd1: {  	_ =	swait.ge [sflag:s5], $0x80  }
0xd2: {  	[sflag:s5] =	ssyncset.done $0x0  }
0xd3: {  	[sflag:s5] =	ssyncadd.s32 $0xFFFFFF80  }
0xd4: {  	_ =	sfence.sel $0x180000  }
0xd5: {  	[bflag:$0x0] =	sbarrier.arrive $0xFFFF  }
0xd6: {  	p0 =	sne.s32 s1, $0x0;
	_ =	strace $0x9000004A  }
0xd7: {  	s0 =	sadd.s32 @!p0 $0x100000, s0;
	[bflag:$0x2] =	sbarrier.arrive $0xFFFF  }
0xd8: {  	[sflag:s0] =	ssyncadd.tile.s32 @!p0 $0x1;
	_ =	shalt  }
.Lfunc_end2:
_tile_overlayer_lowered:
.L_overlay_start_2:
0xd9: {  	(tag) =	ssettag $0x2  }
0xda: {  	s0 =	rddreg [dreg:$0x0];
	s2 =	stileid.u32  }
0xdb: {  	s1 =	rddreg [dreg:$0x1];
	p0 =	sne.s32 s2, $0x0  }
0xdc: {  	s3 =	rddreg [dreg:$0x2];
	[bflag:$0x3] =	sbarrier.arrive $0xFFFF;
	s2 =	simm.s32 @!p0 $0x1C04  }
0xdd: {  	[timem:s3], [sflag:s2] =	dma.local @!p0 [hbm:s0], s1  }
0xde: {  	s0 =	simm.s32 @!p0 $0x4  }
0xdf: {  	_ =	swait.ge @!p0 [sflag:s0], s1  }
0xe0: {  	s1 =	ssub.s32 @!p0 $0x0, s1;
	[sflag:s0] =	ssyncset.done @!p0 $0x0  }
0xe1: {  	[sflag:s0] =	ssyncadd.s32 @!p0 s1  }
0xe2: {  	[bflag:$0x3] =	sbarrier.arrive $0xFFFF  }
0xe3: {  	_ =	shalt  }

</sc_bundles>
